<compile_context>
chip_gen: v7x
topology: tpu7x:2x2x1
jax: 0.10.2.dev20260603
libtpu: 0.0.44.dev20260713+nightly
codegen_flags: <defaults>
</compile_context>

<pallas_src>
import functools

import jax
import jax.numpy as jnp
from jax import lax
from jax.experimental import pallas as pl
from jax.experimental.pallas import tpu as pltpu
from jax.experimental.pallas import tpu_sc as plsc

N = 10000
E = 320000
F_IN = 128
H = 128
L = 64
B = 256
EPS = 1e-5

NC = 2
NS = 16
RPT0 = 624

CHUNK = 128
CPB = 16
NB = 5
DCPB = 16
DNB = 5
EPTS = NB * CPB * CHUNK
E2 = EPTS * NC * NS
NM = N
JCNT = float(E2 - E)
RLAST2 = NM - RPT0 * (NS - 1)


def _deg_kernel():
    mesh = plsc.VectorSubcoreMesh(core_axis_name="c", subcore_axis_name="s")

    @functools.partial(
        pl.kernel,
        out_type=jax.ShapeDtypeStruct((NC, NM, H), jnp.float32),
        mesh=mesh,
        scratch_types=[
            pltpu.VMEM((DCPB, CHUNK), jnp.int32),
            pltpu.VMEM((CHUNK, H), jnp.float32),
            pltpu.VMEM_SHARED((NM, H), jnp.float32),
            pltpu.SemaphoreType.DMA,
        ],
    )
    def deg(dst_hbm, zeros_hbm, ones_hbm, out_hbm, dsti, onesv, degs, sem):
        c = lax.axis_index("c")
        s = lax.axis_index("s")
        _for_stripe2(s, lambda sl: pltpu.sync_copy(zeros_hbm.at[sl],
                                                   degs.at[sl]))
        pltpu.sync_copy(ones_hbm, onesv)
        plsc.subcore_barrier()

        @pl.loop(0, DNB)
        def _(b):
            pltpu.sync_copy(dst_hbm.at[c, s, b], dsti)
            for i in range(DCPB):
                pltpu.async_copy(onesv, degs.at[dsti.at[i]], sem,
                                 add=True)
            for i in range(DCPB):
                pltpu.make_async_copy(onesv, degs.at[dsti.at[i]],
                                      sem).wait()

        plsc.subcore_barrier()
        _for_stripe2(s, lambda sl: pltpu.sync_copy(degs.at[sl],
                                                   out_hbm.at[c, sl]))

    return deg


def _for_stripe2(s, fn):
    @pl.when(s < NS - 1)
    def _():
        fn(pl.ds(s * RPT0, RPT0))

    @pl.when(s == NS - 1)
    def _():
        fn(pl.ds(RPT0 * (NS - 1), RLAST2))


def _prop_kernel():
    mesh = plsc.VectorSubcoreMesh(core_axis_name="c", subcore_axis_name="s")

    @functools.partial(
        pl.kernel,
        out_type=jax.ShapeDtypeStruct((NC, NM, H), jnp.float32),
        mesh=mesh,
        scratch_types=[
            pltpu.VMEM((CPB, CHUNK), jnp.int32),
            pltpu.VMEM((CPB, CHUNK), jnp.int32),
            pltpu.VMEM((CHUNK, H), jnp.float32),
            pltpu.VMEM((CHUNK, H), jnp.float32),
            pltpu.VMEM_SHARED((NM, H), jnp.float32),
            pltpu.SemaphoreType.DMA,
            pltpu.SemaphoreType.DMA,
        ],
    )
    def prop(y_hbm, src_hbm, dst_hbm, zeros_hbm, out_hbm,
             srci, dsti, buf0, buf1, agg, sem0, sem1):
        c = lax.axis_index("c")
        s = lax.axis_index("s")
        _for_stripe2(s, lambda sl: pltpu.sync_copy(zeros_hbm.at[sl],
                                                   agg.at[sl]))
        plsc.subcore_barrier()

        @pl.loop(0, NB)
        def _(b):
            pltpu.sync_copy(src_hbm.at[c, s, b], srci)
            pltpu.sync_copy(dst_hbm.at[c, s, b], dsti)
            pltpu.async_copy(y_hbm.at[srci.at[0]], buf0, sem0)
            for i in range(0, CPB, 2):
                pltpu.async_copy(y_hbm.at[srci.at[i + 1]], buf1, sem1)
                pltpu.make_async_copy(y_hbm.at[srci.at[i]], buf0,
                                      sem0).wait()
                pltpu.sync_copy(buf0, agg.at[dsti.at[i]], add=True)
                if i + 2 < CPB:
                    pltpu.async_copy(y_hbm.at[srci.at[i + 2]], buf0, sem0)
                pltpu.make_async_copy(y_hbm.at[srci.at[i + 1]], buf1,
                                      sem1).wait()
                pltpu.sync_copy(buf1, agg.at[dsti.at[i + 1]], add=True)

        plsc.subcore_barrier()
        _for_stripe2(s, lambda sl: pltpu.sync_copy(agg.at[sl],
                                                   out_hbm.at[c, sl]))

    return prop


_DEG = _deg_kernel()
_PROP = _prop_kernel()


def _row0_mask():
    return (lax.broadcasted_iota(jnp.int32, (N, 1), 0) == 0).astype(
        jnp.float32)


def _tc_first(x_ref, w_ref, deg_ref, y_ref, dinv_ref):
    deg = (deg_ref[0, :N, 0:1] + deg_ref[1, :N, 0:1]
           - JCNT * _row0_mask())
    dinv = lax.rsqrt(deg + 1.0)
    dinv_ref[...] = dinv
    y_ref[...] = jnp.dot(x_ref[...], w_ref[...],
                         preferred_element_type=jnp.float32) * dinv


def _tc_mid(z_ref, y_ref, dinv_ref, b_ref, w_ref, y_out_ref, zy_ref):
    dinv = dinv_ref[...]
    y = y_ref[...]
    zy = (z_ref[0, :N] + z_ref[1, :N] + y
          - (JCNT * _row0_mask()) * y[0:1, :])
    zy_ref[...] = zy
    h = jnp.maximum(zy * dinv + b_ref[...], 0.0)
    y_out_ref[...] = jnp.dot(h, w_ref[...],
                             preferred_element_type=jnp.float32) * dinv


def _tc_head(zy_ref, dinv_ref, b_ref, batch_ref, spp_ref,
             ws1_ref, bs1_ref, ws2_ref, bs2_ref, ws3_ref, bs3_ref,
             wm1_ref, bm1_ref, wm2_ref, bm2_ref,
             wp1_ref, bp1_ref, wp2_ref, bp2_ref,
             score_ref, mol_ref, site_ref):
    dinv = dinv_ref[...]
    h = jnp.maximum(zy_ref[...] * dinv + b_ref[...], 0.0)

    bt = jnp.broadcast_to(batch_ref[...], (B, N))
    ids = lax.broadcasted_iota(jnp.int32, (B, N), 0)
    onehot = (ids == bt).astype(jnp.float32)
    sums = jnp.dot(onehot, h, preferred_element_type=jnp.float32)
    cnts = jnp.dot(onehot, jnp.ones((N, 1), jnp.float32),
                   preferred_element_type=jnp.float32)
    pooled = sums / jnp.maximum(cnts, 1.0)

    m = jnp.maximum(
        jnp.dot(pooled, wm1_ref[...],
                preferred_element_type=jnp.float32) + bm1_ref[...], 0.0)
    mol = jnp.dot(m, wm2_ref[...],
                  preferred_element_type=jnp.float32) + bm2_ref[...]
    mol_ref[...] = mol

    s1 = jnp.maximum(
        jnp.dot(spp_ref[...], ws1_ref[...],
                preferred_element_type=jnp.float32) + bs1_ref[...], 0.0)
    s2 = jnp.maximum(
        jnp.dot(s1, ws2_ref[...],
                preferred_element_type=jnp.float32) + bs2_ref[...], 0.0)
    s3 = jnp.dot(s2, ws3_ref[...],
                 preferred_element_type=jnp.float32) + bs3_ref[...]
    site = s3[0:1, :]
    site_ref[...] = site

    comb = jnp.concatenate(
        [mol, jnp.broadcast_to(site, (B, L))], axis=1)
    u = jnp.maximum(
        jnp.dot(comb, wp1_ref[...],
                preferred_element_type=jnp.float32) + bp1_ref[...], 0.0)
    v = jnp.dot(u, wp2_ref[...],
                preferred_element_type=jnp.float32) + bp2_ref[...]
    score_ref[...] = 1.0 / (1.0 + jnp.exp(-v))


def kernel(x, edge_index, batch, site_profile, W1, b1, W2, b2, W3, b3,
           g1, be1, g2, be2, g3, be3, Wm1, bm1, Wm2, bm2,
           Ws1, bs1, Ws2, bs2, Ws3, bs3, Wp1, bp1, Wp2, bp2):
    f32 = jnp.float32
    src = edge_index[0]
    dst = edge_index[1]
    pad = E2 - E
    srcp = jnp.concatenate([src, jnp.zeros((pad,), jnp.int32)])
    dstp = jnp.concatenate([dst, jnp.zeros((pad,), jnp.int32)])
    src_r = srcp.reshape(NC, NS, NB, CPB, CHUNK)
    dst_r = dstp.reshape(NC, NS, NB, CPB, CHUNK)
    dstd_r = dstp.reshape(NC, NS, DNB, DCPB, CHUNK)
    zeros_nh = jnp.zeros((NM, H), f32)
    ones_ch = jnp.ones((CHUNK, H), f32)

    def fold(W, b, g, be):
        s = g * (1.0 / jnp.sqrt(1.0 + EPS))
        return W * s[None, :], (b * s + be)[None, :]

    W1p, b1p = fold(W1, b1, g1, be1)
    W2p, b2p = fold(W2, b2, g2, be2)
    W3p, b3p = fold(W3, b3, g3, be3)

    deg2 = _DEG(dstd_r, zeros_nh, ones_ch)

    y1, dinv = pl.pallas_call(
        _tc_first,
        out_shape=[jax.ShapeDtypeStruct((N, H), f32),
                   jax.ShapeDtypeStruct((N, 1), f32)],
    )(x, W1p, deg2)

    Ws = jnp.stack([W2p, W3p, jnp.zeros((H, H), f32)])
    bs = jnp.stack([b1p, b2p, b3p])

    def layer(carry, wb):
        y = carry
        w_next, b_cur = wb
        z = _PROP(y, src_r, dst_r, zeros_nh)
        y_next, zy = pl.pallas_call(
            _tc_mid,
            out_shape=[jax.ShapeDtypeStruct((N, H), f32),
                       jax.ShapeDtypeStruct((N, H), f32)],
        )(z, y, dinv, b_cur, w_next)
        return y_next, zy

    _, zys = lax.scan(layer, y1, (Ws, bs))
    zy3 = zys[2]

    spp = jnp.zeros((8, F_IN), f32).at[0, :9].set(site_profile)
    ws1p = jnp.zeros((F_IN, 64), f32).at[:9, :].set(Ws1)

    score, mol, site = pl.pallas_call(
        _tc_head,
        out_shape=[jax.ShapeDtypeStruct((B, 1), f32),
                   jax.ShapeDtypeStruct((B, L), f32),
                   jax.ShapeDtypeStruct((1, L), f32)],
    )(zy3, dinv, b3p, batch.reshape(1, N), spp,
      ws1p, bs1.reshape(1, 64), Ws2, bs2.reshape(1, 128),
      Ws3, bs3.reshape(1, L),
      Wm1, bm1.reshape(1, H), Wm2, bm2.reshape(1, L),
      Wp1, bp1.reshape(1, 64), Wp2, bp2.reshape(1, 1))

    return (score, mol, site.reshape(L))

# --- scband reference (transcript-rebuilt; emitter-appended) ---
"""Pipeline reference for scband-binding-affinity-predictor-68779606278871 (READ-ONLY COPY).

The authoritative reference and input builder live on the scoring server;
editing this copy changes nothing except your own understanding.
"""

import jax, jax.numpy as jnp
import numpy as np

N = 10000
E = 320000
F_IN = 128
H = 128
L = 64
B = 256
EPS = 1e-5


def setup_inputs(seed: int = 0) -> dict:
    key = jax.random.key(seed)
    ks = jax.random.split(key, 32)

    def w(i, shape, s=0.05):
        return jax.random.normal(ks[i], shape, jnp.float32) * s

    inp = {}
    inp["x"] = jax.random.normal(ks[0], (N, F_IN), jnp.float32)
    inp["edge_index"] = jax.random.randint(ks[1], (2, E), 0, N, dtype=jnp.int32)
    inp["batch"] = jnp.sort(jax.random.randint(ks[2], (N,), 0, B, dtype=jnp.int32))
    inp["site_profile"] = jax.random.normal(ks[3], (9,), jnp.float32)
    inp["W1"] = w(4, (F_IN, H)); inp["b1"] = jnp.zeros((H,), jnp.float32)
    inp["W2"] = w(5, (H, H)); inp["b2"] = jnp.zeros((H,), jnp.float32)
    inp["W3"] = w(6, (H, H)); inp["b3"] = jnp.zeros((H,), jnp.float32)
    inp["g1"] = jnp.ones((H,), jnp.float32); inp["be1"] = jnp.zeros((H,), jnp.float32)
    inp["g2"] = jnp.ones((H,), jnp.float32); inp["be2"] = jnp.zeros((H,), jnp.float32)
    inp["g3"] = jnp.ones((H,), jnp.float32); inp["be3"] = jnp.zeros((H,), jnp.float32)
    inp["Wm1"] = w(7, (H, H)); inp["bm1"] = jnp.zeros((H,), jnp.float32)
    inp["Wm2"] = w(8, (H, L)); inp["bm2"] = jnp.zeros((L,), jnp.float32)
    inp["Ws1"] = w(9, (9, 64)); inp["bs1"] = jnp.zeros((64,), jnp.float32)
    inp["Ws2"] = w(10, (64, 128)); inp["bs2"] = jnp.zeros((128,), jnp.float32)
    inp["Ws3"] = w(11, (128, L)); inp["bs3"] = jnp.zeros((L,), jnp.float32)
    inp["Wp1"] = w(12, (2 * L, 64)); inp["bp1"] = jnp.zeros((64,), jnp.float32)
    inp["Wp2"] = w(13, (64, 1)); inp["bp2"] = jnp.zeros((1,), jnp.float32)
    return inp


def _gcn(x, W, b, src, dst, norm):
    h = x @ W
    msg = h[src] * norm[:, None]
    agg = jax.ops.segment_sum(msg, dst, num_segments=N)
    return agg + b


def _bn_eval(x, gamma, beta):
    # fresh module: running_mean=0, running_var=1
    return x * (gamma / jnp.sqrt(1.0 + EPS)) + beta


def reference(x, edge_index, batch, site_profile,
              W1, b1, W2, b2, W3, b3,
              g1, be1, g2, be2, g3, be3,
              Wm1, bm1, Wm2, bm2,
              Ws1, bs1, Ws2, bs2, Ws3, bs3,
              Wp1, bp1, Wp2, bp2):
    # GCNConv normalization with self-loops: D^{-1/2}(A+I)D^{-1/2}
    loops = jnp.arange(N, dtype=edge_index.dtype)
    src = jnp.concatenate([edge_index[0], loops])
    dst = jnp.concatenate([edge_index[1], loops])
    deg = jax.ops.segment_sum(jnp.ones_like(dst, dtype=jnp.float32), dst, num_segments=N)
    dinv = jnp.where(deg > 0, 1.0 / jnp.sqrt(deg), 0.0)
    norm = dinv[src] * dinv[dst]

    h = x
    for (W, b, g, be) in ((W1, b1, g1, be1), (W2, b2, g2, be2), (W3, b3, g3, be3)):
        h = _gcn(h, W, b, src, dst, norm)
        h = _bn_eval(h, g, be)
        h = jax.nn.relu(h)
        # dropout is identity in eval mode

    sums = jax.ops.segment_sum(h, batch, num_segments=B)
    cnts = jax.ops.segment_sum(jnp.ones((N,), jnp.float32), batch, num_segments=B)
    pooled = sums / jnp.clip(cnts, 1.0)[:, None]

    mol_latent = jax.nn.relu(pooled @ Wm1 + bm1) @ Wm2 + bm2

    s = jax.nn.relu(site_profile @ Ws1 + bs1)
    s = jax.nn.relu(s @ Ws2 + bs2)
    site_latent = s @ Ws3 + bs3

    combined = jnp.concatenate([mol_latent, jnp.broadcast_to(site_latent, (B, L))], axis=1)
    score = jax.nn.sigmoid(jax.nn.relu(combined @ Wp1 + bp1) @ Wp2 + bp2)
    return (score, mol_latent, site_latent)

if __name__ == "__main__":
    import jax
    _d = setup_inputs()
    print(jax.jit(kernel)(*tuple(_d.values())))

</pallas_src>

<mosaic_0001>
#map = affine_map<(d0, d1) -> (0, 0)>
#map1 = affine_map<(d0, d1) -> (0, 0, 0, 0, 0)>
#map2 = affine_map<(d0, d1) -> (0, 0, 0)>
module attributes {stable_mosaic.version = 14 : i64} {
  func.func @prop(%arg0: i32, %arg1: i32, %arg2: memref<10000x128xf32, #tpu.memory_space<hbm>>, %arg3: memref<2x16x5x16x128xi32, #tpu.memory_space<hbm>>, %arg4: memref<2x16x5x16x128xi32, #tpu.memory_space<hbm>>, %arg5: memref<10000x128xf32, #tpu.memory_space<hbm>>, %arg6: memref<2x10000x128xf32, #tpu.memory_space<hbm>>, %arg7: memref<16x128xi32, #tpu.memory_space<vmem>>, %arg8: memref<16x128xi32, #tpu.memory_space<vmem>>, %arg9: memref<128x128xf32, #tpu.memory_space<vmem>>, %arg10: memref<128x128xf32, #tpu.memory_space<vmem>>, %arg11: memref<10000x128xf32, #tpu.memory_space<vmem_shared>>, %arg12: memref<!tpu.dma_semaphore, #tpu.memory_space<semaphore_mem>>, %arg13: memref<!tpu.dma_semaphore, #tpu.memory_space<semaphore_mem>>) attributes {dimension_semantics = [#tpu.dimension_semantics<core_parallel>, #tpu.dimension_semantics<subcore_parallel>], iteration_bounds = array<i64: 2, 16>, scalar_prefetch = 0 : i64, scratch_operands = 7 : i64, tpu.core_type = #tpu.core_type<sc_vector_subcore>, window_params = [{transform_indices = #map}, {transform_indices = #map1}, {transform_indices = #map1}, {transform_indices = #map}, {transform_indices = #map2}]} {
    %lt3A = arith.constant 15 : i32
    %lt3A_0 = arith.cmpi slt, %arg1, %lt3A : i32
    %convert_element_type3A = arith.extui %lt3A_0 : i1 to i32
    %cond3A = arith.constant 0 : i32
    %cond3A_1 = arith.cmpi ne, %convert_element_type3A, %cond3A : i32
    scf.if %cond3A_1 {
      %mul3A = arith.constant 624 : i32
      %mul3A_21 = arith.muli %arg1, %mul3A : i32
      "tpu.region"() ({
        %run_scoped3A = tpu.sem_alloc : memref<!tpu.dma_semaphore, #tpu.memory_space<semaphore_mem>>
        %dma_start3A = arith.constant 0 : i32
        %dma_start3A_22 = tpu.memref_slice %arg11[%mul3A_21, %dma_start3A] : memref<10000x128xf32, #tpu.memory_space<vmem_shared>> -> memref<624x128xf32, #tpu.memory_space<vmem_shared>>
        %dma_start3A_23 = arith.constant 0 : i32
        %dma_start3A_24 = tpu.memref_slice %arg5[%mul3A_21, %dma_start3A_23] : memref<10000x128xf32, #tpu.memory_space<hbm>> -> memref<624x128xf32, #tpu.memory_space<hbm>>
        tpu.enqueue_dma source(%dma_start3A_24 : memref<624x128xf32, #tpu.memory_space<hbm>>) target(%dma_start3A_22 : memref<624x128xf32, #tpu.memory_space<vmem_shared>>) target_semaphore(%run_scoped3A : memref<!tpu.dma_semaphore, #tpu.memory_space<semaphore_mem>>)
        %dma_wait3A = arith.constant 0 : i32
        %dma_wait3A_25 = tpu.memref_slice %arg11[%mul3A_21, %dma_wait3A] : memref<10000x128xf32, #tpu.memory_space<vmem_shared>> -> memref<624x128xf32, #tpu.memory_space<vmem_shared>>
        %dma_wait3A_26 = arith.constant 0 : i32
        %dma_wait3A_27 = tpu.memref_slice %arg5[%mul3A_21, %dma_wait3A_26] : memref<10000x128xf32, #tpu.memory_space<hbm>> -> memref<624x128xf32, #tpu.memory_space<hbm>>
        tpu.wait_dma2 semaphore(%run_scoped3A : memref<!tpu.dma_semaphore, #tpu.memory_space<semaphore_mem>>) src(%dma_wait3A_27 : memref<624x128xf32, #tpu.memory_space<hbm>>) dst(%dma_wait3A_25 : memref<624x128xf32, #tpu.memory_space<vmem_shared>>)
        tpu.yield
      }) : () -> ()
    } else {
    }
    %eq3A = arith.constant 15 : i32
    %eq3A_2 = arith.cmpi eq, %arg1, %eq3A : i32
    %convert_element_type3A_3 = arith.extui %eq3A_2 : i1 to i32
    %cond3A_4 = arith.constant 0 : i32
    %cond3A_5 = arith.cmpi ne, %convert_element_type3A_3, %cond3A_4 : i32
    scf.if %cond3A_5 {
      "tpu.region"() ({
        %run_scoped3A = tpu.sem_alloc : memref<!tpu.dma_semaphore, #tpu.memory_space<semaphore_mem>>
        %dma_start3A = arith.constant 9360 : i32
        %dma_start3A_21 = arith.constant 0 : i32
        %dma_start3A_22 = tpu.memref_slice %arg11[%dma_start3A, %dma_start3A_21] : memref<10000x128xf32, #tpu.memory_space<vmem_shared>> -> memref<640x128xf32, #tpu.memory_space<vmem_shared>>
        %dma_start3A_23 = arith.constant 9360 : i32
        %dma_start3A_24 = arith.constant 0 : i32
        %dma_start3A_25 = tpu.memref_slice %arg5[%dma_start3A_23, %dma_start3A_24] : memref<10000x128xf32, #tpu.memory_space<hbm>> -> memref<640x128xf32, #tpu.memory_space<hbm>>
        tpu.enqueue_dma source(%dma_start3A_25 : memref<640x128xf32, #tpu.memory_space<hbm>>) target(%dma_start3A_22 : memref<640x128xf32, #tpu.memory_space<vmem_shared>>) target_semaphore(%run_scoped3A : memref<!tpu.dma_semaphore, #tpu.memory_space<semaphore_mem>>)
        %dma_wait3A = arith.constant 9360 : i32
        %dma_wait3A_26 = arith.constant 0 : i32
        %dma_wait3A_27 = tpu.memref_slice %arg11[%dma_wait3A, %dma_wait3A_26] : memref<10000x128xf32, #tpu.memory_space<vmem_shared>> -> memref<640x128xf32, #tpu.memory_space<vmem_shared>>
        %dma_wait3A_28 = arith.constant 9360 : i32
        %dma_wait3A_29 = arith.constant 0 : i32
        %dma_wait3A_30 = tpu.memref_slice %arg5[%dma_wait3A_28, %dma_wait3A_29] : memref<10000x128xf32, #tpu.memory_space<hbm>> -> memref<640x128xf32, #tpu.memory_space<hbm>>
        tpu.wait_dma2 semaphore(%run_scoped3A : memref<!tpu.dma_semaphore, #tpu.memory_space<semaphore_mem>>) src(%dma_wait3A_30 : memref<640x128xf32, #tpu.memory_space<hbm>>) dst(%dma_wait3A_27 : memref<640x128xf32, #tpu.memory_space<vmem_shared>>)
        tpu.yield
      }) : () -> ()
    } else {
    }
    %barrier3A = arith.constant 0 : index
    tpu.barrier barrier_id(%barrier3A)
    %scan3A = arith.constant 0 : i32
    %scan3A_6 = arith.constant 5 : i32
    %scan3A_7 = arith.addi %scan3A, %scan3A_6 : i32
    %scan3A_8 = arith.constant 1 : i32
    scf.for %scan3A_21 = %scan3A to %scan3A_7 step %scan3A_8  : i32 {
      %mul3A = arith.constant 1 : i32
      %mul3A_22 = arith.muli %scan3A_21, %mul3A : i32
      %add3A = arith.constant 0 : i32
      %add3A_23 = arith.addi %add3A, %mul3A_22 : i32
      "tpu.region"() ({
        %run_scoped3A_261 = tpu.sem_alloc : memref<!tpu.dma_semaphore, #tpu.memory_space<semaphore_mem>>
        %dma_start3A_262 = arith.constant 0 : i32
        %dma_start3A_263 = arith.constant 0 : i32
        %dma_start3A_264 = tpu.memref_slice %arg3[%arg0, %arg1, %add3A_23, %dma_start3A_262, %dma_start3A_263] : memref<2x16x5x16x128xi32, #tpu.memory_space<hbm>> -> memref<1x1x1x16x128xi32, #tpu.memory_space<hbm>>
        %dma_start3A_265 = tpu.memref_squeeze %dma_start3A_264 : memref<1x1x1x16x128xi32, #tpu.memory_space<hbm>> -> memref<16x128xi32, #tpu.memory_space<hbm>>
        %dma_start3A_266 = arith.constant 0 : i32
        %dma_start3A_267 = arith.constant 0 : i32
        %dma_start3A_268 = tpu.memref_slice %arg3[%arg0, %arg1, %add3A_23, %dma_start3A_266, %dma_start3A_267] : memref<2x16x5x16x128xi32, #tpu.memory_space<hbm>> -> memref<1x1x1x16x128xi32, #tpu.memory_space<hbm>>
        %dma_start3A_269 = tpu.memref_squeeze %dma_start3A_268 : memref<1x1x1x16x128xi32, #tpu.memory_space<hbm>> -> memref<16x128xi32, #tpu.memory_space<hbm>>
        tpu.enqueue_dma source(%dma_start3A_269 : memref<16x128xi32, #tpu.memory_space<hbm>>) target(%arg7 : memref<16x128xi32, #tpu.memory_space<vmem>>) target_semaphore(%run_scoped3A_261 : memref<!tpu.dma_semaphore, #tpu.memory_space<semaphore_mem>>)
        %dma_wait3A_270 = arith.constant 0 : i32
        %dma_wait3A_271 = arith.constant 0 : i32
        %dma_wait3A_272 = tpu.memref_slice %arg3[%arg0, %arg1, %add3A_23, %dma_wait3A_270, %dma_wait3A_271] : memref<2x16x5x16x128xi32, #tpu.memory_space<hbm>> -> memref<1x1x1x16x128xi32, #tpu.memory_space<hbm>>
        %dma_wait3A_273 = tpu.memref_squeeze %dma_wait3A_272 : memref<1x1x1x16x128xi32, #tpu.memory_space<hbm>> -> memref<16x128xi32, #tpu.memory_space<hbm>>
        %dma_wait3A_274 = arith.constant 0 : i32
        %dma_wait3A_275 = arith.constant 0 : i32
        %dma_wait3A_276 = tpu.memref_slice %arg3[%arg0, %arg1, %add3A_23, %dma_wait3A_274, %dma_wait3A_275] : memref<2x16x5x16x128xi32, #tpu.memory_space<hbm>> -> memref<1x1x1x16x128xi32, #tpu.memory_space<hbm>>
        %dma_wait3A_277 = tpu.memref_squeeze %dma_wait3A_276 : memref<1x1x1x16x128xi32, #tpu.memory_space<hbm>> -> memref<16x128xi32, #tpu.memory_space<hbm>>
        tpu.wait_dma2 semaphore(%run_scoped3A_261 : memref<!tpu.dma_semaphore, #tpu.memory_space<semaphore_mem>>) src(%dma_wait3A_277 : memref<16x128xi32, #tpu.memory_space<hbm>>) dst(%arg7 : memref<16x128xi32, #tpu.memory_space<vmem>>)
        tpu.yield
      }) : () -> ()
      "tpu.region"() ({
        %run_scoped3A_261 = tpu.sem_alloc : memref<!tpu.dma_semaphore, #tpu.memory_space<semaphore_mem>>
        %dma_start3A_262 = arith.constant 0 : i32
        %dma_start3A_263 = arith.constant 0 : i32
        %dma_start3A_264 = tpu.memref_slice %arg4[%arg0, %arg1, %add3A_23, %dma_start3A_262, %dma_start3A_263] : memref<2x16x5x16x128xi32, #tpu.memory_space<hbm>> -> memref<1x1x1x16x128xi32, #tpu.memory_space<hbm>>
        %dma_start3A_265 = tpu.memref_squeeze %dma_start3A_264 : memref<1x1x1x16x128xi32, #tpu.memory_space<hbm>> -> memref<16x128xi32, #tpu.memory_space<hbm>>
        %dma_start3A_266 = arith.constant 0 : i32
        %dma_start3A_267 = arith.constant 0 : i32
        %dma_start3A_268 = tpu.memref_slice %arg4[%arg0, %arg1, %add3A_23, %dma_start3A_266, %dma_start3A_267] : memref<2x16x5x16x128xi32, #tpu.memory_space<hbm>> -> memref<1x1x1x16x128xi32, #tpu.memory_space<hbm>>
        %dma_start3A_269 = tpu.memref_squeeze %dma_start3A_268 : memref<1x1x1x16x128xi32, #tpu.memory_space<hbm>> -> memref<16x128xi32, #tpu.memory_space<hbm>>
        tpu.enqueue_dma source(%dma_start3A_269 : memref<16x128xi32, #tpu.memory_space<hbm>>) target(%arg8 : memref<16x128xi32, #tpu.memory_space<vmem>>) target_semaphore(%run_scoped3A_261 : memref<!tpu.dma_semaphore, #tpu.memory_space<semaphore_mem>>)
        %dma_wait3A_270 = arith.constant 0 : i32
        %dma_wait3A_271 = arith.constant 0 : i32
        %dma_wait3A_272 = tpu.memref_slice %arg4[%arg0, %arg1, %add3A_23, %dma_wait3A_270, %dma_wait3A_271] : memref<2x16x5x16x128xi32, #tpu.memory_space<hbm>> -> memref<1x1x1x16x128xi32, #tpu.memory_space<hbm>>
        %dma_wait3A_273 = tpu.memref_squeeze %dma_wait3A_272 : memref<1x1x1x16x128xi32, #tpu.memory_space<hbm>> -> memref<16x128xi32, #tpu.memory_space<hbm>>
        %dma_wait3A_274 = arith.constant 0 : i32
        %dma_wait3A_275 = arith.constant 0 : i32
        %dma_wait3A_276 = tpu.memref_slice %arg4[%arg0, %arg1, %add3A_23, %dma_wait3A_274, %dma_wait3A_275] : memref<2x16x5x16x128xi32, #tpu.memory_space<hbm>> -> memref<1x1x1x16x128xi32, #tpu.memory_space<hbm>>
        %dma_wait3A_277 = tpu.memref_squeeze %dma_wait3A_276 : memref<1x1x1x16x128xi32, #tpu.memory_space<hbm>> -> memref<16x128xi32, #tpu.memory_space<hbm>>
        tpu.wait_dma2 semaphore(%run_scoped3A_261 : memref<!tpu.dma_semaphore, #tpu.memory_space<semaphore_mem>>) src(%dma_wait3A_277 : memref<16x128xi32, #tpu.memory_space<hbm>>) dst(%arg8 : memref<16x128xi32, #tpu.memory_space<vmem>>)
        tpu.yield
      }) : () -> ()
      %dma_start3A = arith.constant 0 : i32
      %dma_start3A_24 = arith.constant 0 : i32
      %dma_start3A_25 = tpu.memref_slice %arg7[%dma_start3A, %dma_start3A_24] : memref<16x128xi32, #tpu.memory_space<vmem>> -> memref<1x128xi32, #tpu.memory_space<vmem>>
      %dma_start3A_26 = tpu.memref_squeeze %dma_start3A_25 : memref<1x128xi32, #tpu.memory_space<vmem>> -> memref<128xi32, #tpu.memory_space<vmem>>
      %dma_start3A_27 = arith.constant 0 : i32
      %dma_start3A_28 = arith.constant 0 : i32
      %dma_start3A_29 = tpu.memref_slice %arg2[%dma_start3A_27, %dma_start3A_28] : memref<10000x128xf32, #tpu.memory_space<hbm>> -> memref<10000x128xf32, #tpu.memory_space<hbm>>
      tpu.enqueue_indirect_dma source(%dma_start3A_29 : memref<10000x128xf32, #tpu.memory_space<hbm>>) target(%arg9 : memref<128x128xf32, #tpu.memory_space<vmem>>) offsets(%dma_start3A_26 : memref<128xi32, #tpu.memory_space<vmem>>) semaphore(%arg12 : memref<!tpu.dma_semaphore, #tpu.memory_space<semaphore_mem>>)
      %dma_start3A_30 = arith.constant 1 : i32
      %dma_start3A_31 = arith.constant 0 : i32
      %dma_start3A_32 = tpu.memref_slice %arg7[%dma_start3A_30, %dma_start3A_31] : memref<16x128xi32, #tpu.memory_space<vmem>> -> memref<1x128xi32, #tpu.memory_space<vmem>>
      %dma_start3A_33 = tpu.memref_squeeze %dma_start3A_32 : memref<1x128xi32, #tpu.memory_space<vmem>> -> memref<128xi32, #tpu.memory_space<vmem>>
      %dma_start3A_34 = arith.constant 0 : i32
      %dma_start3A_35 = arith.constant 0 : i32
      %dma_start3A_36 = tpu.memref_slice %arg2[%dma_start3A_34, %dma_start3A_35] : memref<10000x128xf32, #tpu.memory_space<hbm>> -> memref<10000x128xf32, #tpu.memory_space<hbm>>
      tpu.enqueue_indirect_dma source(%dma_start3A_36 : memref<10000x128xf32, #tpu.memory_space<hbm>>) target(%arg10 : memref<128x128xf32, #tpu.memory_space<vmem>>) offsets(%dma_start3A_33 : memref<128xi32, #tpu.memory_space<vmem>>) semaphore(%arg13 : memref<!tpu.dma_semaphore, #tpu.memory_space<semaphore_mem>>)
      %dma_wait3A = arith.constant 0 : i32
      %dma_wait3A_37 = arith.constant 0 : i32
      %dma_wait3A_38 = tpu.memref_slice %arg7[%dma_wait3A, %dma_wait3A_37] : memref<16x128xi32, #tpu.memory_space<vmem>> -> memref<1x128xi32, #tpu.memory_space<vmem>>
      %dma_wait3A_39 = tpu.memref_squeeze %dma_wait3A_38 : memref<1x128xi32, #tpu.memory_space<vmem>> -> memref<128xi32, #tpu.memory_space<vmem>>
      %dma_wait3A_40 = arith.constant 0 : i32
      %dma_wait3A_41 = arith.constant 0 : i32
      %dma_wait3A_42 = tpu.memref_slice %arg2[%dma_wait3A_40, %dma_wait3A_41] : memref<10000x128xf32, #tpu.memory_space<hbm>> -> memref<10000x128xf32, #tpu.memory_space<hbm>>
      tpu.wait_indirect_dma semaphore(%arg12 : memref<!tpu.dma_semaphore, #tpu.memory_space<semaphore_mem>>) src(%dma_wait3A_42 : memref<10000x128xf32, #tpu.memory_space<hbm>>) dst(%arg9 : memref<128x128xf32, #tpu.memory_space<vmem>>)
      %run_scoped3A = arith.constant 0 : i32
      "tpu.region"() ({
        %run_scoped3A_261 = tpu.sem_alloc : memref<!tpu.dma_semaphore, #tpu.memory_space<semaphore_mem>>
        %dma_start3A_262 = arith.constant 0 : i32
        %dma_start3A_263 = tpu.memref_slice %arg8[%run_scoped3A, %dma_start3A_262] : memref<16x128xi32, #tpu.memory_space<vmem>> -> memref<1x128xi32, #tpu.memory_space<vmem>>
        %dma_start3A_264 = tpu.memref_squeeze %dma_start3A_263 : memref<1x128xi32, #tpu.memory_space<vmem>> -> memref<128xi32, #tpu.memory_space<vmem>>
        %dma_start3A_265 = arith.constant 0 : i32
        %dma_start3A_266 = arith.constant 0 : i32
        %dma_start3A_267 = tpu.memref_slice %arg11[%dma_start3A_265, %dma_start3A_266] : memref<10000x128xf32, #tpu.memory_space<vmem_shared>> -> memref<10000x128xf32, #tpu.memory_space<vmem_shared>>
        tpu.enqueue_indirect_dma source(%arg9 : memref<128x128xf32, #tpu.memory_space<vmem>>) target(%dma_start3A_267 : memref<10000x128xf32, #tpu.memory_space<vmem_shared>>) offsets(%dma_start3A_264 : memref<128xi32, #tpu.memory_space<vmem>>) semaphore(%run_scoped3A_261 : memref<!tpu.dma_semaphore, #tpu.memory_space<semaphore_mem>>) {add = true}
        %dma_wait3A_268 = arith.constant 0 : i32
        %dma_wait3A_269 = tpu.memref_slice %arg8[%run_scoped3A, %dma_wait3A_268] : memref<16x128xi32, #tpu.memory_space<vmem>> -> memref<1x128xi32, #tpu.memory_space<vmem>>
        %dma_wait3A_270 = tpu.memref_squeeze %dma_wait3A_269 : memref<1x128xi32, #tpu.memory_space<vmem>> -> memref<128xi32, #tpu.memory_space<vmem>>
        %dma_wait3A_271 = arith.constant 0 : i32
        %dma_wait3A_272 = arith.constant 0 : i32
        %dma_wait3A_273 = tpu.memref_slice %arg11[%dma_wait3A_271, %dma_wait3A_272] : memref<10000x128xf32, #tpu.memory_space<vmem_shared>> -> memref<10000x128xf32, #tpu.memory_space<vmem_shared>>
        tpu.wait_indirect_dma semaphore(%run_scoped3A_261 : memref<!tpu.dma_semaphore, #tpu.memory_space<semaphore_mem>>) src(%arg9 : memref<128x128xf32, #tpu.memory_space<vmem>>) dst(%dma_wait3A_273 : memref<10000x128xf32, #tpu.memory_space<vmem_shared>>)
        tpu.yield
      }) : () -> ()
      %dma_start3A_43 = arith.constant 2 : i32
      %dma_start3A_44 = arith.constant 0 : i32
      %dma_start3A_45 = tpu.memref_slice %arg7[%dma_start3A_43, %dma_start3A_44] : memref<16x128xi32, #tpu.memory_space<vmem>> -> memref<1x128xi32, #tpu.memory_space<vmem>>
      %dma_start3A_46 = tpu.memref_squeeze %dma_start3A_45 : memref<1x128xi32, #tpu.memory_space<vmem>> -> memref<128xi32, #tpu.memory_space<vmem>>
      %dma_start3A_47 = arith.constant 0 : i32
      %dma_start3A_48 = arith.constant 0 : i32
      %dma_start3A_49 = tpu.memref_slice %arg2[%dma_start3A_47, %dma_start3A_48] : memref<10000x128xf32, #tpu.memory_space<hbm>> -> memref<10000x128xf32, #tpu.memory_space<hbm>>
      tpu.enqueue_indirect_dma source(%dma_start3A_49 : memref<10000x128xf32, #tpu.memory_space<hbm>>) target(%arg9 : memref<128x128xf32, #tpu.memory_space<vmem>>) offsets(%dma_start3A_46 : memref<128xi32, #tpu.memory_space<vmem>>) semaphore(%arg12 : memref<!tpu.dma_semaphore, #tpu.memory_space<semaphore_mem>>)
      %dma_wait3A_50 = arith.constant 1 : i32
      %dma_wait3A_51 = arith.constant 0 : i32
      %dma_wait3A_52 = tpu.memref_slice %arg7[%dma_wait3A_50, %dma_wait3A_51] : memref<16x128xi32, #tpu.memory_space<vmem>> -> memref<1x128xi32, #tpu.memory_space<vmem>>
      %dma_wait3A_53 = tpu.memref_squeeze %dma_wait3A_52 : memref<1x128xi32, #tpu.memory_space<vmem>> -> memref<128xi32, #tpu.memory_space<vmem>>
      %dma_wait3A_54 = arith.constant 0 : i32
      %dma_wait3A_55 = arith.constant 0 : i32
      %dma_wait3A_56 = tpu.memref_slice %arg2[%dma_wait3A_54, %dma_wait3A_55] : memref<10000x128xf32, #tpu.memory_space<hbm>> -> memref<10000x128xf32, #tpu.memory_space<hbm>>
      tpu.wait_indirect_dma semaphore(%arg13 : memref<!tpu.dma_semaphore, #tpu.memory_space<semaphore_mem>>) src(%dma_wait3A_56 : memref<10000x128xf32, #tpu.memory_space<hbm>>) dst(%arg10 : memref<128x128xf32, #tpu.memory_space<vmem>>)
      %run_scoped3A_57 = arith.constant 1 : i32
      "tpu.region"() ({
        %run_scoped3A_261 = tpu.sem_alloc : memref<!tpu.dma_semaphore, #tpu.memory_space<semaphore_mem>>
        %dma_start3A_262 = arith.constant 0 : i32
        %dma_start3A_263 = tpu.memref_slice %arg8[%run_scoped3A_57, %dma_start3A_262] : memref<16x128xi32, #tpu.memory_space<vmem>> -> memref<1x128xi32, #tpu.memory_space<vmem>>
        %dma_start3A_264 = tpu.memref_squeeze %dma_start3A_263 : memref<1x128xi32, #tpu.memory_space<vmem>> -> memref<128xi32, #tpu.memory_space<vmem>>
        %dma_start3A_265 = arith.constant 0 : i32
        %dma_start3A_266 = arith.constant 0 : i32
        %dma_start3A_267 = tpu.memref_slice %arg11[%dma_start3A_265, %dma_start3A_266] : memref<10000x128xf32, #tpu.memory_space<vmem_shared>> -> memref<10000x128xf32, #tpu.memory_space<vmem_shared>>
        tpu.enqueue_indirect_dma source(%arg10 : memref<128x128xf32, #tpu.memory_space<vmem>>) target(%dma_start3A_267 : memref<10000x128xf32, #tpu.memory_space<vmem_shared>>) offsets(%dma_start3A_264 : memref<128xi32, #tpu.memory_space<vmem>>) semaphore(%run_scoped3A_261 : memref<!tpu.dma_semaphore, #tpu.memory_space<semaphore_mem>>) {add = true}
        %dma_wait3A_268 = arith.constant 0 : i32
        %dma_wait3A_269 = tpu.memref_slice %arg8[%run_scoped3A_57, %dma_wait3A_268] : memref<16x128xi32, #tpu.memory_space<vmem>> -> memref<1x128xi32, #tpu.memory_space<vmem>>
        %dma_wait3A_270 = tpu.memref_squeeze %dma_wait3A_269 : memref<1x128xi32, #tpu.memory_space<vmem>> -> memref<128xi32, #tpu.memory_space<vmem>>
        %dma_wait3A_271 = arith.constant 0 : i32
        %dma_wait3A_272 = arith.constant 0 : i32
        %dma_wait3A_273 = tpu.memref_slice %arg11[%dma_wait3A_271, %dma_wait3A_272] : memref<10000x128xf32, #tpu.memory_space<vmem_shared>> -> memref<10000x128xf32, #tpu.memory_space<vmem_shared>>
        tpu.wait_indirect_dma semaphore(%run_scoped3A_261 : memref<!tpu.dma_semaphore, #tpu.memory_space<semaphore_mem>>) src(%arg10 : memref<128x128xf32, #tpu.memory_space<vmem>>) dst(%dma_wait3A_273 : memref<10000x128xf32, #tpu.memory_space<vmem_shared>>)
        tpu.yield
      }) : () -> ()
      %dma_start3A_58 = arith.constant 3 : i32
      %dma_start3A_59 = arith.constant 0 : i32
      %dma_start3A_60 = tpu.memref_slice %arg7[%dma_start3A_58, %dma_start3A_59] : memref<16x128xi32, #tpu.memory_space<vmem>> -> memref<1x128xi32, #tpu.memory_space<vmem>>
      %dma_start3A_61 = tpu.memref_squeeze %dma_start3A_60 : memref<1x128xi32, #tpu.memory_space<vmem>> -> memref<128xi32, #tpu.memory_space<vmem>>
      %dma_start3A_62 = arith.constant 0 : i32
      %dma_start3A_63 = arith.constant 0 : i32
      %dma_start3A_64 = tpu.memref_slice %arg2[%dma_start3A_62, %dma_start3A_63] : memref<10000x128xf32, #tpu.memory_space<hbm>> -> memref<10000x128xf32, #tpu.memory_space<hbm>>
      tpu.enqueue_indirect_dma source(%dma_start3A_64 : memref<10000x128xf32, #tpu.memory_space<hbm>>) target(%arg10 : memref<128x128xf32, #tpu.memory_space<vmem>>) offsets(%dma_start3A_61 : memref<128xi32, #tpu.memory_space<vmem>>) semaphore(%arg13 : memref<!tpu.dma_semaphore, #tpu.memory_space<semaphore_mem>>)
      %dma_wait3A_65 = arith.constant 2 : i32
      %dma_wait3A_66 = arith.constant 0 : i32
      %dma_wait3A_67 = tpu.memref_slice %arg7[%dma_wait3A_65, %dma_wait3A_66] : memref<16x128xi32, #tpu.memory_space<vmem>> -> memref<1x128xi32, #tpu.memory_space<vmem>>
      %dma_wait3A_68 = tpu.memref_squeeze %dma_wait3A_67 : memref<1x128xi32, #tpu.memory_space<vmem>> -> memref<128xi32, #tpu.memory_space<vmem>>
      %dma_wait3A_69 = arith.constant 0 : i32
      %dma_wait3A_70 = arith.constant 0 : i32
      %dma_wait3A_71 = tpu.memref_slice %arg2[%dma_wait3A_69, %dma_wait3A_70] : memref<10000x128xf32, #tpu.memory_space<hbm>> -> memref<10000x128xf32, #tpu.memory_space<hbm>>
      tpu.wait_indirect_dma semaphore(%arg12 : memref<!tpu.dma_semaphore, #tpu.memory_space<semaphore_mem>>) src(%dma_wait3A_71 : memref<10000x128xf32, #tpu.memory_space<hbm>>) dst(%arg9 : memref<128x128xf32, #tpu.memory_space<vmem>>)
      %run_scoped3A_72 = arith.constant 2 : i32
      "tpu.region"() ({
        %run_scoped3A_261 = tpu.sem_alloc : memref<!tpu.dma_semaphore, #tpu.memory_space<semaphore_mem>>
        %dma_start3A_262 = arith.constant 0 : i32
        %dma_start3A_263 = tpu.memref_slice %arg8[%run_scoped3A_72, %dma_start3A_262] : memref<16x128xi32, #tpu.memory_space<vmem>> -> memref<1x128xi32, #tpu.memory_space<vmem>>
        %dma_start3A_264 = tpu.memref_squeeze %dma_start3A_263 : memref<1x128xi32, #tpu.memory_space<vmem>> -> memref<128xi32, #tpu.memory_space<vmem>>
        %dma_start3A_265 = arith.constant 0 : i32
        %dma_start3A_266 = arith.constant 0 : i32
        %dma_start3A_267 = tpu.memref_slice %arg11[%dma_start3A_265, %dma_start3A_266] : memref<10000x128xf32, #tpu.memory_space<vmem_shared>> -> memref<10000x128xf32, #tpu.memory_space<vmem_shared>>
        tpu.enqueue_indirect_dma source(%arg9 : memref<128x128xf32, #tpu.memory_space<vmem>>) target(%dma_start3A_267 : memref<10000x128xf32, #tpu.memory_space<vmem_shared>>) offsets(%dma_start3A_264 : memref<128xi32, #tpu.memory_space<vmem>>) semaphore(%run_scoped3A_261 : memref<!tpu.dma_semaphore, #tpu.memory_space<semaphore_mem>>) {add = true}
        %dma_wait3A_268 = arith.constant 0 : i32
        %dma_wait3A_269 = tpu.memref_slice %arg8[%run_scoped3A_72, %dma_wait3A_268] : memref<16x128xi32, #tpu.memory_space<vmem>> -> memref<1x128xi32, #tpu.memory_space<vmem>>
        %dma_wait3A_270 = tpu.memref_squeeze %dma_wait3A_269 : memref<1x128xi32, #tpu.memory_space<vmem>> -> memref<128xi32, #tpu.memory_space<vmem>>
        %dma_wait3A_271 = arith.constant 0 : i32
        %dma_wait3A_272 = arith.constant 0 : i32
        %dma_wait3A_273 = tpu.memref_slice %arg11[%dma_wait3A_271, %dma_wait3A_272] : memref<10000x128xf32, #tpu.memory_space<vmem_shared>> -> memref<10000x128xf32, #tpu.memory_space<vmem_shared>>
        tpu.wait_indirect_dma semaphore(%run_scoped3A_261 : memref<!tpu.dma_semaphore, #tpu.memory_space<semaphore_mem>>) src(%arg9 : memref<128x128xf32, #tpu.memory_space<vmem>>) dst(%dma_wait3A_273 : memref<10000x128xf32, #tpu.memory_space<vmem_shared>>)
        tpu.yield
      }) : () -> ()
      %dma_start3A_73 = arith.constant 4 : i32
      %dma_start3A_74 = arith.constant 0 : i32
      %dma_start3A_75 = tpu.memref_slice %arg7[%dma_start3A_73, %dma_start3A_74] : memref<16x128xi32, #tpu.memory_space<vmem>> -> memref<1x128xi32, #tpu.memory_space<vmem>>
      %dma_start3A_76 = tpu.memref_squeeze %dma_start3A_75 : memref<1x128xi32, #tpu.memory_space<vmem>> -> memref<128xi32, #tpu.memory_space<vmem>>
      %dma_start3A_77 = arith.constant 0 : i32
      %dma_start3A_78 = arith.constant 0 : i32
      %dma_start3A_79 = tpu.memref_slice %arg2[%dma_start3A_77, %dma_start3A_78] : memref<10000x128xf32, #tpu.memory_space<hbm>> -> memref<10000x128xf32, #tpu.memory_space<hbm>>
      tpu.enqueue_indirect_dma source(%dma_start3A_79 : memref<10000x128xf32, #tpu.memory_space<hbm>>) target(%arg9 : memref<128x128xf32, #tpu.memory_space<vmem>>) offsets(%dma_start3A_76 : memref<128xi32, #tpu.memory_space<vmem>>) semaphore(%arg12 : memref<!tpu.dma_semaphore, #tpu.memory_space<semaphore_mem>>)
      %dma_wait3A_80 = arith.constant 3 : i32
      %dma_wait3A_81 = arith.constant 0 : i32
      %dma_wait3A_82 = tpu.memref_slice %arg7[%dma_wait3A_80, %dma_wait3A_81] : memref<16x128xi32, #tpu.memory_space<vmem>> -> memref<1x128xi32, #tpu.memory_space<vmem>>
      %dma_wait3A_83 = tpu.memref_squeeze %dma_wait3A_82 : memref<1x128xi32, #tpu.memory_space<vmem>> -> memref<128xi32, #tpu.memory_space<vmem>>
      %dma_wait3A_84 = arith.constant 0 : i32
      %dma_wait3A_85 = arith.constant 0 : i32
      %dma_wait3A_86 = tpu.memref_slice %arg2[%dma_wait3A_84, %dma_wait3A_85] : memref<10000x128xf32, #tpu.memory_space<hbm>> -> memref<10000x128xf32, #tpu.memory_space<hbm>>
      tpu.wait_indirect_dma semaphore(%arg13 : memref<!tpu.dma_semaphore, #tpu.memory_space<semaphore_mem>>) src(%dma_wait3A_86 : memref<10000x128xf32, #tpu.memory_space<hbm>>) dst(%arg10 : memref<128x128xf32, #tpu.memory_space<vmem>>)
      %run_scoped3A_87 = arith.constant 3 : i32
      "tpu.region"() ({
        %run_scoped3A_261 = tpu.sem_alloc : memref<!tpu.dma_semaphore, #tpu.memory_space<semaphore_mem>>
        %dma_start3A_262 = arith.constant 0 : i32
        %dma_start3A_263 = tpu.memref_slice %arg8[%run_scoped3A_87, %dma_start3A_262] : memref<16x128xi32, #tpu.memory_space<vmem>> -> memref<1x128xi32, #tpu.memory_space<vmem>>
        %dma_start3A_264 = tpu.memref_squeeze %dma_start3A_263 : memref<1x128xi32, #tpu.memory_space<vmem>> -> memref<128xi32, #tpu.memory_space<vmem>>
        %dma_start3A_265 = arith.constant 0 : i32
        %dma_start3A_266 = arith.constant 0 : i32
        %dma_start3A_267 = tpu.memref_slice %arg11[%dma_start3A_265, %dma_start3A_266] : memref<10000x128xf32, #tpu.memory_space<vmem_shared>> -> memref<10000x128xf32, #tpu.memory_space<vmem_shared>>
        tpu.enqueue_indirect_dma source(%arg10 : memref<128x128xf32, #tpu.memory_space<vmem>>) target(%dma_start3A_267 : memref<10000x128xf32, #tpu.memory_space<vmem_shared>>) offsets(%dma_start3A_264 : memref<128xi32, #tpu.memory_space<vmem>>) semaphore(%run_scoped3A_261 : memref<!tpu.dma_semaphore, #tpu.memory_space<semaphore_mem>>) {add = true}
        %dma_wait3A_268 = arith.constant 0 : i32
        %dma_wait3A_269 = tpu.memref_slice %arg8[%run_scoped3A_87, %dma_wait3A_268] : memref<16x128xi32, #tpu.memory_space<vmem>> -> memref<1x128xi32, #tpu.memory_space<vmem>>
        %dma_wait3A_270 = tpu.memref_squeeze %dma_wait3A_269 : memref<1x128xi32, #tpu.memory_space<vmem>> -> memref<128xi32, #tpu.memory_space<vmem>>
        %dma_wait3A_271 = arith.constant 0 : i32
        %dma_wait3A_272 = arith.constant 0 : i32
        %dma_wait3A_273 = tpu.memref_slice %arg11[%dma_wait3A_271, %dma_wait3A_272] : memref<10000x128xf32, #tpu.memory_space<vmem_shared>> -> memref<10000x128xf32, #tpu.memory_space<vmem_shared>>
        tpu.wait_indirect_dma semaphore(%run_scoped3A_261 : memref<!tpu.dma_semaphore, #tpu.memory_space<semaphore_mem>>) src(%arg10 : memref<128x128xf32, #tpu.memory_space<vmem>>) dst(%dma_wait3A_273 : memref<10000x128xf32, #tpu.memory_space<vmem_shared>>)
        tpu.yield
      }) : () -> ()
      %dma_start3A_88 = arith.constant 5 : i32
      %dma_start3A_89 = arith.constant 0 : i32
      %dma_start3A_90 = tpu.memref_slice %arg7[%dma_start3A_88, %dma_start3A_89] : memref<16x128xi32, #tpu.memory_space<vmem>> -> memref<1x128xi32, #tpu.memory_space<vmem>>
      %dma_start3A_91 = tpu.memref_squeeze %dma_start3A_90 : memref<1x128xi32, #tpu.memory_space<vmem>> -> memref<128xi32, #tpu.memory_space<vmem>>
      %dma_start3A_92 = arith.constant 0 : i32
      %dma_start3A_93 = arith.constant 0 : i32
      %dma_start3A_94 = tpu.memref_slice %arg2[%dma_start3A_92, %dma_start3A_93] : memref<10000x128xf32, #tpu.memory_space<hbm>> -> memref<10000x128xf32, #tpu.memory_space<hbm>>
      tpu.enqueue_indirect_dma source(%dma_start3A_94 : memref<10000x128xf32, #tpu.memory_space<hbm>>) target(%arg10 : memref<128x128xf32, #tpu.memory_space<vmem>>) offsets(%dma_start3A_91 : memref<128xi32, #tpu.memory_space<vmem>>) semaphore(%arg13 : memref<!tpu.dma_semaphore, #tpu.memory_space<semaphore_mem>>)
      %dma_wait3A_95 = arith.constant 4 : i32
      %dma_wait3A_96 = arith.constant 0 : i32
      %dma_wait3A_97 = tpu.memref_slice %arg7[%dma_wait3A_95, %dma_wait3A_96] : memref<16x128xi32, #tpu.memory_space<vmem>> -> memref<1x128xi32, #tpu.memory_space<vmem>>
      %dma_wait3A_98 = tpu.memref_squeeze %dma_wait3A_97 : memref<1x128xi32, #tpu.memory_space<vmem>> -> memref<128xi32, #tpu.memory_space<vmem>>
      %dma_wait3A_99 = arith.constant 0 : i32
      %dma_wait3A_100 = arith.constant 0 : i32
      %dma_wait3A_101 = tpu.memref_slice %arg2[%dma_wait3A_99, %dma_wait3A_100] : memref<10000x128xf32, #tpu.memory_space<hbm>> -> memref<10000x128xf32, #tpu.memory_space<hbm>>
      tpu.wait_indirect_dma semaphore(%arg12 : memref<!tpu.dma_semaphore, #tpu.memory_space<semaphore_mem>>) src(%dma_wait3A_101 : memref<10000x128xf32, #tpu.memory_space<hbm>>) dst(%arg9 : memref<128x128xf32, #tpu.memory_space<vmem>>)
      %run_scoped3A_102 = arith.constant 4 : i32
      "tpu.region"() ({
        %run_scoped3A_261 = tpu.sem_alloc : memref<!tpu.dma_semaphore, #tpu.memory_space<semaphore_mem>>
        %dma_start3A_262 = arith.constant 0 : i32
        %dma_start3A_263 = tpu.memref_slice %arg8[%run_scoped3A_102, %dma_start3A_262] : memref<16x128xi32, #tpu.memory_space<vmem>> -> memref<1x128xi32, #tpu.memory_space<vmem>>
        %dma_start3A_264 = tpu.memref_squeeze %dma_start3A_263 : memref<1x128xi32, #tpu.memory_space<vmem>> -> memref<128xi32, #tpu.memory_space<vmem>>
        %dma_start3A_265 = arith.constant 0 : i32
        %dma_start3A_266 = arith.constant 0 : i32
        %dma_start3A_267 = tpu.memref_slice %arg11[%dma_start3A_265, %dma_start3A_266] : memref<10000x128xf32, #tpu.memory_space<vmem_shared>> -> memref<10000x128xf32, #tpu.memory_space<vmem_shared>>
        tpu.enqueue_indirect_dma source(%arg9 : memref<128x128xf32, #tpu.memory_space<vmem>>) target(%dma_start3A_267 : memref<10000x128xf32, #tpu.memory_space<vmem_shared>>) offsets(%dma_start3A_264 : memref<128xi32, #tpu.memory_space<vmem>>) semaphore(%run_scoped3A_261 : memref<!tpu.dma_semaphore, #tpu.memory_space<semaphore_mem>>) {add = true}
        %dma_wait3A_268 = arith.constant 0 : i32
        %dma_wait3A_269 = tpu.memref_slice %arg8[%run_scoped3A_102, %dma_wait3A_268] : memref<16x128xi32, #tpu.memory_space<vmem>> -> memref<1x128xi32, #tpu.memory_space<vmem>>
        %dma_wait3A_270 = tpu.memref_squeeze %dma_wait3A_269 : memref<1x128xi32, #tpu.memory_space<vmem>> -> memref<128xi32, #tpu.memory_space<vmem>>
        %dma_wait3A_271 = arith.constant 0 : i32
        %dma_wait3A_272 = arith.constant 0 : i32
        %dma_wait3A_273 = tpu.memref_slice %arg11[%dma_wait3A_271, %dma_wait3A_272] : memref<10000x128xf32, #tpu.memory_space<vmem_shared>> -> memref<10000x128xf32, #tpu.memory_space<vmem_shared>>
        tpu.wait_indirect_dma semaphore(%run_scoped3A_261 : memref<!tpu.dma_semaphore, #tpu.memory_space<semaphore_mem>>) src(%arg9 : memref<128x128xf32, #tpu.memory_space<vmem>>) dst(%dma_wait3A_273 : memref<10000x128xf32, #tpu.memory_space<vmem_shared>>)
        tpu.yield
      }) : () -> ()
      %dma_start3A_103 = arith.constant 6 : i32
      %dma_start3A_104 = arith.constant 0 : i32
      %dma_start3A_105 = tpu.memref_slice %arg7[%dma_start3A_103, %dma_start3A_104] : memref<16x128xi32, #tpu.memory_space<vmem>> -> memref<1x128xi32, #tpu.memory_space<vmem>>
      %dma_start3A_106 = tpu.memref_squeeze %dma_start3A_105 : memref<1x128xi32, #tpu.memory_space<vmem>> -> memref<128xi32, #tpu.memory_space<vmem>>
      %dma_start3A_107 = arith.constant 0 : i32
      %dma_start3A_108 = arith.constant 0 : i32
      %dma_start3A_109 = tpu.memref_slice %arg2[%dma_start3A_107, %dma_start3A_108] : memref<10000x128xf32, #tpu.memory_space<hbm>> -> memref<10000x128xf32, #tpu.memory_space<hbm>>
      tpu.enqueue_indirect_dma source(%dma_start3A_109 : memref<10000x128xf32, #tpu.memory_space<hbm>>) target(%arg9 : memref<128x128xf32, #tpu.memory_space<vmem>>) offsets(%dma_start3A_106 : memref<128xi32, #tpu.memory_space<vmem>>) semaphore(%arg12 : memref<!tpu.dma_semaphore, #tpu.memory_space<semaphore_mem>>)
      %dma_wait3A_110 = arith.constant 5 : i32
      %dma_wait3A_111 = arith.constant 0 : i32
      %dma_wait3A_112 = tpu.memref_slice %arg7[%dma_wait3A_110, %dma_wait3A_111] : memref<16x128xi32, #tpu.memory_space<vmem>> -> memref<1x128xi32, #tpu.memory_space<vmem>>
      %dma_wait3A_113 = tpu.memref_squeeze %dma_wait3A_112 : memref<1x128xi32, #tpu.memory_space<vmem>> -> memref<128xi32, #tpu.memory_space<vmem>>
      %dma_wait3A_114 = arith.constant 0 : i32
      %dma_wait3A_115 = arith.constant 0 : i32
      %dma_wait3A_116 = tpu.memref_slice %arg2[%dma_wait3A_114, %dma_wait3A_115] : memref<10000x128xf32, #tpu.memory_space<hbm>> -> memref<10000x128xf32, #tpu.memory_space<hbm>>
      tpu.wait_indirect_dma semaphore(%arg13 : memref<!tpu.dma_semaphore, #tpu.memory_space<semaphore_mem>>) src(%dma_wait3A_116 : memref<10000x128xf32, #tpu.memory_space<hbm>>) dst(%arg10 : memref<128x128xf32, #tpu.memory_space<vmem>>)
      %run_scoped3A_117 = arith.constant 5 : i32
      "tpu.region"() ({
        %run_scoped3A_261 = tpu.sem_alloc : memref<!tpu.dma_semaphore, #tpu.memory_space<semaphore_mem>>
        %dma_start3A_262 = arith.constant 0 : i32
        %dma_start3A_263 = tpu.memref_slice %arg8[%run_scoped3A_117, %dma_start3A_262] : memref<16x128xi32, #tpu.memory_space<vmem>> -> memref<1x128xi32, #tpu.memory_space<vmem>>
        %dma_start3A_264 = tpu.memref_squeeze %dma_start3A_263 : memref<1x128xi32, #tpu.memory_space<vmem>> -> memref<128xi32, #tpu.memory_space<vmem>>
        %dma_start3A_265 = arith.constant 0 : i32
        %dma_start3A_266 = arith.constant 0 : i32
        %dma_start3A_267 = tpu.memref_slice %arg11[%dma_start3A_265, %dma_start3A_266] : memref<10000x128xf32, #tpu.memory_space<vmem_shared>> -> memref<10000x128xf32, #tpu.memory_space<vmem_shared>>
        tpu.enqueue_indirect_dma source(%arg10 : memref<128x128xf32, #tpu.memory_space<vmem>>) target(%dma_start3A_267 : memref<10000x128xf32, #tpu.memory_space<vmem_shared>>) offsets(%dma_start3A_264 : memref<128xi32, #tpu.memory_space<vmem>>) semaphore(%run_scoped3A_261 : memref<!tpu.dma_semaphore, #tpu.memory_space<semaphore_mem>>) {add = true}
        %dma_wait3A_268 = arith.constant 0 : i32
        %dma_wait3A_269 = tpu.memref_slice %arg8[%run_scoped3A_117, %dma_wait3A_268] : memref<16x128xi32, #tpu.memory_space<vmem>> -> memref<1x128xi32, #tpu.memory_space<vmem>>
        %dma_wait3A_270 = tpu.memref_squeeze %dma_wait3A_269 : memref<1x128xi32, #tpu.memory_space<vmem>> -> memref<128xi32, #tpu.memory_space<vmem>>
        %dma_wait3A_271 = arith.constant 0 : i32
        %dma_wait3A_272 = arith.constant 0 : i32
        %dma_wait3A_273 = tpu.memref_slice %arg11[%dma_wait3A_271, %dma_wait3A_272] : memref<10000x128xf32, #tpu.memory_space<vmem_shared>> -> memref<10000x128xf32, #tpu.memory_space<vmem_shared>>
        tpu.wait_indirect_dma semaphore(%run_scoped3A_261 : memref<!tpu.dma_semaphore, #tpu.memory_space<semaphore_mem>>) src(%arg10 : memref<128x128xf32, #tpu.memory_space<vmem>>) dst(%dma_wait3A_273 : memref<10000x128xf32, #tpu.memory_space<vmem_shared>>)
        tpu.yield
      }) : () -> ()
      %dma_start3A_118 = arith.constant 7 : i32
      %dma_start3A_119 = arith.constant 0 : i32
      %dma_start3A_120 = tpu.memref_slice %arg7[%dma_start3A_118, %dma_start3A_119] : memref<16x128xi32, #tpu.memory_space<vmem>> -> memref<1x128xi32, #tpu.memory_space<vmem>>
      %dma_start3A_121 = tpu.memref_squeeze %dma_start3A_120 : memref<1x128xi32, #tpu.memory_space<vmem>> -> memref<128xi32, #tpu.memory_space<vmem>>
      %dma_start3A_122 = arith.constant 0 : i32
      %dma_start3A_123 = arith.constant 0 : i32
      %dma_start3A_124 = tpu.memref_slice %arg2[%dma_start3A_122, %dma_start3A_123] : memref<10000x128xf32, #tpu.memory_space<hbm>> -> memref<10000x128xf32, #tpu.memory_space<hbm>>
      tpu.enqueue_indirect_dma source(%dma_start3A_124 : memref<10000x128xf32, #tpu.memory_space<hbm>>) target(%arg10 : memref<128x128xf32, #tpu.memory_space<vmem>>) offsets(%dma_start3A_121 : memref<128xi32, #tpu.memory_space<vmem>>) semaphore(%arg13 : memref<!tpu.dma_semaphore, #tpu.memory_space<semaphore_mem>>)
      %dma_wait3A_125 = arith.constant 6 : i32
      %dma_wait3A_126 = arith.constant 0 : i32
      %dma_wait3A_127 = tpu.memref_slice %arg7[%dma_wait3A_125, %dma_wait3A_126] : memref<16x128xi32, #tpu.memory_space<vmem>> -> memref<1x128xi32, #tpu.memory_space<vmem>>
      %dma_wait3A_128 = tpu.memref_squeeze %dma_wait3A_127 : memref<1x128xi32, #tpu.memory_space<vmem>> -> memref<128xi32, #tpu.memory_space<vmem>>
      %dma_wait3A_129 = arith.constant 0 : i32
      %dma_wait3A_130 = arith.constant 0 : i32
      %dma_wait3A_131 = tpu.memref_slice %arg2[%dma_wait3A_129, %dma_wait3A_130] : memref<10000x128xf32, #tpu.memory_space<hbm>> -> memref<10000x128xf32, #tpu.memory_space<hbm>>
      tpu.wait_indirect_dma semaphore(%arg12 : memref<!tpu.dma_semaphore, #tpu.memory_space<semaphore_mem>>) src(%dma_wait3A_131 : memref<10000x128xf32, #tpu.memory_space<hbm>>) dst(%arg9 : memref<128x128xf32, #tpu.memory_space<vmem>>)
      %run_scoped3A_132 = arith.constant 6 : i32
      "tpu.region"() ({
        %run_scoped3A_261 = tpu.sem_alloc : memref<!tpu.dma_semaphore, #tpu.memory_space<semaphore_mem>>
        %dma_start3A_262 = arith.constant 0 : i32
        %dma_start3A_263 = tpu.memref_slice %arg8[%run_scoped3A_132, %dma_start3A_262] : memref<16x128xi32, #tpu.memory_space<vmem>> -> memref<1x128xi32, #tpu.memory_space<vmem>>
        %dma_start3A_264 = tpu.memref_squeeze %dma_start3A_263 : memref<1x128xi32, #tpu.memory_space<vmem>> -> memref<128xi32, #tpu.memory_space<vmem>>
        %dma_start3A_265 = arith.constant 0 : i32
        %dma_start3A_266 = arith.constant 0 : i32
        %dma_start3A_267 = tpu.memref_slice %arg11[%dma_start3A_265, %dma_start3A_266] : memref<10000x128xf32, #tpu.memory_space<vmem_shared>> -> memref<10000x128xf32, #tpu.memory_space<vmem_shared>>
        tpu.enqueue_indirect_dma source(%arg9 : memref<128x128xf32, #tpu.memory_space<vmem>>) target(%dma_start3A_267 : memref<10000x128xf32, #tpu.memory_space<vmem_shared>>) offsets(%dma_start3A_264 : memref<128xi32, #tpu.memory_space<vmem>>) semaphore(%run_scoped3A_261 : memref<!tpu.dma_semaphore, #tpu.memory_space<semaphore_mem>>) {add = true}
        %dma_wait3A_268 = arith.constant 0 : i32
        %dma_wait3A_269 = tpu.memref_slice %arg8[%run_scoped3A_132, %dma_wait3A_268] : memref<16x128xi32, #tpu.memory_space<vmem>> -> memref<1x128xi32, #tpu.memory_space<vmem>>
        %dma_wait3A_270 = tpu.memref_squeeze %dma_wait3A_269 : memref<1x128xi32, #tpu.memory_space<vmem>> -> memref<128xi32, #tpu.memory_space<vmem>>
        %dma_wait3A_271 = arith.constant 0 : i32
        %dma_wait3A_272 = arith.constant 0 : i32
        %dma_wait3A_273 = tpu.memref_slice %arg11[%dma_wait3A_271, %dma_wait3A_272] : memref<10000x128xf32, #tpu.memory_space<vmem_shared>> -> memref<10000x128xf32, #tpu.memory_space<vmem_shared>>
        tpu.wait_indirect_dma semaphore(%run_scoped3A_261 : memref<!tpu.dma_semaphore, #tpu.memory_space<semaphore_mem>>) src(%arg9 : memref<128x128xf32, #tpu.memory_space<vmem>>) dst(%dma_wait3A_273 : memref<10000x128xf32, #tpu.memory_space<vmem_shared>>)
        tpu.yield
      }) : () -> ()
      %dma_start3A_133 = arith.constant 8 : i32
      %dma_start3A_134 = arith.constant 0 : i32
      %dma_start3A_135 = tpu.memref_slice %arg7[%dma_start3A_133, %dma_start3A_134] : memref<16x128xi32, #tpu.memory_space<vmem>> -> memref<1x128xi32, #tpu.memory_space<vmem>>
      %dma_start3A_136 = tpu.memref_squeeze %dma_start3A_135 : memref<1x128xi32, #tpu.memory_space<vmem>> -> memref<128xi32, #tpu.memory_space<vmem>>
      %dma_start3A_137 = arith.constant 0 : i32
      %dma_start3A_138 = arith.constant 0 : i32
      %dma_start3A_139 = tpu.memref_slice %arg2[%dma_start3A_137, %dma_start3A_138] : memref<10000x128xf32, #tpu.memory_space<hbm>> -> memref<10000x128xf32, #tpu.memory_space<hbm>>
      tpu.enqueue_indirect_dma source(%dma_start3A_139 : memref<10000x128xf32, #tpu.memory_space<hbm>>) target(%arg9 : memref<128x128xf32, #tpu.memory_space<vmem>>) offsets(%dma_start3A_136 : memref<128xi32, #tpu.memory_space<vmem>>) semaphore(%arg12 : memref<!tpu.dma_semaphore, #tpu.memory_space<semaphore_mem>>)
      %dma_wait3A_140 = arith.constant 7 : i32
      %dma_wait3A_141 = arith.constant 0 : i32
      %dma_wait3A_142 = tpu.memref_slice %arg7[%dma_wait3A_140, %dma_wait3A_141] : memref<16x128xi32, #tpu.memory_space<vmem>> -> memref<1x128xi32, #tpu.memory_space<vmem>>
      %dma_wait3A_143 = tpu.memref_squeeze %dma_wait3A_142 : memref<1x128xi32, #tpu.memory_space<vmem>> -> memref<128xi32, #tpu.memory_space<vmem>>
      %dma_wait3A_144 = arith.constant 0 : i32
      %dma_wait3A_145 = arith.constant 0 : i32
      %dma_wait3A_146 = tpu.memref_slice %arg2[%dma_wait3A_144, %dma_wait3A_145] : memref<10000x128xf32, #tpu.memory_space<hbm>> -> memref<10000x128xf32, #tpu.memory_space<hbm>>
      tpu.wait_indirect_dma semaphore(%arg13 : memref<!tpu.dma_semaphore, #tpu.memory_space<semaphore_mem>>) src(%dma_wait3A_146 : memref<10000x128xf32, #tpu.memory_space<hbm>>) dst(%arg10 : memref<128x128xf32, #tpu.memory_space<vmem>>)
      %run_scoped3A_147 = arith.constant 7 : i32
      "tpu.region"() ({
        %run_scoped3A_261 = tpu.sem_alloc : memref<!tpu.dma_semaphore, #tpu.memory_space<semaphore_mem>>
        %dma_start3A_262 = arith.constant 0 : i32
        %dma_start3A_263 = tpu.memref_slice %arg8[%run_scoped3A_147, %dma_start3A_262] : memref<16x128xi32, #tpu.memory_space<vmem>> -> memref<1x128xi32, #tpu.memory_space<vmem>>
        %dma_start3A_264 = tpu.memref_squeeze %dma_start3A_263 : memref<1x128xi32, #tpu.memory_space<vmem>> -> memref<128xi32, #tpu.memory_space<vmem>>
        %dma_start3A_265 = arith.constant 0 : i32
        %dma_start3A_266 = arith.constant 0 : i32
        %dma_start3A_267 = tpu.memref_slice %arg11[%dma_start3A_265, %dma_start3A_266] : memref<10000x128xf32, #tpu.memory_space<vmem_shared>> -> memref<10000x128xf32, #tpu.memory_space<vmem_shared>>
        tpu.enqueue_indirect_dma source(%arg10 : memref<128x128xf32, #tpu.memory_space<vmem>>) target(%dma_start3A_267 : memref<10000x128xf32, #tpu.memory_space<vmem_shared>>) offsets(%dma_start3A_264 : memref<128xi32, #tpu.memory_space<vmem>>) semaphore(%run_scoped3A_261 : memref<!tpu.dma_semaphore, #tpu.memory_space<semaphore_mem>>) {add = true}
        %dma_wait3A_268 = arith.constant 0 : i32
        %dma_wait3A_269 = tpu.memref_slice %arg8[%run_scoped3A_147, %dma_wait3A_268] : memref<16x128xi32, #tpu.memory_space<vmem>> -> memref<1x128xi32, #tpu.memory_space<vmem>>
        %dma_wait3A_270 = tpu.memref_squeeze %dma_wait3A_269 : memref<1x128xi32, #tpu.memory_space<vmem>> -> memref<128xi32, #tpu.memory_space<vmem>>
        %dma_wait3A_271 = arith.constant 0 : i32
        %dma_wait3A_272 = arith.constant 0 : i32
        %dma_wait3A_273 = tpu.memref_slice %arg11[%dma_wait3A_271, %dma_wait3A_272] : memref<10000x128xf32, #tpu.memory_space<vmem_shared>> -> memref<10000x128xf32, #tpu.memory_space<vmem_shared>>
        tpu.wait_indirect_dma semaphore(%run_scoped3A_261 : memref<!tpu.dma_semaphore, #tpu.memory_space<semaphore_mem>>) src(%arg10 : memref<128x128xf32, #tpu.memory_space<vmem>>) dst(%dma_wait3A_273 : memref<10000x128xf32, #tpu.memory_space<vmem_shared>>)
        tpu.yield
      }) : () -> ()
      %dma_start3A_148 = arith.constant 9 : i32
      %dma_start3A_149 = arith.constant 0 : i32
      %dma_start3A_150 = tpu.memref_slice %arg7[%dma_start3A_148, %dma_start3A_149] : memref<16x128xi32, #tpu.memory_space<vmem>> -> memref<1x128xi32, #tpu.memory_space<vmem>>
      %dma_start3A_151 = tpu.memref_squeeze %dma_start3A_150 : memref<1x128xi32, #tpu.memory_space<vmem>> -> memref<128xi32, #tpu.memory_space<vmem>>
      %dma_start3A_152 = arith.constant 0 : i32
      %dma_start3A_153 = arith.constant 0 : i32
      %dma_start3A_154 = tpu.memref_slice %arg2[%dma_start3A_152, %dma_start3A_153] : memref<10000x128xf32, #tpu.memory_space<hbm>> -> memref<10000x128xf32, #tpu.memory_space<hbm>>
      tpu.enqueue_indirect_dma source(%dma_start3A_154 : memref<10000x128xf32, #tpu.memory_space<hbm>>) target(%arg10 : memref<128x128xf32, #tpu.memory_space<vmem>>) offsets(%dma_start3A_151 : memref<128xi32, #tpu.memory_space<vmem>>) semaphore(%arg13 : memref<!tpu.dma_semaphore, #tpu.memory_space<semaphore_mem>>)
      %dma_wait3A_155 = arith.constant 8 : i32
      %dma_wait3A_156 = arith.constant 0 : i32
      %dma_wait3A_157 = tpu.memref_slice %arg7[%dma_wait3A_155, %dma_wait3A_156] : memref<16x128xi32, #tpu.memory_space<vmem>> -> memref<1x128xi32, #tpu.memory_space<vmem>>
      %dma_wait3A_158 = tpu.memref_squeeze %dma_wait3A_157 : memref<1x128xi32, #tpu.memory_space<vmem>> -> memref<128xi32, #tpu.memory_space<vmem>>
      %dma_wait3A_159 = arith.constant 0 : i32
      %dma_wait3A_160 = arith.constant 0 : i32
      %dma_wait3A_161 = tpu.memref_slice %arg2[%dma_wait3A_159, %dma_wait3A_160] : memref<10000x128xf32, #tpu.memory_space<hbm>> -> memref<10000x128xf32, #tpu.memory_space<hbm>>
      tpu.wait_indirect_dma semaphore(%arg12 : memref<!tpu.dma_semaphore, #tpu.memory_space<semaphore_mem>>) src(%dma_wait3A_161 : memref<10000x128xf32, #tpu.memory_space<hbm>>) dst(%arg9 : memref<128x128xf32, #tpu.memory_space<vmem>>)
      %run_scoped3A_162 = arith.constant 8 : i32
      "tpu.region"() ({
        %run_scoped3A_261 = tpu.sem_alloc : memref<!tpu.dma_semaphore, #tpu.memory_space<semaphore_mem>>
        %dma_start3A_262 = arith.constant 0 : i32
        %dma_start3A_263 = tpu.memref_slice %arg8[%run_scoped3A_162, %dma_start3A_262] : memref<16x128xi32, #tpu.memory_space<vmem>> -> memref<1x128xi32, #tpu.memory_space<vmem>>
        %dma_start3A_264 = tpu.memref_squeeze %dma_start3A_263 : memref<1x128xi32, #tpu.memory_space<vmem>> -> memref<128xi32, #tpu.memory_space<vmem>>
        %dma_start3A_265 = arith.constant 0 : i32
        %dma_start3A_266 = arith.constant 0 : i32
        %dma_start3A_267 = tpu.memref_slice %arg11[%dma_start3A_265, %dma_start3A_266] : memref<10000x128xf32, #tpu.memory_space<vmem_shared>> -> memref<10000x128xf32, #tpu.memory_space<vmem_shared>>
        tpu.enqueue_indirect_dma source(%arg9 : memref<128x128xf32, #tpu.memory_space<vmem>>) target(%dma_start3A_267 : memref<10000x128xf32, #tpu.memory_space<vmem_shared>>) offsets(%dma_start3A_264 : memref<128xi32, #tpu.memory_space<vmem>>) semaphore(%run_scoped3A_261 : memref<!tpu.dma_semaphore, #tpu.memory_space<semaphore_mem>>) {add = true}
        %dma_wait3A_268 = arith.constant 0 : i32
        %dma_wait3A_269 = tpu.memref_slice %arg8[%run_scoped3A_162, %dma_wait3A_268] : memref<16x128xi32, #tpu.memory_space<vmem>> -> memref<1x128xi32, #tpu.memory_space<vmem>>
        %dma_wait3A_270 = tpu.memref_squeeze %dma_wait3A_269 : memref<1x128xi32, #tpu.memory_space<vmem>> -> memref<128xi32, #tpu.memory_space<vmem>>
        %dma_wait3A_271 = arith.constant 0 : i32
        %dma_wait3A_272 = arith.constant 0 : i32
        %dma_wait3A_273 = tpu.memref_slice %arg11[%dma_wait3A_271, %dma_wait3A_272] : memref<10000x128xf32, #tpu.memory_space<vmem_shared>> -> memref<10000x128xf32, #tpu.memory_space<vmem_shared>>
        tpu.wait_indirect_dma semaphore(%run_scoped3A_261 : memref<!tpu.dma_semaphore, #tpu.memory_space<semaphore_mem>>) src(%arg9 : memref<128x128xf32, #tpu.memory_space<vmem>>) dst(%dma_wait3A_273 : memref<10000x128xf32, #tpu.memory_space<vmem_shared>>)
        tpu.yield
      }) : () -> ()
      %dma_start3A_163 = arith.constant 10 : i32
      %dma_start3A_164 = arith.constant 0 : i32
      %dma_start3A_165 = tpu.memref_slice %arg7[%dma_start3A_163, %dma_start3A_164] : memref<16x128xi32, #tpu.memory_space<vmem>> -> memref<1x128xi32, #tpu.memory_space<vmem>>
      %dma_start3A_166 = tpu.memref_squeeze %dma_start3A_165 : memref<1x128xi32, #tpu.memory_space<vmem>> -> memref<128xi32, #tpu.memory_space<vmem>>
      %dma_start3A_167 = arith.constant 0 : i32
      %dma_start3A_168 = arith.constant 0 : i32
      %dma_start3A_169 = tpu.memref_slice %arg2[%dma_start3A_167, %dma_start3A_168] : memref<10000x128xf32, #tpu.memory_space<hbm>> -> memref<10000x128xf32, #tpu.memory_space<hbm>>
      tpu.enqueue_indirect_dma source(%dma_start3A_169 : memref<10000x128xf32, #tpu.memory_space<hbm>>) target(%arg9 : memref<128x128xf32, #tpu.memory_space<vmem>>) offsets(%dma_start3A_166 : memref<128xi32, #tpu.memory_space<vmem>>) semaphore(%arg12 : memref<!tpu.dma_semaphore, #tpu.memory_space<semaphore_mem>>)
      %dma_wait3A_170 = arith.constant 9 : i32
      %dma_wait3A_171 = arith.constant 0 : i32
      %dma_wait3A_172 = tpu.memref_slice %arg7[%dma_wait3A_170, %dma_wait3A_171] : memref<16x128xi32, #tpu.memory_space<vmem>> -> memref<1x128xi32, #tpu.memory_space<vmem>>
      %dma_wait3A_173 = tpu.memref_squeeze %dma_wait3A_172 : memref<1x128xi32, #tpu.memory_space<vmem>> -> memref<128xi32, #tpu.memory_space<vmem>>
      %dma_wait3A_174 = arith.constant 0 : i32
      %dma_wait3A_175 = arith.constant 0 : i32
      %dma_wait3A_176 = tpu.memref_slice %arg2[%dma_wait3A_174, %dma_wait3A_175] : memref<10000x128xf32, #tpu.memory_space<hbm>> -> memref<10000x128xf32, #tpu.memory_space<hbm>>
      tpu.wait_indirect_dma semaphore(%arg13 : memref<!tpu.dma_semaphore, #tpu.memory_space<semaphore_mem>>) src(%dma_wait3A_176 : memref<10000x128xf32, #tpu.memory_space<hbm>>) dst(%arg10 : memref<128x128xf32, #tpu.memory_space<vmem>>)
      %run_scoped3A_177 = arith.constant 9 : i32
      "tpu.region"() ({
        %run_scoped3A_261 = tpu.sem_alloc : memref<!tpu.dma_semaphore, #tpu.memory_space<semaphore_mem>>
        %dma_start3A_262 = arith.constant 0 : i32
        %dma_start3A_263 = tpu.memref_slice %arg8[%run_scoped3A_177, %dma_start3A_262] : memref<16x128xi32, #tpu.memory_space<vmem>> -> memref<1x128xi32, #tpu.memory_space<vmem>>
        %dma_start3A_264 = tpu.memref_squeeze %dma_start3A_263 : memref<1x128xi32, #tpu.memory_space<vmem>> -> memref<128xi32, #tpu.memory_space<vmem>>
        %dma_start3A_265 = arith.constant 0 : i32
        %dma_start3A_266 = arith.constant 0 : i32
        %dma_start3A_267 = tpu.memref_slice %arg11[%dma_start3A_265, %dma_start3A_266] : memref<10000x128xf32, #tpu.memory_space<vmem_shared>> -> memref<10000x128xf32, #tpu.memory_space<vmem_shared>>
        tpu.enqueue_indirect_dma source(%arg10 : memref<128x128xf32, #tpu.memory_space<vmem>>) target(%dma_start3A_267 : memref<10000x128xf32, #tpu.memory_space<vmem_shared>>) offsets(%dma_start3A_264 : memref<128xi32, #tpu.memory_space<vmem>>) semaphore(%run_scoped3A_261 : memref<!tpu.dma_semaphore, #tpu.memory_space<semaphore_mem>>) {add = true}
        %dma_wait3A_268 = arith.constant 0 : i32
        %dma_wait3A_269 = tpu.memref_slice %arg8[%run_scoped3A_177, %dma_wait3A_268] : memref<16x128xi32, #tpu.memory_space<vmem>> -> memref<1x128xi32, #tpu.memory_space<vmem>>
        %dma_wait3A_270 = tpu.memref_squeeze %dma_wait3A_269 : memref<1x128xi32, #tpu.memory_space<vmem>> -> memref<128xi32, #tpu.memory_space<vmem>>
        %dma_wait3A_271 = arith.constant 0 : i32
        %dma_wait3A_272 = arith.constant 0 : i32
        %dma_wait3A_273 = tpu.memref_slice %arg11[%dma_wait3A_271, %dma_wait3A_272] : memref<10000x128xf32, #tpu.memory_space<vmem_shared>> -> memref<10000x128xf32, #tpu.memory_space<vmem_shared>>
        tpu.wait_indirect_dma semaphore(%run_scoped3A_261 : memref<!tpu.dma_semaphore, #tpu.memory_space<semaphore_mem>>) src(%arg10 : memref<128x128xf32, #tpu.memory_space<vmem>>) dst(%dma_wait3A_273 : memref<10000x128xf32, #tpu.memory_space<vmem_shared>>)
        tpu.yield
      }) : () -> ()
      %dma_start3A_178 = arith.constant 11 : i32
      %dma_start3A_179 = arith.constant 0 : i32
      %dma_start3A_180 = tpu.memref_slice %arg7[%dma_start3A_178, %dma_start3A_179] : memref<16x128xi32, #tpu.memory_space<vmem>> -> memref<1x128xi32, #tpu.memory_space<vmem>>
      %dma_start3A_181 = tpu.memref_squeeze %dma_start3A_180 : memref<1x128xi32, #tpu.memory_space<vmem>> -> memref<128xi32, #tpu.memory_space<vmem>>
      %dma_start3A_182 = arith.constant 0 : i32
      %dma_start3A_183 = arith.constant 0 : i32
      %dma_start3A_184 = tpu.memref_slice %arg2[%dma_start3A_182, %dma_start3A_183] : memref<10000x128xf32, #tpu.memory_space<hbm>> -> memref<10000x128xf32, #tpu.memory_space<hbm>>
      tpu.enqueue_indirect_dma source(%dma_start3A_184 : memref<10000x128xf32, #tpu.memory_space<hbm>>) target(%arg10 : memref<128x128xf32, #tpu.memory_space<vmem>>) offsets(%dma_start3A_181 : memref<128xi32, #tpu.memory_space<vmem>>) semaphore(%arg13 : memref<!tpu.dma_semaphore, #tpu.memory_space<semaphore_mem>>)
      %dma_wait3A_185 = arith.constant 10 : i32
      %dma_wait3A_186 = arith.constant 0 : i32
      %dma_wait3A_187 = tpu.memref_slice %arg7[%dma_wait3A_185, %dma_wait3A_186] : memref<16x128xi32, #tpu.memory_space<vmem>> -> memref<1x128xi32, #tpu.memory_space<vmem>>
      %dma_wait3A_188 = tpu.memref_squeeze %dma_wait3A_187 : memref<1x128xi32, #tpu.memory_space<vmem>> -> memref<128xi32, #tpu.memory_space<vmem>>
      %dma_wait3A_189 = arith.constant 0 : i32
      %dma_wait3A_190 = arith.constant 0 : i32
      %dma_wait3A_191 = tpu.memref_slice %arg2[%dma_wait3A_189, %dma_wait3A_190] : memref<10000x128xf32, #tpu.memory_space<hbm>> -> memref<10000x128xf32, #tpu.memory_space<hbm>>
      tpu.wait_indirect_dma semaphore(%arg12 : memref<!tpu.dma_semaphore, #tpu.memory_space<semaphore_mem>>) src(%dma_wait3A_191 : memref<10000x128xf32, #tpu.memory_space<hbm>>) dst(%arg9 : memref<128x128xf32, #tpu.memory_space<vmem>>)
      %run_scoped3A_192 = arith.constant 10 : i32
      "tpu.region"() ({
        %run_scoped3A_261 = tpu.sem_alloc : memref<!tpu.dma_semaphore, #tpu.memory_space<semaphore_mem>>
        %dma_start3A_262 = arith.constant 0 : i32
        %dma_start3A_263 = tpu.memref_slice %arg8[%run_scoped3A_192, %dma_start3A_262] : memref<16x128xi32, #tpu.memory_space<vmem>> -> memref<1x128xi32, #tpu.memory_space<vmem>>
        %dma_start3A_264 = tpu.memref_squeeze %dma_start3A_263 : memref<1x128xi32, #tpu.memory_space<vmem>> -> memref<128xi32, #tpu.memory_space<vmem>>
        %dma_start3A_265 = arith.constant 0 : i32
        %dma_start3A_266 = arith.constant 0 : i32
        %dma_start3A_267 = tpu.memref_slice %arg11[%dma_start3A_265, %dma_start3A_266] : memref<10000x128xf32, #tpu.memory_space<vmem_shared>> -> memref<10000x128xf32, #tpu.memory_space<vmem_shared>>
        tpu.enqueue_indirect_dma source(%arg9 : memref<128x128xf32, #tpu.memory_space<vmem>>) target(%dma_start3A_267 : memref<10000x128xf32, #tpu.memory_space<vmem_shared>>) offsets(%dma_start3A_264 : memref<128xi32, #tpu.memory_space<vmem>>) semaphore(%run_scoped3A_261 : memref<!tpu.dma_semaphore, #tpu.memory_space<semaphore_mem>>) {add = true}
        %dma_wait3A_268 = arith.constant 0 : i32
        %dma_wait3A_269 = tpu.memref_slice %arg8[%run_scoped3A_192, %dma_wait3A_268] : memref<16x128xi32, #tpu.memory_space<vmem>> -> memref<1x128xi32, #tpu.memory_space<vmem>>
        %dma_wait3A_270 = tpu.memref_squeeze %dma_wait3A_269 : memref<1x128xi32, #tpu.memory_space<vmem>> -> memref<128xi32, #tpu.memory_space<vmem>>
        %dma_wait3A_271 = arith.constant 0 : i32
        %dma_wait3A_272 = arith.constant 0 : i32
        %dma_wait3A_273 = tpu.memref_slice %arg11[%dma_wait3A_271, %dma_wait3A_272] : memref<10000x128xf32, #tpu.memory_space<vmem_shared>> -> memref<10000x128xf32, #tpu.memory_space<vmem_shared>>
        tpu.wait_indirect_dma semaphore(%run_scoped3A_261 : memref<!tpu.dma_semaphore, #tpu.memory_space<semaphore_mem>>) src(%arg9 : memref<128x128xf32, #tpu.memory_space<vmem>>) dst(%dma_wait3A_273 : memref<10000x128xf32, #tpu.memory_space<vmem_shared>>)
        tpu.yield
      }) : () -> ()
      %dma_start3A_193 = arith.constant 12 : i32
      %dma_start3A_194 = arith.constant 0 : i32
      %dma_start3A_195 = tpu.memref_slice %arg7[%dma_start3A_193, %dma_start3A_194] : memref<16x128xi32, #tpu.memory_space<vmem>> -> memref<1x128xi32, #tpu.memory_space<vmem>>
      %dma_start3A_196 = tpu.memref_squeeze %dma_start3A_195 : memref<1x128xi32, #tpu.memory_space<vmem>> -> memref<128xi32, #tpu.memory_space<vmem>>
      %dma_start3A_197 = arith.constant 0 : i32
      %dma_start3A_198 = arith.constant 0 : i32
      %dma_start3A_199 = tpu.memref_slice %arg2[%dma_start3A_197, %dma_start3A_198] : memref<10000x128xf32, #tpu.memory_space<hbm>> -> memref<10000x128xf32, #tpu.memory_space<hbm>>
      tpu.enqueue_indirect_dma source(%dma_start3A_199 : memref<10000x128xf32, #tpu.memory_space<hbm>>) target(%arg9 : memref<128x128xf32, #tpu.memory_space<vmem>>) offsets(%dma_start3A_196 : memref<128xi32, #tpu.memory_space<vmem>>) semaphore(%arg12 : memref<!tpu.dma_semaphore, #tpu.memory_space<semaphore_mem>>)
      %dma_wait3A_200 = arith.constant 11 : i32
      %dma_wait3A_201 = arith.constant 0 : i32
      %dma_wait3A_202 = tpu.memref_slice %arg7[%dma_wait3A_200, %dma_wait3A_201] : memref<16x128xi32, #tpu.memory_space<vmem>> -> memref<1x128xi32, #tpu.memory_space<vmem>>
      %dma_wait3A_203 = tpu.memref_squeeze %dma_wait3A_202 : memref<1x128xi32, #tpu.memory_space<vmem>> -> memref<128xi32, #tpu.memory_space<vmem>>
      %dma_wait3A_204 = arith.constant 0 : i32
      %dma_wait3A_205 = arith.constant 0 : i32
      %dma_wait3A_206 = tpu.memref_slice %arg2[%dma_wait3A_204, %dma_wait3A_205] : memref<10000x128xf32, #tpu.memory_space<hbm>> -> memref<10000x128xf32, #tpu.memory_space<hbm>>
      tpu.wait_indirect_dma semaphore(%arg13 : memref<!tpu.dma_semaphore, #tpu.memory_space<semaphore_mem>>) src(%dma_wait3A_206 : memref<10000x128xf32, #tpu.memory_space<hbm>>) dst(%arg10 : memref<128x128xf32, #tpu.memory_space<vmem>>)
      %run_scoped3A_207 = arith.constant 11 : i32
      "tpu.region"() ({
        %run_scoped3A_261 = tpu.sem_alloc : memref<!tpu.dma_semaphore, #tpu.memory_space<semaphore_mem>>
        %dma_start3A_262 = arith.constant 0 : i32
        %dma_start3A_263 = tpu.memref_slice %arg8[%run_scoped3A_207, %dma_start3A_262] : memref<16x128xi32, #tpu.memory_space<vmem>> -> memref<1x128xi32, #tpu.memory_space<vmem>>
        %dma_start3A_264 = tpu.memref_squeeze %dma_start3A_263 : memref<1x128xi32, #tpu.memory_space<vmem>> -> memref<128xi32, #tpu.memory_space<vmem>>
        %dma_start3A_265 = arith.constant 0 : i32
        %dma_start3A_266 = arith.constant 0 : i32
        %dma_start3A_267 = tpu.memref_slice %arg11[%dma_start3A_265, %dma_start3A_266] : memref<10000x128xf32, #tpu.memory_space<vmem_shared>> -> memref<10000x128xf32, #tpu.memory_space<vmem_shared>>
        tpu.enqueue_indirect_dma source(%arg10 : memref<128x128xf32, #tpu.memory_space<vmem>>) target(%dma_start3A_267 : memref<10000x128xf32, #tpu.memory_space<vmem_shared>>) offsets(%dma_start3A_264 : memref<128xi32, #tpu.memory_space<vmem>>) semaphore(%run_scoped3A_261 : memref<!tpu.dma_semaphore, #tpu.memory_space<semaphore_mem>>) {add = true}
        %dma_wait3A_268 = arith.constant 0 : i32
        %dma_wait3A_269 = tpu.memref_slice %arg8[%run_scoped3A_207, %dma_wait3A_268] : memref<16x128xi32, #tpu.memory_space<vmem>> -> memref<1x128xi32, #tpu.memory_space<vmem>>
        %dma_wait3A_270 = tpu.memref_squeeze %dma_wait3A_269 : memref<1x128xi32, #tpu.memory_space<vmem>> -> memref<128xi32, #tpu.memory_space<vmem>>
        %dma_wait3A_271 = arith.constant 0 : i32
        %dma_wait3A_272 = arith.constant 0 : i32
        %dma_wait3A_273 = tpu.memref_slice %arg11[%dma_wait3A_271, %dma_wait3A_272] : memref<10000x128xf32, #tpu.memory_space<vmem_shared>> -> memref<10000x128xf32, #tpu.memory_space<vmem_shared>>
        tpu.wait_indirect_dma semaphore(%run_scoped3A_261 : memref<!tpu.dma_semaphore, #tpu.memory_space<semaphore_mem>>) src(%arg10 : memref<128x128xf32, #tpu.memory_space<vmem>>) dst(%dma_wait3A_273 : memref<10000x128xf32, #tpu.memory_space<vmem_shared>>)
        tpu.yield
      }) : () -> ()
      %dma_start3A_208 = arith.constant 13 : i32
      %dma_start3A_209 = arith.constant 0 : i32
      %dma_start3A_210 = tpu.memref_slice %arg7[%dma_start3A_208, %dma_start3A_209] : memref<16x128xi32, #tpu.memory_space<vmem>> -> memref<1x128xi32, #tpu.memory_space<vmem>>
      %dma_start3A_211 = tpu.memref_squeeze %dma_start3A_210 : memref<1x128xi32, #tpu.memory_space<vmem>> -> memref<128xi32, #tpu.memory_space<vmem>>
      %dma_start3A_212 = arith.constant 0 : i32
      %dma_start3A_213 = arith.constant 0 : i32
      %dma_start3A_214 = tpu.memref_slice %arg2[%dma_start3A_212, %dma_start3A_213] : memref<10000x128xf32, #tpu.memory_space<hbm>> -> memref<10000x128xf32, #tpu.memory_space<hbm>>
      tpu.enqueue_indirect_dma source(%dma_start3A_214 : memref<10000x128xf32, #tpu.memory_space<hbm>>) target(%arg10 : memref<128x128xf32, #tpu.memory_space<vmem>>) offsets(%dma_start3A_211 : memref<128xi32, #tpu.memory_space<vmem>>) semaphore(%arg13 : memref<!tpu.dma_semaphore, #tpu.memory_space<semaphore_mem>>)
      %dma_wait3A_215 = arith.constant 12 : i32
      %dma_wait3A_216 = arith.constant 0 : i32
      %dma_wait3A_217 = tpu.memref_slice %arg7[%dma_wait3A_215, %dma_wait3A_216] : memref<16x128xi32, #tpu.memory_space<vmem>> -> memref<1x128xi32, #tpu.memory_space<vmem>>
      %dma_wait3A_218 = tpu.memref_squeeze %dma_wait3A_217 : memref<1x128xi32, #tpu.memory_space<vmem>> -> memref<128xi32, #tpu.memory_space<vmem>>
      %dma_wait3A_219 = arith.constant 0 : i32
      %dma_wait3A_220 = arith.constant 0 : i32
      %dma_wait3A_221 = tpu.memref_slice %arg2[%dma_wait3A_219, %dma_wait3A_220] : memref<10000x128xf32, #tpu.memory_space<hbm>> -> memref<10000x128xf32, #tpu.memory_space<hbm>>
      tpu.wait_indirect_dma semaphore(%arg12 : memref<!tpu.dma_semaphore, #tpu.memory_space<semaphore_mem>>) src(%dma_wait3A_221 : memref<10000x128xf32, #tpu.memory_space<hbm>>) dst(%arg9 : memref<128x128xf32, #tpu.memory_space<vmem>>)
      %run_scoped3A_222 = arith.constant 12 : i32
      "tpu.region"() ({
        %run_scoped3A_261 = tpu.sem_alloc : memref<!tpu.dma_semaphore, #tpu.memory_space<semaphore_mem>>
        %dma_start3A_262 = arith.constant 0 : i32
        %dma_start3A_263 = tpu.memref_slice %arg8[%run_scoped3A_222, %dma_start3A_262] : memref<16x128xi32, #tpu.memory_space<vmem>> -> memref<1x128xi32, #tpu.memory_space<vmem>>
        %dma_start3A_264 = tpu.memref_squeeze %dma_start3A_263 : memref<1x128xi32, #tpu.memory_space<vmem>> -> memref<128xi32, #tpu.memory_space<vmem>>
        %dma_start3A_265 = arith.constant 0 : i32
        %dma_start3A_266 = arith.constant 0 : i32
        %dma_start3A_267 = tpu.memref_slice %arg11[%dma_start3A_265, %dma_start3A_266] : memref<10000x128xf32, #tpu.memory_space<vmem_shared>> -> memref<10000x128xf32, #tpu.memory_space<vmem_shared>>
        tpu.enqueue_indirect_dma source(%arg9 : memref<128x128xf32, #tpu.memory_space<vmem>>) target(%dma_start3A_267 : memref<10000x128xf32, #tpu.memory_space<vmem_shared>>) offsets(%dma_start3A_264 : memref<128xi32, #tpu.memory_space<vmem>>) semaphore(%run_scoped3A_261 : memref<!tpu.dma_semaphore, #tpu.memory_space<semaphore_mem>>) {add = true}
        %dma_wait3A_268 = arith.constant 0 : i32
        %dma_wait3A_269 = tpu.memref_slice %arg8[%run_scoped3A_222, %dma_wait3A_268] : memref<16x128xi32, #tpu.memory_space<vmem>> -> memref<1x128xi32, #tpu.memory_space<vmem>>
        %dma_wait3A_270 = tpu.memref_squeeze %dma_wait3A_269 : memref<1x128xi32, #tpu.memory_space<vmem>> -> memref<128xi32, #tpu.memory_space<vmem>>
        %dma_wait3A_271 = arith.constant 0 : i32
        %dma_wait3A_272 = arith.constant 0 : i32
        %dma_wait3A_273 = tpu.memref_slice %arg11[%dma_wait3A_271, %dma_wait3A_272] : memref<10000x128xf32, #tpu.memory_space<vmem_shared>> -> memref<10000x128xf32, #tpu.memory_space<vmem_shared>>
        tpu.wait_indirect_dma semaphore(%run_scoped3A_261 : memref<!tpu.dma_semaphore, #tpu.memory_space<semaphore_mem>>) src(%arg9 : memref<128x128xf32, #tpu.memory_space<vmem>>) dst(%dma_wait3A_273 : memref<10000x128xf32, #tpu.memory_space<vmem_shared>>)
        tpu.yield
      }) : () -> ()
      %dma_start3A_223 = arith.constant 14 : i32
      %dma_start3A_224 = arith.constant 0 : i32
      %dma_start3A_225 = tpu.memref_slice %arg7[%dma_start3A_223, %dma_start3A_224] : memref<16x128xi32, #tpu.memory_space<vmem>> -> memref<1x128xi32, #tpu.memory_space<vmem>>
      %dma_start3A_226 = tpu.memref_squeeze %dma_start3A_225 : memref<1x128xi32, #tpu.memory_space<vmem>> -> memref<128xi32, #tpu.memory_space<vmem>>
      %dma_start3A_227 = arith.constant 0 : i32
      %dma_start3A_228 = arith.constant 0 : i32
      %dma_start3A_229 = tpu.memref_slice %arg2[%dma_start3A_227, %dma_start3A_228] : memref<10000x128xf32, #tpu.memory_space<hbm>> -> memref<10000x128xf32, #tpu.memory_space<hbm>>
      tpu.enqueue_indirect_dma source(%dma_start3A_229 : memref<10000x128xf32, #tpu.memory_space<hbm>>) target(%arg9 : memref<128x128xf32, #tpu.memory_space<vmem>>) offsets(%dma_start3A_226 : memref<128xi32, #tpu.memory_space<vmem>>) semaphore(%arg12 : memref<!tpu.dma_semaphore, #tpu.memory_space<semaphore_mem>>)
      %dma_wait3A_230 = arith.constant 13 : i32
      %dma_wait3A_231 = arith.constant 0 : i32
      %dma_wait3A_232 = tpu.memref_slice %arg7[%dma_wait3A_230, %dma_wait3A_231] : memref<16x128xi32, #tpu.memory_space<vmem>> -> memref<1x128xi32, #tpu.memory_space<vmem>>
      %dma_wait3A_233 = tpu.memref_squeeze %dma_wait3A_232 : memref<1x128xi32, #tpu.memory_space<vmem>> -> memref<128xi32, #tpu.memory_space<vmem>>
      %dma_wait3A_234 = arith.constant 0 : i32
      %dma_wait3A_235 = arith.constant 0 : i32
      %dma_wait3A_236 = tpu.memref_slice %arg2[%dma_wait3A_234, %dma_wait3A_235] : memref<10000x128xf32, #tpu.memory_space<hbm>> -> memref<10000x128xf32, #tpu.memory_space<hbm>>
      tpu.wait_indirect_dma semaphore(%arg13 : memref<!tpu.dma_semaphore, #tpu.memory_space<semaphore_mem>>) src(%dma_wait3A_236 : memref<10000x128xf32, #tpu.memory_space<hbm>>) dst(%arg10 : memref<128x128xf32, #tpu.memory_space<vmem>>)
      %run_scoped3A_237 = arith.constant 13 : i32
      "tpu.region"() ({
        %run_scoped3A_261 = tpu.sem_alloc : memref<!tpu.dma_semaphore, #tpu.memory_space<semaphore_mem>>
        %dma_start3A_262 = arith.constant 0 : i32
        %dma_start3A_263 = tpu.memref_slice %arg8[%run_scoped3A_237, %dma_start3A_262] : memref<16x128xi32, #tpu.memory_space<vmem>> -> memref<1x128xi32, #tpu.memory_space<vmem>>
        %dma_start3A_264 = tpu.memref_squeeze %dma_start3A_263 : memref<1x128xi32, #tpu.memory_space<vmem>> -> memref<128xi32, #tpu.memory_space<vmem>>
        %dma_start3A_265 = arith.constant 0 : i32
        %dma_start3A_266 = arith.constant 0 : i32
        %dma_start3A_267 = tpu.memref_slice %arg11[%dma_start3A_265, %dma_start3A_266] : memref<10000x128xf32, #tpu.memory_space<vmem_shared>> -> memref<10000x128xf32, #tpu.memory_space<vmem_shared>>
        tpu.enqueue_indirect_dma source(%arg10 : memref<128x128xf32, #tpu.memory_space<vmem>>) target(%dma_start3A_267 : memref<10000x128xf32, #tpu.memory_space<vmem_shared>>) offsets(%dma_start3A_264 : memref<128xi32, #tpu.memory_space<vmem>>) semaphore(%run_scoped3A_261 : memref<!tpu.dma_semaphore, #tpu.memory_space<semaphore_mem>>) {add = true}
        %dma_wait3A_268 = arith.constant 0 : i32
        %dma_wait3A_269 = tpu.memref_slice %arg8[%run_scoped3A_237, %dma_wait3A_268] : memref<16x128xi32, #tpu.memory_space<vmem>> -> memref<1x128xi32, #tpu.memory_space<vmem>>
        %dma_wait3A_270 = tpu.memref_squeeze %dma_wait3A_269 : memref<1x128xi32, #tpu.memory_space<vmem>> -> memref<128xi32, #tpu.memory_space<vmem>>
        %dma_wait3A_271 = arith.constant 0 : i32
        %dma_wait3A_272 = arith.constant 0 : i32
        %dma_wait3A_273 = tpu.memref_slice %arg11[%dma_wait3A_271, %dma_wait3A_272] : memref<10000x128xf32, #tpu.memory_space<vmem_shared>> -> memref<10000x128xf32, #tpu.memory_space<vmem_shared>>
        tpu.wait_indirect_dma semaphore(%run_scoped3A_261 : memref<!tpu.dma_semaphore, #tpu.memory_space<semaphore_mem>>) src(%arg10 : memref<128x128xf32, #tpu.memory_space<vmem>>) dst(%dma_wait3A_273 : memref<10000x128xf32, #tpu.memory_space<vmem_shared>>)
        tpu.yield
      }) : () -> ()
      %dma_start3A_238 = arith.constant 15 : i32
      %dma_start3A_239 = arith.constant 0 : i32
      %dma_start3A_240 = tpu.memref_slice %arg7[%dma_start3A_238, %dma_start3A_239] : memref<16x128xi32, #tpu.memory_space<vmem>> -> memref<1x128xi32, #tpu.memory_space<vmem>>
      %dma_start3A_241 = tpu.memref_squeeze %dma_start3A_240 : memref<1x128xi32, #tpu.memory_space<vmem>> -> memref<128xi32, #tpu.memory_space<vmem>>
      %dma_start3A_242 = arith.constant 0 : i32
      %dma_start3A_243 = arith.constant 0 : i32
      %dma_start3A_244 = tpu.memref_slice %arg2[%dma_start3A_242, %dma_start3A_243] : memref<10000x128xf32, #tpu.memory_space<hbm>> -> memref<10000x128xf32, #tpu.memory_space<hbm>>
      tpu.enqueue_indirect_dma source(%dma_start3A_244 : memref<10000x128xf32, #tpu.memory_space<hbm>>) target(%arg10 : memref<128x128xf32, #tpu.memory_space<vmem>>) offsets(%dma_start3A_241 : memref<128xi32, #tpu.memory_space<vmem>>) semaphore(%arg13 : memref<!tpu.dma_semaphore, #tpu.memory_space<semaphore_mem>>)
      %dma_wait3A_245 = arith.constant 14 : i32
      %dma_wait3A_246 = arith.constant 0 : i32
      %dma_wait3A_247 = tpu.memref_slice %arg7[%dma_wait3A_245, %dma_wait3A_246] : memref<16x128xi32, #tpu.memory_space<vmem>> -> memref<1x128xi32, #tpu.memory_space<vmem>>
      %dma_wait3A_248 = tpu.memref_squeeze %dma_wait3A_247 : memref<1x128xi32, #tpu.memory_space<vmem>> -> memref<128xi32, #tpu.memory_space<vmem>>
      %dma_wait3A_249 = arith.constant 0 : i32
      %dma_wait3A_250 = arith.constant 0 : i32
      %dma_wait3A_251 = tpu.memref_slice %arg2[%dma_wait3A_249, %dma_wait3A_250] : memref<10000x128xf32, #tpu.memory_space<hbm>> -> memref<10000x128xf32, #tpu.memory_space<hbm>>
      tpu.wait_indirect_dma semaphore(%arg12 : memref<!tpu.dma_semaphore, #tpu.memory_space<semaphore_mem>>) src(%dma_wait3A_251 : memref<10000x128xf32, #tpu.memory_space<hbm>>) dst(%arg9 : memref<128x128xf32, #tpu.memory_space<vmem>>)
      %run_scoped3A_252 = arith.constant 14 : i32
      "tpu.region"() ({
        %run_scoped3A_261 = tpu.sem_alloc : memref<!tpu.dma_semaphore, #tpu.memory_space<semaphore_mem>>
        %dma_start3A_262 = arith.constant 0 : i32
        %dma_start3A_263 = tpu.memref_slice %arg8[%run_scoped3A_252, %dma_start3A_262] : memref<16x128xi32, #tpu.memory_space<vmem>> -> memref<1x128xi32, #tpu.memory_space<vmem>>
        %dma_start3A_264 = tpu.memref_squeeze %dma_start3A_263 : memref<1x128xi32, #tpu.memory_space<vmem>> -> memref<128xi32, #tpu.memory_space<vmem>>
        %dma_start3A_265 = arith.constant 0 : i32
        %dma_start3A_266 = arith.constant 0 : i32
        %dma_start3A_267 = tpu.memref_slice %arg11[%dma_start3A_265, %dma_start3A_266] : memref<10000x128xf32, #tpu.memory_space<vmem_shared>> -> memref<10000x128xf32, #tpu.memory_space<vmem_shared>>
        tpu.enqueue_indirect_dma source(%arg9 : memref<128x128xf32, #tpu.memory_space<vmem>>) target(%dma_start3A_267 : memref<10000x128xf32, #tpu.memory_space<vmem_shared>>) offsets(%dma_start3A_264 : memref<128xi32, #tpu.memory_space<vmem>>) semaphore(%run_scoped3A_261 : memref<!tpu.dma_semaphore, #tpu.memory_space<semaphore_mem>>) {add = true}
        %dma_wait3A_268 = arith.constant 0 : i32
        %dma_wait3A_269 = tpu.memref_slice %arg8[%run_scoped3A_252, %dma_wait3A_268] : memref<16x128xi32, #tpu.memory_space<vmem>> -> memref<1x128xi32, #tpu.memory_space<vmem>>
        %dma_wait3A_270 = tpu.memref_squeeze %dma_wait3A_269 : memref<1x128xi32, #tpu.memory_space<vmem>> -> memref<128xi32, #tpu.memory_space<vmem>>
        %dma_wait3A_271 = arith.constant 0 : i32
        %dma_wait3A_272 = arith.constant 0 : i32
        %dma_wait3A_273 = tpu.memref_slice %arg11[%dma_wait3A_271, %dma_wait3A_272] : memref<10000x128xf32, #tpu.memory_space<vmem_shared>> -> memref<10000x128xf32, #tpu.memory_space<vmem_shared>>
        tpu.wait_indirect_dma semaphore(%run_scoped3A_261 : memref<!tpu.dma_semaphore, #tpu.memory_space<semaphore_mem>>) src(%arg9 : memref<128x128xf32, #tpu.memory_space<vmem>>) dst(%dma_wait3A_273 : memref<10000x128xf32, #tpu.memory_space<vmem_shared>>)
        tpu.yield
      }) : () -> ()
      %dma_wait3A_253 = arith.constant 15 : i32
      %dma_wait3A_254 = arith.constant 0 : i32
      %dma_wait3A_255 = tpu.memref_slice %arg7[%dma_wait3A_253, %dma_wait3A_254] : memref<16x128xi32, #tpu.memory_space<vmem>> -> memref<1x128xi32, #tpu.memory_space<vmem>>
      %dma_wait3A_256 = tpu.memref_squeeze %dma_wait3A_255 : memref<1x128xi32, #tpu.memory_space<vmem>> -> memref<128xi32, #tpu.memory_space<vmem>>
      %dma_wait3A_257 = arith.constant 0 : i32
      %dma_wait3A_258 = arith.constant 0 : i32
      %dma_wait3A_259 = tpu.memref_slice %arg2[%dma_wait3A_257, %dma_wait3A_258] : memref<10000x128xf32, #tpu.memory_space<hbm>> -> memref<10000x128xf32, #tpu.memory_space<hbm>>
      tpu.wait_indirect_dma semaphore(%arg13 : memref<!tpu.dma_semaphore, #tpu.memory_space<semaphore_mem>>) src(%dma_wait3A_259 : memref<10000x128xf32, #tpu.memory_space<hbm>>) dst(%arg10 : memref<128x128xf32, #tpu.memory_space<vmem>>)
      %run_scoped3A_260 = arith.constant 15 : i32
      "tpu.region"() ({
        %run_scoped3A_261 = tpu.sem_alloc : memref<!tpu.dma_semaphore, #tpu.memory_space<semaphore_mem>>
        %dma_start3A_262 = arith.constant 0 : i32
        %dma_start3A_263 = tpu.memref_slice %arg8[%run_scoped3A_260, %dma_start3A_262] : memref<16x128xi32, #tpu.memory_space<vmem>> -> memref<1x128xi32, #tpu.memory_space<vmem>>
        %dma_start3A_264 = tpu.memref_squeeze %dma_start3A_263 : memref<1x128xi32, #tpu.memory_space<vmem>> -> memref<128xi32, #tpu.memory_space<vmem>>
        %dma_start3A_265 = arith.constant 0 : i32
        %dma_start3A_266 = arith.constant 0 : i32
        %dma_start3A_267 = tpu.memref_slice %arg11[%dma_start3A_265, %dma_start3A_266] : memref<10000x128xf32, #tpu.memory_space<vmem_shared>> -> memref<10000x128xf32, #tpu.memory_space<vmem_shared>>
        tpu.enqueue_indirect_dma source(%arg10 : memref<128x128xf32, #tpu.memory_space<vmem>>) target(%dma_start3A_267 : memref<10000x128xf32, #tpu.memory_space<vmem_shared>>) offsets(%dma_start3A_264 : memref<128xi32, #tpu.memory_space<vmem>>) semaphore(%run_scoped3A_261 : memref<!tpu.dma_semaphore, #tpu.memory_space<semaphore_mem>>) {add = true}
        %dma_wait3A_268 = arith.constant 0 : i32
        %dma_wait3A_269 = tpu.memref_slice %arg8[%run_scoped3A_260, %dma_wait3A_268] : memref<16x128xi32, #tpu.memory_space<vmem>> -> memref<1x128xi32, #tpu.memory_space<vmem>>
        %dma_wait3A_270 = tpu.memref_squeeze %dma_wait3A_269 : memref<1x128xi32, #tpu.memory_space<vmem>> -> memref<128xi32, #tpu.memory_space<vmem>>
        %dma_wait3A_271 = arith.constant 0 : i32
        %dma_wait3A_272 = arith.constant 0 : i32
        %dma_wait3A_273 = tpu.memref_slice %arg11[%dma_wait3A_271, %dma_wait3A_272] : memref<10000x128xf32, #tpu.memory_space<vmem_shared>> -> memref<10000x128xf32, #tpu.memory_space<vmem_shared>>
        tpu.wait_indirect_dma semaphore(%run_scoped3A_261 : memref<!tpu.dma_semaphore, #tpu.memory_space<semaphore_mem>>) src(%arg10 : memref<128x128xf32, #tpu.memory_space<vmem>>) dst(%dma_wait3A_273 : memref<10000x128xf32, #tpu.memory_space<vmem_shared>>)
        tpu.yield
      }) : () -> ()
    }
    %scan3A_9 = arith.constant 5 : i32
    %barrier3A_10 = arith.constant 0 : index
    tpu.barrier barrier_id(%barrier3A_10)
    %lt3A_11 = arith.constant 15 : i32
    %lt3A_12 = arith.cmpi slt, %arg1, %lt3A_11 : i32
    %convert_element_type3A_13 = arith.extui %lt3A_12 : i1 to i32
    %cond3A_14 = arith.constant 0 : i32
    %cond3A_15 = arith.cmpi ne, %convert_element_type3A_13, %cond3A_14 : i32
    scf.if %cond3A_15 {
      %mul3A = arith.constant 624 : i32
      %mul3A_21 = arith.muli %arg1, %mul3A : i32
      "tpu.region"() ({
        %run_scoped3A = tpu.sem_alloc : memref<!tpu.dma_semaphore, #tpu.memory_space<semaphore_mem>>
        %dma_start3A = arith.constant 0 : i32
        %dma_start3A_22 = tpu.memref_slice %arg6[%arg0, %mul3A_21, %dma_start3A] : memref<2x10000x128xf32, #tpu.memory_space<hbm>> -> memref<1x624x128xf32, #tpu.memory_space<hbm>>
        %dma_start3A_23 = tpu.memref_squeeze %dma_start3A_22 : memref<1x624x128xf32, #tpu.memory_space<hbm>> -> memref<624x128xf32, #tpu.memory_space<hbm>>
        %dma_start3A_24 = arith.constant 0 : i32
        %dma_start3A_25 = tpu.memref_slice %arg11[%mul3A_21, %dma_start3A_24] : memref<10000x128xf32, #tpu.memory_space<vmem_shared>> -> memref<624x128xf32, #tpu.memory_space<vmem_shared>>
        tpu.enqueue_dma source(%dma_start3A_25 : memref<624x128xf32, #tpu.memory_space<vmem_shared>>) target(%dma_start3A_23 : memref<624x128xf32, #tpu.memory_space<hbm>>) target_semaphore(%run_scoped3A : memref<!tpu.dma_semaphore, #tpu.memory_space<semaphore_mem>>)
        %dma_wait3A = arith.constant 0 : i32
        %dma_wait3A_26 = tpu.memref_slice %arg6[%arg0, %mul3A_21, %dma_wait3A] : memref<2x10000x128xf32, #tpu.memory_space<hbm>> -> memref<1x624x128xf32, #tpu.memory_space<hbm>>
        %dma_wait3A_27 = tpu.memref_squeeze %dma_wait3A_26 : memref<1x624x128xf32, #tpu.memory_space<hbm>> -> memref<624x128xf32, #tpu.memory_space<hbm>>
        %dma_wait3A_28 = arith.constant 0 : i32
        %dma_wait3A_29 = tpu.memref_slice %arg11[%mul3A_21, %dma_wait3A_28] : memref<10000x128xf32, #tpu.memory_space<vmem_shared>> -> memref<624x128xf32, #tpu.memory_space<vmem_shared>>
        tpu.wait_dma2 semaphore(%run_scoped3A : memref<!tpu.dma_semaphore, #tpu.memory_space<semaphore_mem>>) src(%dma_wait3A_29 : memref<624x128xf32, #tpu.memory_space<vmem_shared>>) dst(%dma_wait3A_27 : memref<624x128xf32, #tpu.memory_space<hbm>>)
        tpu.yield
      }) : () -> ()
    } else {
    }
    %eq3A_16 = arith.constant 15 : i32
    %eq3A_17 = arith.cmpi eq, %arg1, %eq3A_16 : i32
    %convert_element_type3A_18 = arith.extui %eq3A_17 : i1 to i32
    %cond3A_19 = arith.constant 0 : i32
    %cond3A_20 = arith.cmpi ne, %convert_element_type3A_18, %cond3A_19 : i32
    scf.if %cond3A_20 {
      "tpu.region"() ({
        %run_scoped3A = tpu.sem_alloc : memref<!tpu.dma_semaphore, #tpu.memory_space<semaphore_mem>>
        %dma_start3A = arith.constant 9360 : i32
        %dma_start3A_21 = arith.constant 0 : i32
        %dma_start3A_22 = tpu.memref_slice %arg6[%arg0, %dma_start3A, %dma_start3A_21] : memref<2x10000x128xf32, #tpu.memory_space<hbm>> -> memref<1x640x128xf32, #tpu.memory_space<hbm>>
        %dma_start3A_23 = tpu.memref_squeeze %dma_start3A_22 : memref<1x640x128xf32, #tpu.memory_space<hbm>> -> memref<640x128xf32, #tpu.memory_space<hbm>>
        %dma_start3A_24 = arith.constant 9360 : i32
        %dma_start3A_25 = arith.constant 0 : i32
        %dma_start3A_26 = tpu.memref_slice %arg11[%dma_start3A_24, %dma_start3A_25] : memref<10000x128xf32, #tpu.memory_space<vmem_shared>> -> memref<640x128xf32, #tpu.memory_space<vmem_shared>>
        tpu.enqueue_dma source(%dma_start3A_26 : memref<640x128xf32, #tpu.memory_space<vmem_shared>>) target(%dma_start3A_23 : memref<640x128xf32, #tpu.memory_space<hbm>>) target_semaphore(%run_scoped3A : memref<!tpu.dma_semaphore, #tpu.memory_space<semaphore_mem>>)
        %dma_wait3A = arith.constant 9360 : i32
        %dma_wait3A_27 = arith.constant 0 : i32
        %dma_wait3A_28 = tpu.memref_slice %arg6[%arg0, %dma_wait3A, %dma_wait3A_27] : memref<2x10000x128xf32, #tpu.memory_space<hbm>> -> memref<1x640x128xf32, #tpu.memory_space<hbm>>
        %dma_wait3A_29 = tpu.memref_squeeze %dma_wait3A_28 : memref<1x640x128xf32, #tpu.memory_space<hbm>> -> memref<640x128xf32, #tpu.memory_space<hbm>>
        %dma_wait3A_30 = arith.constant 9360 : i32
        %dma_wait3A_31 = arith.constant 0 : i32
        %dma_wait3A_32 = tpu.memref_slice %arg11[%dma_wait3A_30, %dma_wait3A_31] : memref<10000x128xf32, #tpu.memory_space<vmem_shared>> -> memref<640x128xf32, #tpu.memory_space<vmem_shared>>
        tpu.wait_dma2 semaphore(%run_scoped3A : memref<!tpu.dma_semaphore, #tpu.memory_space<semaphore_mem>>) src(%dma_wait3A_32 : memref<640x128xf32, #tpu.memory_space<vmem_shared>>) dst(%dma_wait3A_29 : memref<640x128xf32, #tpu.memory_space<hbm>>)
        tpu.yield
      }) : () -> ()
    } else {
    }
    return
  }
}

#map = affine_map<(d0, d1) -> (0, 0, 0, 0, 0)>
#map1 = affine_map<(d0, d1) -> (0, 0)>
#map2 = affine_map<(d0, d1) -> (0, 0, 0)>
module attributes {stable_mosaic.version = 14 : i64} {
  func.func @deg(%arg0: i32, %arg1: i32, %arg2: memref<2x16x5x16x128xi32, #tpu.memory_space<hbm>>, %arg3: memref<10000x128xf32, #tpu.memory_space<hbm>>, %arg4: memref<128x128xf32, #tpu.memory_space<hbm>>, %arg5: memref<2x10000x128xf32, #tpu.memory_space<hbm>>, %arg6: memref<16x128xi32, #tpu.memory_space<vmem>>, %arg7: memref<128x128xf32, #tpu.memory_space<vmem>>, %arg8: memref<10000x128xf32, #tpu.memory_space<vmem_shared>>, %arg9: memref<!tpu.dma_semaphore, #tpu.memory_space<semaphore_mem>>) attributes {dimension_semantics = [#tpu.dimension_semantics<core_parallel>, #tpu.dimension_semantics<subcore_parallel>], iteration_bounds = array<i64: 2, 16>, scalar_prefetch = 0 : i64, scratch_operands = 4 : i64, tpu.core_type = #tpu.core_type<sc_vector_subcore>, window_params = [{transform_indices = #map}, {transform_indices = #map1}, {transform_indices = #map1}, {transform_indices = #map2}]} {
    %lt3A = arith.constant 15 : i32
    %lt3A_0 = arith.cmpi slt, %arg1, %lt3A : i32
    %convert_element_type3A = arith.extui %lt3A_0 : i1 to i32
    %cond3A = arith.constant 0 : i32
    %cond3A_1 = arith.cmpi ne, %convert_element_type3A, %cond3A : i32
    scf.if %cond3A_1 {
      %mul3A = arith.constant 624 : i32
      %mul3A_21 = arith.muli %arg1, %mul3A : i32
      "tpu.region"() ({
        %run_scoped3A = tpu.sem_alloc : memref<!tpu.dma_semaphore, #tpu.memory_space<semaphore_mem>>
        %dma_start3A = arith.constant 0 : i32
        %dma_start3A_22 = tpu.memref_slice %arg8[%mul3A_21, %dma_start3A] : memref<10000x128xf32, #tpu.memory_space<vmem_shared>> -> memref<624x128xf32, #tpu.memory_space<vmem_shared>>
        %dma_start3A_23 = arith.constant 0 : i32
        %dma_start3A_24 = tpu.memref_slice %arg3[%mul3A_21, %dma_start3A_23] : memref<10000x128xf32, #tpu.memory_space<hbm>> -> memref<624x128xf32, #tpu.memory_space<hbm>>
        tpu.enqueue_dma source(%dma_start3A_24 : memref<624x128xf32, #tpu.memory_space<hbm>>) target(%dma_start3A_22 : memref<624x128xf32, #tpu.memory_space<vmem_shared>>) target_semaphore(%run_scoped3A : memref<!tpu.dma_semaphore, #tpu.memory_space<semaphore_mem>>)
        %dma_wait3A = arith.constant 0 : i32
        %dma_wait3A_25 = tpu.memref_slice %arg8[%mul3A_21, %dma_wait3A] : memref<10000x128xf32, #tpu.memory_space<vmem_shared>> -> memref<624x128xf32, #tpu.memory_space<vmem_shared>>
        %dma_wait3A_26 = arith.constant 0 : i32
        %dma_wait3A_27 = tpu.memref_slice %arg3[%mul3A_21, %dma_wait3A_26] : memref<10000x128xf32, #tpu.memory_space<hbm>> -> memref<624x128xf32, #tpu.memory_space<hbm>>
        tpu.wait_dma2 semaphore(%run_scoped3A : memref<!tpu.dma_semaphore, #tpu.memory_space<semaphore_mem>>) src(%dma_wait3A_27 : memref<624x128xf32, #tpu.memory_space<hbm>>) dst(%dma_wait3A_25 : memref<624x128xf32, #tpu.memory_space<vmem_shared>>)
        tpu.yield
      }) : () -> ()
    } else {
    }
    %eq3A = arith.constant 15 : i32
    %eq3A_2 = arith.cmpi eq, %arg1, %eq3A : i32
    %convert_element_type3A_3 = arith.extui %eq3A_2 : i1 to i32
    %cond3A_4 = arith.constant 0 : i32
    %cond3A_5 = arith.cmpi ne, %convert_element_type3A_3, %cond3A_4 : i32
    scf.if %cond3A_5 {
      "tpu.region"() ({
        %run_scoped3A = tpu.sem_alloc : memref<!tpu.dma_semaphore, #tpu.memory_space<semaphore_mem>>
        %dma_start3A = arith.constant 9360 : i32
        %dma_start3A_21 = arith.constant 0 : i32
        %dma_start3A_22 = tpu.memref_slice %arg8[%dma_start3A, %dma_start3A_21] : memref<10000x128xf32, #tpu.memory_space<vmem_shared>> -> memref<640x128xf32, #tpu.memory_space<vmem_shared>>
        %dma_start3A_23 = arith.constant 9360 : i32
        %dma_start3A_24 = arith.constant 0 : i32
        %dma_start3A_25 = tpu.memref_slice %arg3[%dma_start3A_23, %dma_start3A_24] : memref<10000x128xf32, #tpu.memory_space<hbm>> -> memref<640x128xf32, #tpu.memory_space<hbm>>
        tpu.enqueue_dma source(%dma_start3A_25 : memref<640x128xf32, #tpu.memory_space<hbm>>) target(%dma_start3A_22 : memref<640x128xf32, #tpu.memory_space<vmem_shared>>) target_semaphore(%run_scoped3A : memref<!tpu.dma_semaphore, #tpu.memory_space<semaphore_mem>>)
        %dma_wait3A = arith.constant 9360 : i32
        %dma_wait3A_26 = arith.constant 0 : i32
        %dma_wait3A_27 = tpu.memref_slice %arg8[%dma_wait3A, %dma_wait3A_26] : memref<10000x128xf32, #tpu.memory_space<vmem_shared>> -> memref<640x128xf32, #tpu.memory_space<vmem_shared>>
        %dma_wait3A_28 = arith.constant 9360 : i32
        %dma_wait3A_29 = arith.constant 0 : i32
        %dma_wait3A_30 = tpu.memref_slice %arg3[%dma_wait3A_28, %dma_wait3A_29] : memref<10000x128xf32, #tpu.memory_space<hbm>> -> memref<640x128xf32, #tpu.memory_space<hbm>>
        tpu.wait_dma2 semaphore(%run_scoped3A : memref<!tpu.dma_semaphore, #tpu.memory_space<semaphore_mem>>) src(%dma_wait3A_30 : memref<640x128xf32, #tpu.memory_space<hbm>>) dst(%dma_wait3A_27 : memref<640x128xf32, #tpu.memory_space<vmem_shared>>)
        tpu.yield
      }) : () -> ()
    } else {
    }
    "tpu.region"() ({
      %run_scoped3A = tpu.sem_alloc : memref<!tpu.dma_semaphore, #tpu.memory_space<semaphore_mem>>
      tpu.enqueue_dma source(%arg4 : memref<128x128xf32, #tpu.memory_space<hbm>>) target(%arg7 : memref<128x128xf32, #tpu.memory_space<vmem>>) target_semaphore(%run_scoped3A : memref<!tpu.dma_semaphore, #tpu.memory_space<semaphore_mem>>)
      tpu.wait_dma2 semaphore(%run_scoped3A : memref<!tpu.dma_semaphore, #tpu.memory_space<semaphore_mem>>) src(%arg4 : memref<128x128xf32, #tpu.memory_space<hbm>>) dst(%arg7 : memref<128x128xf32, #tpu.memory_space<vmem>>)
      tpu.yield
    }) : () -> ()
    %barrier3A = arith.constant 0 : index
    tpu.barrier barrier_id(%barrier3A)
    %scan3A = arith.constant 0 : i32
    %scan3A_6 = arith.constant 5 : i32
    %scan3A_7 = arith.addi %scan3A, %scan3A_6 : i32
    %scan3A_8 = arith.constant 1 : i32
    scf.for %scan3A_21 = %scan3A to %scan3A_7 step %scan3A_8  : i32 {
      %mul3A = arith.constant 1 : i32
      %mul3A_22 = arith.muli %scan3A_21, %mul3A : i32
      %add3A = arith.constant 0 : i32
      %add3A_23 = arith.addi %add3A, %mul3A_22 : i32
      "tpu.region"() ({
        %run_scoped3A = tpu.sem_alloc : memref<!tpu.dma_semaphore, #tpu.memory_space<semaphore_mem>>
        %dma_start3A_246 = arith.constant 0 : i32
        %dma_start3A_247 = arith.constant 0 : i32
        %dma_start3A_248 = tpu.memref_slice %arg2[%arg0, %arg1, %add3A_23, %dma_start3A_246, %dma_start3A_247] : memref<2x16x5x16x128xi32, #tpu.memory_space<hbm>> -> memref<1x1x1x16x128xi32, #tpu.memory_space<hbm>>
        %dma_start3A_249 = tpu.memref_squeeze %dma_start3A_248 : memref<1x1x1x16x128xi32, #tpu.memory_space<hbm>> -> memref<16x128xi32, #tpu.memory_space<hbm>>
        %dma_start3A_250 = arith.constant 0 : i32
        %dma_start3A_251 = arith.constant 0 : i32
        %dma_start3A_252 = tpu.memref_slice %arg2[%arg0, %arg1, %add3A_23, %dma_start3A_250, %dma_start3A_251] : memref<2x16x5x16x128xi32, #tpu.memory_space<hbm>> -> memref<1x1x1x16x128xi32, #tpu.memory_space<hbm>>
        %dma_start3A_253 = tpu.memref_squeeze %dma_start3A_252 : memref<1x1x1x16x128xi32, #tpu.memory_space<hbm>> -> memref<16x128xi32, #tpu.memory_space<hbm>>
        tpu.enqueue_dma source(%dma_start3A_253 : memref<16x128xi32, #tpu.memory_space<hbm>>) target(%arg6 : memref<16x128xi32, #tpu.memory_space<vmem>>) target_semaphore(%run_scoped3A : memref<!tpu.dma_semaphore, #tpu.memory_space<semaphore_mem>>)
        %dma_wait3A_254 = arith.constant 0 : i32
        %dma_wait3A_255 = arith.constant 0 : i32
        %dma_wait3A_256 = tpu.memref_slice %arg2[%arg0, %arg1, %add3A_23, %dma_wait3A_254, %dma_wait3A_255] : memref<2x16x5x16x128xi32, #tpu.memory_space<hbm>> -> memref<1x1x1x16x128xi32, #tpu.memory_space<hbm>>
        %dma_wait3A_257 = tpu.memref_squeeze %dma_wait3A_256 : memref<1x1x1x16x128xi32, #tpu.memory_space<hbm>> -> memref<16x128xi32, #tpu.memory_space<hbm>>
        %dma_wait3A_258 = arith.constant 0 : i32
        %dma_wait3A_259 = arith.constant 0 : i32
        %dma_wait3A_260 = tpu.memref_slice %arg2[%arg0, %arg1, %add3A_23, %dma_wait3A_258, %dma_wait3A_259] : memref<2x16x5x16x128xi32, #tpu.memory_space<hbm>> -> memref<1x1x1x16x128xi32, #tpu.memory_space<hbm>>
        %dma_wait3A_261 = tpu.memref_squeeze %dma_wait3A_260 : memref<1x1x1x16x128xi32, #tpu.memory_space<hbm>> -> memref<16x128xi32, #tpu.memory_space<hbm>>
        tpu.wait_dma2 semaphore(%run_scoped3A : memref<!tpu.dma_semaphore, #tpu.memory_space<semaphore_mem>>) src(%dma_wait3A_261 : memref<16x128xi32, #tpu.memory_space<hbm>>) dst(%arg6 : memref<16x128xi32, #tpu.memory_space<vmem>>)
        tpu.yield
      }) : () -> ()
      %dma_start3A = arith.constant 0 : i32
      %dma_start3A_24 = arith.constant 0 : i32
      %dma_start3A_25 = tpu.memref_slice %arg6[%dma_start3A, %dma_start3A_24] : memref<16x128xi32, #tpu.memory_space<vmem>> -> memref<1x128xi32, #tpu.memory_space<vmem>>
      %dma_start3A_26 = tpu.memref_squeeze %dma_start3A_25 : memref<1x128xi32, #tpu.memory_space<vmem>> -> memref<128xi32, #tpu.memory_space<vmem>>
      %dma_start3A_27 = arith.constant 0 : i32
      %dma_start3A_28 = arith.constant 0 : i32
      %dma_start3A_29 = tpu.memref_slice %arg8[%dma_start3A_27, %dma_start3A_28] : memref<10000x128xf32, #tpu.memory_space<vmem_shared>> -> memref<10000x128xf32, #tpu.memory_space<vmem_shared>>
      tpu.enqueue_indirect_dma source(%arg7 : memref<128x128xf32, #tpu.memory_space<vmem>>) target(%dma_start3A_29 : memref<10000x128xf32, #tpu.memory_space<vmem_shared>>) offsets(%dma_start3A_26 : memref<128xi32, #tpu.memory_space<vmem>>) semaphore(%arg9 : memref<!tpu.dma_semaphore, #tpu.memory_space<semaphore_mem>>) {add = true}
      %dma_start3A_30 = arith.constant 1 : i32
      %dma_start3A_31 = arith.constant 0 : i32
      %dma_start3A_32 = tpu.memref_slice %arg6[%dma_start3A_30, %dma_start3A_31] : memref<16x128xi32, #tpu.memory_space<vmem>> -> memref<1x128xi32, #tpu.memory_space<vmem>>
      %dma_start3A_33 = tpu.memref_squeeze %dma_start3A_32 : memref<1x128xi32, #tpu.memory_space<vmem>> -> memref<128xi32, #tpu.memory_space<vmem>>
      %dma_start3A_34 = arith.constant 0 : i32
      %dma_start3A_35 = arith.constant 0 : i32
      %dma_start3A_36 = tpu.memref_slice %arg8[%dma_start3A_34, %dma_start3A_35] : memref<10000x128xf32, #tpu.memory_space<vmem_shared>> -> memref<10000x128xf32, #tpu.memory_space<vmem_shared>>
      tpu.enqueue_indirect_dma source(%arg7 : memref<128x128xf32, #tpu.memory_space<vmem>>) target(%dma_start3A_36 : memref<10000x128xf32, #tpu.memory_space<vmem_shared>>) offsets(%dma_start3A_33 : memref<128xi32, #tpu.memory_space<vmem>>) semaphore(%arg9 : memref<!tpu.dma_semaphore, #tpu.memory_space<semaphore_mem>>) {add = true}
      %dma_start3A_37 = arith.constant 2 : i32
      %dma_start3A_38 = arith.constant 0 : i32
      %dma_start3A_39 = tpu.memref_slice %arg6[%dma_start3A_37, %dma_start3A_38] : memref<16x128xi32, #tpu.memory_space<vmem>> -> memref<1x128xi32, #tpu.memory_space<vmem>>
      %dma_start3A_40 = tpu.memref_squeeze %dma_start3A_39 : memref<1x128xi32, #tpu.memory_space<vmem>> -> memref<128xi32, #tpu.memory_space<vmem>>
      %dma_start3A_41 = arith.constant 0 : i32
      %dma_start3A_42 = arith.constant 0 : i32
      %dma_start3A_43 = tpu.memref_slice %arg8[%dma_start3A_41, %dma_start3A_42] : memref<10000x128xf32, #tpu.memory_space<vmem_shared>> -> memref<10000x128xf32, #tpu.memory_space<vmem_shared>>
      tpu.enqueue_indirect_dma source(%arg7 : memref<128x128xf32, #tpu.memory_space<vmem>>) target(%dma_start3A_43 : memref<10000x128xf32, #tpu.memory_space<vmem_shared>>) offsets(%dma_start3A_40 : memref<128xi32, #tpu.memory_space<vmem>>) semaphore(%arg9 : memref<!tpu.dma_semaphore, #tpu.memory_space<semaphore_mem>>) {add = true}
      %dma_start3A_44 = arith.constant 3 : i32
      %dma_start3A_45 = arith.constant 0 : i32
      %dma_start3A_46 = tpu.memref_slice %arg6[%dma_start3A_44, %dma_start3A_45] : memref<16x128xi32, #tpu.memory_space<vmem>> -> memref<1x128xi32, #tpu.memory_space<vmem>>
      %dma_start3A_47 = tpu.memref_squeeze %dma_start3A_46 : memref<1x128xi32, #tpu.memory_space<vmem>> -> memref<128xi32, #tpu.memory_space<vmem>>
      %dma_start3A_48 = arith.constant 0 : i32
      %dma_start3A_49 = arith.constant 0 : i32
      %dma_start3A_50 = tpu.memref_slice %arg8[%dma_start3A_48, %dma_start3A_49] : memref<10000x128xf32, #tpu.memory_space<vmem_shared>> -> memref<10000x128xf32, #tpu.memory_space<vmem_shared>>
      tpu.enqueue_indirect_dma source(%arg7 : memref<128x128xf32, #tpu.memory_space<vmem>>) target(%dma_start3A_50 : memref<10000x128xf32, #tpu.memory_space<vmem_shared>>) offsets(%dma_start3A_47 : memref<128xi32, #tpu.memory_space<vmem>>) semaphore(%arg9 : memref<!tpu.dma_semaphore, #tpu.memory_space<semaphore_mem>>) {add = true}
      %dma_start3A_51 = arith.constant 4 : i32
      %dma_start3A_52 = arith.constant 0 : i32
      %dma_start3A_53 = tpu.memref_slice %arg6[%dma_start3A_51, %dma_start3A_52] : memref<16x128xi32, #tpu.memory_space<vmem>> -> memref<1x128xi32, #tpu.memory_space<vmem>>
      %dma_start3A_54 = tpu.memref_squeeze %dma_start3A_53 : memref<1x128xi32, #tpu.memory_space<vmem>> -> memref<128xi32, #tpu.memory_space<vmem>>
      %dma_start3A_55 = arith.constant 0 : i32
      %dma_start3A_56 = arith.constant 0 : i32
      %dma_start3A_57 = tpu.memref_slice %arg8[%dma_start3A_55, %dma_start3A_56] : memref<10000x128xf32, #tpu.memory_space<vmem_shared>> -> memref<10000x128xf32, #tpu.memory_space<vmem_shared>>
      tpu.enqueue_indirect_dma source(%arg7 : memref<128x128xf32, #tpu.memory_space<vmem>>) target(%dma_start3A_57 : memref<10000x128xf32, #tpu.memory_space<vmem_shared>>) offsets(%dma_start3A_54 : memref<128xi32, #tpu.memory_space<vmem>>) semaphore(%arg9 : memref<!tpu.dma_semaphore, #tpu.memory_space<semaphore_mem>>) {add = true}
      %dma_start3A_58 = arith.constant 5 : i32
      %dma_start3A_59 = arith.constant 0 : i32
      %dma_start3A_60 = tpu.memref_slice %arg6[%dma_start3A_58, %dma_start3A_59] : memref<16x128xi32, #tpu.memory_space<vmem>> -> memref<1x128xi32, #tpu.memory_space<vmem>>
      %dma_start3A_61 = tpu.memref_squeeze %dma_start3A_60 : memref<1x128xi32, #tpu.memory_space<vmem>> -> memref<128xi32, #tpu.memory_space<vmem>>
      %dma_start3A_62 = arith.constant 0 : i32
      %dma_start3A_63 = arith.constant 0 : i32
      %dma_start3A_64 = tpu.memref_slice %arg8[%dma_start3A_62, %dma_start3A_63] : memref<10000x128xf32, #tpu.memory_space<vmem_shared>> -> memref<10000x128xf32, #tpu.memory_space<vmem_shared>>
      tpu.enqueue_indirect_dma source(%arg7 : memref<128x128xf32, #tpu.memory_space<vmem>>) target(%dma_start3A_64 : memref<10000x128xf32, #tpu.memory_space<vmem_shared>>) offsets(%dma_start3A_61 : memref<128xi32, #tpu.memory_space<vmem>>) semaphore(%arg9 : memref<!tpu.dma_semaphore, #tpu.memory_space<semaphore_mem>>) {add = true}
      %dma_start3A_65 = arith.constant 6 : i32
      %dma_start3A_66 = arith.constant 0 : i32
      %dma_start3A_67 = tpu.memref_slice %arg6[%dma_start3A_65, %dma_start3A_66] : memref<16x128xi32, #tpu.memory_space<vmem>> -> memref<1x128xi32, #tpu.memory_space<vmem>>
      %dma_start3A_68 = tpu.memref_squeeze %dma_start3A_67 : memref<1x128xi32, #tpu.memory_space<vmem>> -> memref<128xi32, #tpu.memory_space<vmem>>
      %dma_start3A_69 = arith.constant 0 : i32
      %dma_start3A_70 = arith.constant 0 : i32
      %dma_start3A_71 = tpu.memref_slice %arg8[%dma_start3A_69, %dma_start3A_70] : memref<10000x128xf32, #tpu.memory_space<vmem_shared>> -> memref<10000x128xf32, #tpu.memory_space<vmem_shared>>
      tpu.enqueue_indirect_dma source(%arg7 : memref<128x128xf32, #tpu.memory_space<vmem>>) target(%dma_start3A_71 : memref<10000x128xf32, #tpu.memory_space<vmem_shared>>) offsets(%dma_start3A_68 : memref<128xi32, #tpu.memory_space<vmem>>) semaphore(%arg9 : memref<!tpu.dma_semaphore, #tpu.memory_space<semaphore_mem>>) {add = true}
      %dma_start3A_72 = arith.constant 7 : i32
      %dma_start3A_73 = arith.constant 0 : i32
      %dma_start3A_74 = tpu.memref_slice %arg6[%dma_start3A_72, %dma_start3A_73] : memref<16x128xi32, #tpu.memory_space<vmem>> -> memref<1x128xi32, #tpu.memory_space<vmem>>
      %dma_start3A_75 = tpu.memref_squeeze %dma_start3A_74 : memref<1x128xi32, #tpu.memory_space<vmem>> -> memref<128xi32, #tpu.memory_space<vmem>>
      %dma_start3A_76 = arith.constant 0 : i32
      %dma_start3A_77 = arith.constant 0 : i32
      %dma_start3A_78 = tpu.memref_slice %arg8[%dma_start3A_76, %dma_start3A_77] : memref<10000x128xf32, #tpu.memory_space<vmem_shared>> -> memref<10000x128xf32, #tpu.memory_space<vmem_shared>>
      tpu.enqueue_indirect_dma source(%arg7 : memref<128x128xf32, #tpu.memory_space<vmem>>) target(%dma_start3A_78 : memref<10000x128xf32, #tpu.memory_space<vmem_shared>>) offsets(%dma_start3A_75 : memref<128xi32, #tpu.memory_space<vmem>>) semaphore(%arg9 : memref<!tpu.dma_semaphore, #tpu.memory_space<semaphore_mem>>) {add = true}
      %dma_start3A_79 = arith.constant 8 : i32
      %dma_start3A_80 = arith.constant 0 : i32
      %dma_start3A_81 = tpu.memref_slice %arg6[%dma_start3A_79, %dma_start3A_80] : memref<16x128xi32, #tpu.memory_space<vmem>> -> memref<1x128xi32, #tpu.memory_space<vmem>>
      %dma_start3A_82 = tpu.memref_squeeze %dma_start3A_81 : memref<1x128xi32, #tpu.memory_space<vmem>> -> memref<128xi32, #tpu.memory_space<vmem>>
      %dma_start3A_83 = arith.constant 0 : i32
      %dma_start3A_84 = arith.constant 0 : i32
      %dma_start3A_85 = tpu.memref_slice %arg8[%dma_start3A_83, %dma_start3A_84] : memref<10000x128xf32, #tpu.memory_space<vmem_shared>> -> memref<10000x128xf32, #tpu.memory_space<vmem_shared>>
      tpu.enqueue_indirect_dma source(%arg7 : memref<128x128xf32, #tpu.memory_space<vmem>>) target(%dma_start3A_85 : memref<10000x128xf32, #tpu.memory_space<vmem_shared>>) offsets(%dma_start3A_82 : memref<128xi32, #tpu.memory_space<vmem>>) semaphore(%arg9 : memref<!tpu.dma_semaphore, #tpu.memory_space<semaphore_mem>>) {add = true}
      %dma_start3A_86 = arith.constant 9 : i32
      %dma_start3A_87 = arith.constant 0 : i32
      %dma_start3A_88 = tpu.memref_slice %arg6[%dma_start3A_86, %dma_start3A_87] : memref<16x128xi32, #tpu.memory_space<vmem>> -> memref<1x128xi32, #tpu.memory_space<vmem>>
      %dma_start3A_89 = tpu.memref_squeeze %dma_start3A_88 : memref<1x128xi32, #tpu.memory_space<vmem>> -> memref<128xi32, #tpu.memory_space<vmem>>
      %dma_start3A_90 = arith.constant 0 : i32
      %dma_start3A_91 = arith.constant 0 : i32
      %dma_start3A_92 = tpu.memref_slice %arg8[%dma_start3A_90, %dma_start3A_91] : memref<10000x128xf32, #tpu.memory_space<vmem_shared>> -> memref<10000x128xf32, #tpu.memory_space<vmem_shared>>
      tpu.enqueue_indirect_dma source(%arg7 : memref<128x128xf32, #tpu.memory_space<vmem>>) target(%dma_start3A_92 : memref<10000x128xf32, #tpu.memory_space<vmem_shared>>) offsets(%dma_start3A_89 : memref<128xi32, #tpu.memory_space<vmem>>) semaphore(%arg9 : memref<!tpu.dma_semaphore, #tpu.memory_space<semaphore_mem>>) {add = true}
      %dma_start3A_93 = arith.constant 10 : i32
      %dma_start3A_94 = arith.constant 0 : i32
      %dma_start3A_95 = tpu.memref_slice %arg6[%dma_start3A_93, %dma_start3A_94] : memref<16x128xi32, #tpu.memory_space<vmem>> -> memref<1x128xi32, #tpu.memory_space<vmem>>
      %dma_start3A_96 = tpu.memref_squeeze %dma_start3A_95 : memref<1x128xi32, #tpu.memory_space<vmem>> -> memref<128xi32, #tpu.memory_space<vmem>>
      %dma_start3A_97 = arith.constant 0 : i32
      %dma_start3A_98 = arith.constant 0 : i32
      %dma_start3A_99 = tpu.memref_slice %arg8[%dma_start3A_97, %dma_start3A_98] : memref<10000x128xf32, #tpu.memory_space<vmem_shared>> -> memref<10000x128xf32, #tpu.memory_space<vmem_shared>>
      tpu.enqueue_indirect_dma source(%arg7 : memref<128x128xf32, #tpu.memory_space<vmem>>) target(%dma_start3A_99 : memref<10000x128xf32, #tpu.memory_space<vmem_shared>>) offsets(%dma_start3A_96 : memref<128xi32, #tpu.memory_space<vmem>>) semaphore(%arg9 : memref<!tpu.dma_semaphore, #tpu.memory_space<semaphore_mem>>) {add = true}
      %dma_start3A_100 = arith.constant 11 : i32
      %dma_start3A_101 = arith.constant 0 : i32
      %dma_start3A_102 = tpu.memref_slice %arg6[%dma_start3A_100, %dma_start3A_101] : memref<16x128xi32, #tpu.memory_space<vmem>> -> memref<1x128xi32, #tpu.memory_space<vmem>>
      %dma_start3A_103 = tpu.memref_squeeze %dma_start3A_102 : memref<1x128xi32, #tpu.memory_space<vmem>> -> memref<128xi32, #tpu.memory_space<vmem>>
      %dma_start3A_104 = arith.constant 0 : i32
      %dma_start3A_105 = arith.constant 0 : i32
      %dma_start3A_106 = tpu.memref_slice %arg8[%dma_start3A_104, %dma_start3A_105] : memref<10000x128xf32, #tpu.memory_space<vmem_shared>> -> memref<10000x128xf32, #tpu.memory_space<vmem_shared>>
      tpu.enqueue_indirect_dma source(%arg7 : memref<128x128xf32, #tpu.memory_space<vmem>>) target(%dma_start3A_106 : memref<10000x128xf32, #tpu.memory_space<vmem_shared>>) offsets(%dma_start3A_103 : memref<128xi32, #tpu.memory_space<vmem>>) semaphore(%arg9 : memref<!tpu.dma_semaphore, #tpu.memory_space<semaphore_mem>>) {add = true}
      %dma_start3A_107 = arith.constant 12 : i32
      %dma_start3A_108 = arith.constant 0 : i32
      %dma_start3A_109 = tpu.memref_slice %arg6[%dma_start3A_107, %dma_start3A_108] : memref<16x128xi32, #tpu.memory_space<vmem>> -> memref<1x128xi32, #tpu.memory_space<vmem>>
      %dma_start3A_110 = tpu.memref_squeeze %dma_start3A_109 : memref<1x128xi32, #tpu.memory_space<vmem>> -> memref<128xi32, #tpu.memory_space<vmem>>
      %dma_start3A_111 = arith.constant 0 : i32
      %dma_start3A_112 = arith.constant 0 : i32
      %dma_start3A_113 = tpu.memref_slice %arg8[%dma_start3A_111, %dma_start3A_112] : memref<10000x128xf32, #tpu.memory_space<vmem_shared>> -> memref<10000x128xf32, #tpu.memory_space<vmem_shared>>
      tpu.enqueue_indirect_dma source(%arg7 : memref<128x128xf32, #tpu.memory_space<vmem>>) target(%dma_start3A_113 : memref<10000x128xf32, #tpu.memory_space<vmem_shared>>) offsets(%dma_start3A_110 : memref<128xi32, #tpu.memory_space<vmem>>) semaphore(%arg9 : memref<!tpu.dma_semaphore, #tpu.memory_space<semaphore_mem>>) {add = true}
      %dma_start3A_114 = arith.constant 13 : i32
      %dma_start3A_115 = arith.constant 0 : i32
      %dma_start3A_116 = tpu.memref_slice %arg6[%dma_start3A_114, %dma_start3A_115] : memref<16x128xi32, #tpu.memory_space<vmem>> -> memref<1x128xi32, #tpu.memory_space<vmem>>
      %dma_start3A_117 = tpu.memref_squeeze %dma_start3A_116 : memref<1x128xi32, #tpu.memory_space<vmem>> -> memref<128xi32, #tpu.memory_space<vmem>>
      %dma_start3A_118 = arith.constant 0 : i32
      %dma_start3A_119 = arith.constant 0 : i32
      %dma_start3A_120 = tpu.memref_slice %arg8[%dma_start3A_118, %dma_start3A_119] : memref<10000x128xf32, #tpu.memory_space<vmem_shared>> -> memref<10000x128xf32, #tpu.memory_space<vmem_shared>>
      tpu.enqueue_indirect_dma source(%arg7 : memref<128x128xf32, #tpu.memory_space<vmem>>) target(%dma_start3A_120 : memref<10000x128xf32, #tpu.memory_space<vmem_shared>>) offsets(%dma_start3A_117 : memref<128xi32, #tpu.memory_space<vmem>>) semaphore(%arg9 : memref<!tpu.dma_semaphore, #tpu.memory_space<semaphore_mem>>) {add = true}
      %dma_start3A_121 = arith.constant 14 : i32
      %dma_start3A_122 = arith.constant 0 : i32
      %dma_start3A_123 = tpu.memref_slice %arg6[%dma_start3A_121, %dma_start3A_122] : memref<16x128xi32, #tpu.memory_space<vmem>> -> memref<1x128xi32, #tpu.memory_space<vmem>>
      %dma_start3A_124 = tpu.memref_squeeze %dma_start3A_123 : memref<1x128xi32, #tpu.memory_space<vmem>> -> memref<128xi32, #tpu.memory_space<vmem>>
      %dma_start3A_125 = arith.constant 0 : i32
      %dma_start3A_126 = arith.constant 0 : i32
      %dma_start3A_127 = tpu.memref_slice %arg8[%dma_start3A_125, %dma_start3A_126] : memref<10000x128xf32, #tpu.memory_space<vmem_shared>> -> memref<10000x128xf32, #tpu.memory_space<vmem_shared>>
      tpu.enqueue_indirect_dma source(%arg7 : memref<128x128xf32, #tpu.memory_space<vmem>>) target(%dma_start3A_127 : memref<10000x128xf32, #tpu.memory_space<vmem_shared>>) offsets(%dma_start3A_124 : memref<128xi32, #tpu.memory_space<vmem>>) semaphore(%arg9 : memref<!tpu.dma_semaphore, #tpu.memory_space<semaphore_mem>>) {add = true}
      %dma_start3A_128 = arith.constant 15 : i32
      %dma_start3A_129 = arith.constant 0 : i32
      %dma_start3A_130 = tpu.memref_slice %arg6[%dma_start3A_128, %dma_start3A_129] : memref<16x128xi32, #tpu.memory_space<vmem>> -> memref<1x128xi32, #tpu.memory_space<vmem>>
      %dma_start3A_131 = tpu.memref_squeeze %dma_start3A_130 : memref<1x128xi32, #tpu.memory_space<vmem>> -> memref<128xi32, #tpu.memory_space<vmem>>
      %dma_start3A_132 = arith.constant 0 : i32
      %dma_start3A_133 = arith.constant 0 : i32
      %dma_start3A_134 = tpu.memref_slice %arg8[%dma_start3A_132, %dma_start3A_133] : memref<10000x128xf32, #tpu.memory_space<vmem_shared>> -> memref<10000x128xf32, #tpu.memory_space<vmem_shared>>
      tpu.enqueue_indirect_dma source(%arg7 : memref<128x128xf32, #tpu.memory_space<vmem>>) target(%dma_start3A_134 : memref<10000x128xf32, #tpu.memory_space<vmem_shared>>) offsets(%dma_start3A_131 : memref<128xi32, #tpu.memory_space<vmem>>) semaphore(%arg9 : memref<!tpu.dma_semaphore, #tpu.memory_space<semaphore_mem>>) {add = true}
      %dma_wait3A = arith.constant 0 : i32
      %dma_wait3A_135 = arith.constant 0 : i32
      %dma_wait3A_136 = tpu.memref_slice %arg6[%dma_wait3A, %dma_wait3A_135] : memref<16x128xi32, #tpu.memory_space<vmem>> -> memref<1x128xi32, #tpu.memory_space<vmem>>
      %dma_wait3A_137 = tpu.memref_squeeze %dma_wait3A_136 : memref<1x128xi32, #tpu.memory_space<vmem>> -> memref<128xi32, #tpu.memory_space<vmem>>
      %dma_wait3A_138 = arith.constant 0 : i32
      %dma_wait3A_139 = arith.constant 0 : i32
      %dma_wait3A_140 = tpu.memref_slice %arg8[%dma_wait3A_138, %dma_wait3A_139] : memref<10000x128xf32, #tpu.memory_space<vmem_shared>> -> memref<10000x128xf32, #tpu.memory_space<vmem_shared>>
      tpu.wait_indirect_dma semaphore(%arg9 : memref<!tpu.dma_semaphore, #tpu.memory_space<semaphore_mem>>) src(%arg7 : memref<128x128xf32, #tpu.memory_space<vmem>>) dst(%dma_wait3A_140 : memref<10000x128xf32, #tpu.memory_space<vmem_shared>>)
      %dma_wait3A_141 = arith.constant 1 : i32
      %dma_wait3A_142 = arith.constant 0 : i32
      %dma_wait3A_143 = tpu.memref_slice %arg6[%dma_wait3A_141, %dma_wait3A_142] : memref<16x128xi32, #tpu.memory_space<vmem>> -> memref<1x128xi32, #tpu.memory_space<vmem>>
      %dma_wait3A_144 = tpu.memref_squeeze %dma_wait3A_143 : memref<1x128xi32, #tpu.memory_space<vmem>> -> memref<128xi32, #tpu.memory_space<vmem>>
      %dma_wait3A_145 = arith.constant 0 : i32
      %dma_wait3A_146 = arith.constant 0 : i32
      %dma_wait3A_147 = tpu.memref_slice %arg8[%dma_wait3A_145, %dma_wait3A_146] : memref<10000x128xf32, #tpu.memory_space<vmem_shared>> -> memref<10000x128xf32, #tpu.memory_space<vmem_shared>>
      tpu.wait_indirect_dma semaphore(%arg9 : memref<!tpu.dma_semaphore, #tpu.memory_space<semaphore_mem>>) src(%arg7 : memref<128x128xf32, #tpu.memory_space<vmem>>) dst(%dma_wait3A_147 : memref<10000x128xf32, #tpu.memory_space<vmem_shared>>)
      %dma_wait3A_148 = arith.constant 2 : i32
      %dma_wait3A_149 = arith.constant 0 : i32
      %dma_wait3A_150 = tpu.memref_slice %arg6[%dma_wait3A_148, %dma_wait3A_149] : memref<16x128xi32, #tpu.memory_space<vmem>> -> memref<1x128xi32, #tpu.memory_space<vmem>>
      %dma_wait3A_151 = tpu.memref_squeeze %dma_wait3A_150 : memref<1x128xi32, #tpu.memory_space<vmem>> -> memref<128xi32, #tpu.memory_space<vmem>>
      %dma_wait3A_152 = arith.constant 0 : i32
      %dma_wait3A_153 = arith.constant 0 : i32
      %dma_wait3A_154 = tpu.memref_slice %arg8[%dma_wait3A_152, %dma_wait3A_153] : memref<10000x128xf32, #tpu.memory_space<vmem_shared>> -> memref<10000x128xf32, #tpu.memory_space<vmem_shared>>
      tpu.wait_indirect_dma semaphore(%arg9 : memref<!tpu.dma_semaphore, #tpu.memory_space<semaphore_mem>>) src(%arg7 : memref<128x128xf32, #tpu.memory_space<vmem>>) dst(%dma_wait3A_154 : memref<10000x128xf32, #tpu.memory_space<vmem_shared>>)
      %dma_wait3A_155 = arith.constant 3 : i32
      %dma_wait3A_156 = arith.constant 0 : i32
      %dma_wait3A_157 = tpu.memref_slice %arg6[%dma_wait3A_155, %dma_wait3A_156] : memref<16x128xi32, #tpu.memory_space<vmem>> -> memref<1x128xi32, #tpu.memory_space<vmem>>
      %dma_wait3A_158 = tpu.memref_squeeze %dma_wait3A_157 : memref<1x128xi32, #tpu.memory_space<vmem>> -> memref<128xi32, #tpu.memory_space<vmem>>
      %dma_wait3A_159 = arith.constant 0 : i32
      %dma_wait3A_160 = arith.constant 0 : i32
      %dma_wait3A_161 = tpu.memref_slice %arg8[%dma_wait3A_159, %dma_wait3A_160] : memref<10000x128xf32, #tpu.memory_space<vmem_shared>> -> memref<10000x128xf32, #tpu.memory_space<vmem_shared>>
      tpu.wait_indirect_dma semaphore(%arg9 : memref<!tpu.dma_semaphore, #tpu.memory_space<semaphore_mem>>) src(%arg7 : memref<128x128xf32, #tpu.memory_space<vmem>>) dst(%dma_wait3A_161 : memref<10000x128xf32, #tpu.memory_space<vmem_shared>>)
      %dma_wait3A_162 = arith.constant 4 : i32
      %dma_wait3A_163 = arith.constant 0 : i32
      %dma_wait3A_164 = tpu.memref_slice %arg6[%dma_wait3A_162, %dma_wait3A_163] : memref<16x128xi32, #tpu.memory_space<vmem>> -> memref<1x128xi32, #tpu.memory_space<vmem>>
      %dma_wait3A_165 = tpu.memref_squeeze %dma_wait3A_164 : memref<1x128xi32, #tpu.memory_space<vmem>> -> memref<128xi32, #tpu.memory_space<vmem>>
      %dma_wait3A_166 = arith.constant 0 : i32
      %dma_wait3A_167 = arith.constant 0 : i32
      %dma_wait3A_168 = tpu.memref_slice %arg8[%dma_wait3A_166, %dma_wait3A_167] : memref<10000x128xf32, #tpu.memory_space<vmem_shared>> -> memref<10000x128xf32, #tpu.memory_space<vmem_shared>>
      tpu.wait_indirect_dma semaphore(%arg9 : memref<!tpu.dma_semaphore, #tpu.memory_space<semaphore_mem>>) src(%arg7 : memref<128x128xf32, #tpu.memory_space<vmem>>) dst(%dma_wait3A_168 : memref<10000x128xf32, #tpu.memory_space<vmem_shared>>)
      %dma_wait3A_169 = arith.constant 5 : i32
      %dma_wait3A_170 = arith.constant 0 : i32
      %dma_wait3A_171 = tpu.memref_slice %arg6[%dma_wait3A_169, %dma_wait3A_170] : memref<16x128xi32, #tpu.memory_space<vmem>> -> memref<1x128xi32, #tpu.memory_space<vmem>>
      %dma_wait3A_172 = tpu.memref_squeeze %dma_wait3A_171 : memref<1x128xi32, #tpu.memory_space<vmem>> -> memref<128xi32, #tpu.memory_space<vmem>>
      %dma_wait3A_173 = arith.constant 0 : i32
      %dma_wait3A_174 = arith.constant 0 : i32
      %dma_wait3A_175 = tpu.memref_slice %arg8[%dma_wait3A_173, %dma_wait3A_174] : memref<10000x128xf32, #tpu.memory_space<vmem_shared>> -> memref<10000x128xf32, #tpu.memory_space<vmem_shared>>
      tpu.wait_indirect_dma semaphore(%arg9 : memref<!tpu.dma_semaphore, #tpu.memory_space<semaphore_mem>>) src(%arg7 : memref<128x128xf32, #tpu.memory_space<vmem>>) dst(%dma_wait3A_175 : memref<10000x128xf32, #tpu.memory_space<vmem_shared>>)
      %dma_wait3A_176 = arith.constant 6 : i32
      %dma_wait3A_177 = arith.constant 0 : i32
      %dma_wait3A_178 = tpu.memref_slice %arg6[%dma_wait3A_176, %dma_wait3A_177] : memref<16x128xi32, #tpu.memory_space<vmem>> -> memref<1x128xi32, #tpu.memory_space<vmem>>
      %dma_wait3A_179 = tpu.memref_squeeze %dma_wait3A_178 : memref<1x128xi32, #tpu.memory_space<vmem>> -> memref<128xi32, #tpu.memory_space<vmem>>
      %dma_wait3A_180 = arith.constant 0 : i32
      %dma_wait3A_181 = arith.constant 0 : i32
      %dma_wait3A_182 = tpu.memref_slice %arg8[%dma_wait3A_180, %dma_wait3A_181] : memref<10000x128xf32, #tpu.memory_space<vmem_shared>> -> memref<10000x128xf32, #tpu.memory_space<vmem_shared>>
      tpu.wait_indirect_dma semaphore(%arg9 : memref<!tpu.dma_semaphore, #tpu.memory_space<semaphore_mem>>) src(%arg7 : memref<128x128xf32, #tpu.memory_space<vmem>>) dst(%dma_wait3A_182 : memref<10000x128xf32, #tpu.memory_space<vmem_shared>>)
      %dma_wait3A_183 = arith.constant 7 : i32
      %dma_wait3A_184 = arith.constant 0 : i32
      %dma_wait3A_185 = tpu.memref_slice %arg6[%dma_wait3A_183, %dma_wait3A_184] : memref<16x128xi32, #tpu.memory_space<vmem>> -> memref<1x128xi32, #tpu.memory_space<vmem>>
      %dma_wait3A_186 = tpu.memref_squeeze %dma_wait3A_185 : memref<1x128xi32, #tpu.memory_space<vmem>> -> memref<128xi32, #tpu.memory_space<vmem>>
      %dma_wait3A_187 = arith.constant 0 : i32
      %dma_wait3A_188 = arith.constant 0 : i32
      %dma_wait3A_189 = tpu.memref_slice %arg8[%dma_wait3A_187, %dma_wait3A_188] : memref<10000x128xf32, #tpu.memory_space<vmem_shared>> -> memref<10000x128xf32, #tpu.memory_space<vmem_shared>>
      tpu.wait_indirect_dma semaphore(%arg9 : memref<!tpu.dma_semaphore, #tpu.memory_space<semaphore_mem>>) src(%arg7 : memref<128x128xf32, #tpu.memory_space<vmem>>) dst(%dma_wait3A_189 : memref<10000x128xf32, #tpu.memory_space<vmem_shared>>)
      %dma_wait3A_190 = arith.constant 8 : i32
      %dma_wait3A_191 = arith.constant 0 : i32
      %dma_wait3A_192 = tpu.memref_slice %arg6[%dma_wait3A_190, %dma_wait3A_191] : memref<16x128xi32, #tpu.memory_space<vmem>> -> memref<1x128xi32, #tpu.memory_space<vmem>>
      %dma_wait3A_193 = tpu.memref_squeeze %dma_wait3A_192 : memref<1x128xi32, #tpu.memory_space<vmem>> -> memref<128xi32, #tpu.memory_space<vmem>>
      %dma_wait3A_194 = arith.constant 0 : i32
      %dma_wait3A_195 = arith.constant 0 : i32
      %dma_wait3A_196 = tpu.memref_slice %arg8[%dma_wait3A_194, %dma_wait3A_195] : memref<10000x128xf32, #tpu.memory_space<vmem_shared>> -> memref<10000x128xf32, #tpu.memory_space<vmem_shared>>
      tpu.wait_indirect_dma semaphore(%arg9 : memref<!tpu.dma_semaphore, #tpu.memory_space<semaphore_mem>>) src(%arg7 : memref<128x128xf32, #tpu.memory_space<vmem>>) dst(%dma_wait3A_196 : memref<10000x128xf32, #tpu.memory_space<vmem_shared>>)
      %dma_wait3A_197 = arith.constant 9 : i32
      %dma_wait3A_198 = arith.constant 0 : i32
      %dma_wait3A_199 = tpu.memref_slice %arg6[%dma_wait3A_197, %dma_wait3A_198] : memref<16x128xi32, #tpu.memory_space<vmem>> -> memref<1x128xi32, #tpu.memory_space<vmem>>
      %dma_wait3A_200 = tpu.memref_squeeze %dma_wait3A_199 : memref<1x128xi32, #tpu.memory_space<vmem>> -> memref<128xi32, #tpu.memory_space<vmem>>
      %dma_wait3A_201 = arith.constant 0 : i32
      %dma_wait3A_202 = arith.constant 0 : i32
      %dma_wait3A_203 = tpu.memref_slice %arg8[%dma_wait3A_201, %dma_wait3A_202] : memref<10000x128xf32, #tpu.memory_space<vmem_shared>> -> memref<10000x128xf32, #tpu.memory_space<vmem_shared>>
      tpu.wait_indirect_dma semaphore(%arg9 : memref<!tpu.dma_semaphore, #tpu.memory_space<semaphore_mem>>) src(%arg7 : memref<128x128xf32, #tpu.memory_space<vmem>>) dst(%dma_wait3A_203 : memref<10000x128xf32, #tpu.memory_space<vmem_shared>>)
      %dma_wait3A_204 = arith.constant 10 : i32
      %dma_wait3A_205 = arith.constant 0 : i32
      %dma_wait3A_206 = tpu.memref_slice %arg6[%dma_wait3A_204, %dma_wait3A_205] : memref<16x128xi32, #tpu.memory_space<vmem>> -> memref<1x128xi32, #tpu.memory_space<vmem>>
      %dma_wait3A_207 = tpu.memref_squeeze %dma_wait3A_206 : memref<1x128xi32, #tpu.memory_space<vmem>> -> memref<128xi32, #tpu.memory_space<vmem>>
      %dma_wait3A_208 = arith.constant 0 : i32
      %dma_wait3A_209 = arith.constant 0 : i32
      %dma_wait3A_210 = tpu.memref_slice %arg8[%dma_wait3A_208, %dma_wait3A_209] : memref<10000x128xf32, #tpu.memory_space<vmem_shared>> -> memref<10000x128xf32, #tpu.memory_space<vmem_shared>>
      tpu.wait_indirect_dma semaphore(%arg9 : memref<!tpu.dma_semaphore, #tpu.memory_space<semaphore_mem>>) src(%arg7 : memref<128x128xf32, #tpu.memory_space<vmem>>) dst(%dma_wait3A_210 : memref<10000x128xf32, #tpu.memory_space<vmem_shared>>)
      %dma_wait3A_211 = arith.constant 11 : i32
      %dma_wait3A_212 = arith.constant 0 : i32
      %dma_wait3A_213 = tpu.memref_slice %arg6[%dma_wait3A_211, %dma_wait3A_212] : memref<16x128xi32, #tpu.memory_space<vmem>> -> memref<1x128xi32, #tpu.memory_space<vmem>>
      %dma_wait3A_214 = tpu.memref_squeeze %dma_wait3A_213 : memref<1x128xi32, #tpu.memory_space<vmem>> -> memref<128xi32, #tpu.memory_space<vmem>>
      %dma_wait3A_215 = arith.constant 0 : i32
      %dma_wait3A_216 = arith.constant 0 : i32
      %dma_wait3A_217 = tpu.memref_slice %arg8[%dma_wait3A_215, %dma_wait3A_216] : memref<10000x128xf32, #tpu.memory_space<vmem_shared>> -> memref<10000x128xf32, #tpu.memory_space<vmem_shared>>
      tpu.wait_indirect_dma semaphore(%arg9 : memref<!tpu.dma_semaphore, #tpu.memory_space<semaphore_mem>>) src(%arg7 : memref<128x128xf32, #tpu.memory_space<vmem>>) dst(%dma_wait3A_217 : memref<10000x128xf32, #tpu.memory_space<vmem_shared>>)
      %dma_wait3A_218 = arith.constant 12 : i32
      %dma_wait3A_219 = arith.constant 0 : i32
      %dma_wait3A_220 = tpu.memref_slice %arg6[%dma_wait3A_218, %dma_wait3A_219] : memref<16x128xi32, #tpu.memory_space<vmem>> -> memref<1x128xi32, #tpu.memory_space<vmem>>
      %dma_wait3A_221 = tpu.memref_squeeze %dma_wait3A_220 : memref<1x128xi32, #tpu.memory_space<vmem>> -> memref<128xi32, #tpu.memory_space<vmem>>
      %dma_wait3A_222 = arith.constant 0 : i32
      %dma_wait3A_223 = arith.constant 0 : i32
      %dma_wait3A_224 = tpu.memref_slice %arg8[%dma_wait3A_222, %dma_wait3A_223] : memref<10000x128xf32, #tpu.memory_space<vmem_shared>> -> memref<10000x128xf32, #tpu.memory_space<vmem_shared>>
      tpu.wait_indirect_dma semaphore(%arg9 : memref<!tpu.dma_semaphore, #tpu.memory_space<semaphore_mem>>) src(%arg7 : memref<128x128xf32, #tpu.memory_space<vmem>>) dst(%dma_wait3A_224 : memref<10000x128xf32, #tpu.memory_space<vmem_shared>>)
      %dma_wait3A_225 = arith.constant 13 : i32
      %dma_wait3A_226 = arith.constant 0 : i32
      %dma_wait3A_227 = tpu.memref_slice %arg6[%dma_wait3A_225, %dma_wait3A_226] : memref<16x128xi32, #tpu.memory_space<vmem>> -> memref<1x128xi32, #tpu.memory_space<vmem>>
      %dma_wait3A_228 = tpu.memref_squeeze %dma_wait3A_227 : memref<1x128xi32, #tpu.memory_space<vmem>> -> memref<128xi32, #tpu.memory_space<vmem>>
      %dma_wait3A_229 = arith.constant 0 : i32
      %dma_wait3A_230 = arith.constant 0 : i32
      %dma_wait3A_231 = tpu.memref_slice %arg8[%dma_wait3A_229, %dma_wait3A_230] : memref<10000x128xf32, #tpu.memory_space<vmem_shared>> -> memref<10000x128xf32, #tpu.memory_space<vmem_shared>>
      tpu.wait_indirect_dma semaphore(%arg9 : memref<!tpu.dma_semaphore, #tpu.memory_space<semaphore_mem>>) src(%arg7 : memref<128x128xf32, #tpu.memory_space<vmem>>) dst(%dma_wait3A_231 : memref<10000x128xf32, #tpu.memory_space<vmem_shared>>)
      %dma_wait3A_232 = arith.constant 14 : i32
      %dma_wait3A_233 = arith.constant 0 : i32
      %dma_wait3A_234 = tpu.memref_slice %arg6[%dma_wait3A_232, %dma_wait3A_233] : memref<16x128xi32, #tpu.memory_space<vmem>> -> memref<1x128xi32, #tpu.memory_space<vmem>>
      %dma_wait3A_235 = tpu.memref_squeeze %dma_wait3A_234 : memref<1x128xi32, #tpu.memory_space<vmem>> -> memref<128xi32, #tpu.memory_space<vmem>>
      %dma_wait3A_236 = arith.constant 0 : i32
      %dma_wait3A_237 = arith.constant 0 : i32
      %dma_wait3A_238 = tpu.memref_slice %arg8[%dma_wait3A_236, %dma_wait3A_237] : memref<10000x128xf32, #tpu.memory_space<vmem_shared>> -> memref<10000x128xf32, #tpu.memory_space<vmem_shared>>
      tpu.wait_indirect_dma semaphore(%arg9 : memref<!tpu.dma_semaphore, #tpu.memory_space<semaphore_mem>>) src(%arg7 : memref<128x128xf32, #tpu.memory_space<vmem>>) dst(%dma_wait3A_238 : memref<10000x128xf32, #tpu.memory_space<vmem_shared>>)
      %dma_wait3A_239 = arith.constant 15 : i32
      %dma_wait3A_240 = arith.constant 0 : i32
      %dma_wait3A_241 = tpu.memref_slice %arg6[%dma_wait3A_239, %dma_wait3A_240] : memref<16x128xi32, #tpu.memory_space<vmem>> -> memref<1x128xi32, #tpu.memory_space<vmem>>
      %dma_wait3A_242 = tpu.memref_squeeze %dma_wait3A_241 : memref<1x128xi32, #tpu.memory_space<vmem>> -> memref<128xi32, #tpu.memory_space<vmem>>
      %dma_wait3A_243 = arith.constant 0 : i32
      %dma_wait3A_244 = arith.constant 0 : i32
      %dma_wait3A_245 = tpu.memref_slice %arg8[%dma_wait3A_243, %dma_wait3A_244] : memref<10000x128xf32, #tpu.memory_space<vmem_shared>> -> memref<10000x128xf32, #tpu.memory_space<vmem_shared>>
      tpu.wait_indirect_dma semaphore(%arg9 : memref<!tpu.dma_semaphore, #tpu.memory_space<semaphore_mem>>) src(%arg7 : memref<128x128xf32, #tpu.memory_space<vmem>>) dst(%dma_wait3A_245 : memref<10000x128xf32, #tpu.memory_space<vmem_shared>>)
    }
    %scan3A_9 = arith.constant 5 : i32
    %barrier3A_10 = arith.constant 0 : index
    tpu.barrier barrier_id(%barrier3A_10)
    %lt3A_11 = arith.constant 15 : i32
    %lt3A_12 = arith.cmpi slt, %arg1, %lt3A_11 : i32
    %convert_element_type3A_13 = arith.extui %lt3A_12 : i1 to i32
    %cond3A_14 = arith.constant 0 : i32
    %cond3A_15 = arith.cmpi ne, %convert_element_type3A_13, %cond3A_14 : i32
    scf.if %cond3A_15 {
      %mul3A = arith.constant 624 : i32
      %mul3A_21 = arith.muli %arg1, %mul3A : i32
      "tpu.region"() ({
        %run_scoped3A = tpu.sem_alloc : memref<!tpu.dma_semaphore, #tpu.memory_space<semaphore_mem>>
        %dma_start3A = arith.constant 0 : i32
        %dma_start3A_22 = tpu.memref_slice %arg5[%arg0, %mul3A_21, %dma_start3A] : memref<2x10000x128xf32, #tpu.memory_space<hbm>> -> memref<1x624x128xf32, #tpu.memory_space<hbm>>
        %dma_start3A_23 = tpu.memref_squeeze %dma_start3A_22 : memref<1x624x128xf32, #tpu.memory_space<hbm>> -> memref<624x128xf32, #tpu.memory_space<hbm>>
        %dma_start3A_24 = arith.constant 0 : i32
        %dma_start3A_25 = tpu.memref_slice %arg8[%mul3A_21, %dma_start3A_24] : memref<10000x128xf32, #tpu.memory_space<vmem_shared>> -> memref<624x128xf32, #tpu.memory_space<vmem_shared>>
        tpu.enqueue_dma source(%dma_start3A_25 : memref<624x128xf32, #tpu.memory_space<vmem_shared>>) target(%dma_start3A_23 : memref<624x128xf32, #tpu.memory_space<hbm>>) target_semaphore(%run_scoped3A : memref<!tpu.dma_semaphore, #tpu.memory_space<semaphore_mem>>)
        %dma_wait3A = arith.constant 0 : i32
        %dma_wait3A_26 = tpu.memref_slice %arg5[%arg0, %mul3A_21, %dma_wait3A] : memref<2x10000x128xf32, #tpu.memory_space<hbm>> -> memref<1x624x128xf32, #tpu.memory_space<hbm>>
        %dma_wait3A_27 = tpu.memref_squeeze %dma_wait3A_26 : memref<1x624x128xf32, #tpu.memory_space<hbm>> -> memref<624x128xf32, #tpu.memory_space<hbm>>
        %dma_wait3A_28 = arith.constant 0 : i32
        %dma_wait3A_29 = tpu.memref_slice %arg8[%mul3A_21, %dma_wait3A_28] : memref<10000x128xf32, #tpu.memory_space<vmem_shared>> -> memref<624x128xf32, #tpu.memory_space<vmem_shared>>
        tpu.wait_dma2 semaphore(%run_scoped3A : memref<!tpu.dma_semaphore, #tpu.memory_space<semaphore_mem>>) src(%dma_wait3A_29 : memref<624x128xf32, #tpu.memory_space<vmem_shared>>) dst(%dma_wait3A_27 : memref<624x128xf32, #tpu.memory_space<hbm>>)
        tpu.yield
      }) : () -> ()
    } else {
    }
    %eq3A_16 = arith.constant 15 : i32
    %eq3A_17 = arith.cmpi eq, %arg1, %eq3A_16 : i32
    %convert_element_type3A_18 = arith.extui %eq3A_17 : i1 to i32
    %cond3A_19 = arith.constant 0 : i32
    %cond3A_20 = arith.cmpi ne, %convert_element_type3A_18, %cond3A_19 : i32
    scf.if %cond3A_20 {
      "tpu.region"() ({
        %run_scoped3A = tpu.sem_alloc : memref<!tpu.dma_semaphore, #tpu.memory_space<semaphore_mem>>
        %dma_start3A = arith.constant 9360 : i32
        %dma_start3A_21 = arith.constant 0 : i32
        %dma_start3A_22 = tpu.memref_slice %arg5[%arg0, %dma_start3A, %dma_start3A_21] : memref<2x10000x128xf32, #tpu.memory_space<hbm>> -> memref<1x640x128xf32, #tpu.memory_space<hbm>>
        %dma_start3A_23 = tpu.memref_squeeze %dma_start3A_22 : memref<1x640x128xf32, #tpu.memory_space<hbm>> -> memref<640x128xf32, #tpu.memory_space<hbm>>
        %dma_start3A_24 = arith.constant 9360 : i32
        %dma_start3A_25 = arith.constant 0 : i32
        %dma_start3A_26 = tpu.memref_slice %arg8[%dma_start3A_24, %dma_start3A_25] : memref<10000x128xf32, #tpu.memory_space<vmem_shared>> -> memref<640x128xf32, #tpu.memory_space<vmem_shared>>
        tpu.enqueue_dma source(%dma_start3A_26 : memref<640x128xf32, #tpu.memory_space<vmem_shared>>) target(%dma_start3A_23 : memref<640x128xf32, #tpu.memory_space<hbm>>) target_semaphore(%run_scoped3A : memref<!tpu.dma_semaphore, #tpu.memory_space<semaphore_mem>>)
        %dma_wait3A = arith.constant 9360 : i32
        %dma_wait3A_27 = arith.constant 0 : i32
        %dma_wait3A_28 = tpu.memref_slice %arg5[%arg0, %dma_wait3A, %dma_wait3A_27] : memref<2x10000x128xf32, #tpu.memory_space<hbm>> -> memref<1x640x128xf32, #tpu.memory_space<hbm>>
        %dma_wait3A_29 = tpu.memref_squeeze %dma_wait3A_28 : memref<1x640x128xf32, #tpu.memory_space<hbm>> -> memref<640x128xf32, #tpu.memory_space<hbm>>
        %dma_wait3A_30 = arith.constant 9360 : i32
        %dma_wait3A_31 = arith.constant 0 : i32
        %dma_wait3A_32 = tpu.memref_slice %arg8[%dma_wait3A_30, %dma_wait3A_31] : memref<10000x128xf32, #tpu.memory_space<vmem_shared>> -> memref<640x128xf32, #tpu.memory_space<vmem_shared>>
        tpu.wait_dma2 semaphore(%run_scoped3A : memref<!tpu.dma_semaphore, #tpu.memory_space<semaphore_mem>>) src(%dma_wait3A_32 : memref<640x128xf32, #tpu.memory_space<vmem_shared>>) dst(%dma_wait3A_29 : memref<640x128xf32, #tpu.memory_space<hbm>>)
        tpu.yield
      }) : () -> ()
    } else {
    }
    return
  }
}

module attributes {stable_mosaic.version = 14 : i64} {
  func.func @_tc_first(%arg0: memref<10000x128xf32, #tpu.memory_space<vmem>>, %arg1: memref<128x128xf32, #tpu.memory_space<vmem>>, %arg2: memref<2x10000x128xf32, #tpu.memory_space<vmem>>, %arg3: memref<10000x128xf32, #tpu.memory_space<vmem>>, %arg4: memref<10000x1xf32, #tpu.memory_space<vmem>>) attributes {dimension_semantics = [], scalar_prefetch = 0 : i64, scratch_operands = 0 : i64, tpu.core_type = #tpu.core_type<tc>} {
    %get3A = arith.constant 0 : index
    %get3A_0 = arith.constant 0 : index
    %get3A_1 = arith.constant 0 : index
    %get3A_2 = vector.load %arg2[%get3A, %get3A_0, %get3A_1] : memref<2x10000x128xf32, #tpu.memory_space<vmem>>, vector<1x10000x1xf32>
    %get3A_3 = vector.shape_cast %get3A_2 : vector<1x10000x1xf32> to vector<10000x1xf32>
    %get3A_4 = arith.constant 1 : index
    %get3A_5 = arith.constant 0 : index
    %get3A_6 = arith.constant 0 : index
    %get3A_7 = vector.load %arg2[%get3A_4, %get3A_5, %get3A_6] : memref<2x10000x128xf32, #tpu.memory_space<vmem>>, vector<1x10000x1xf32>
    %get3A_8 = vector.shape_cast %get3A_7 : vector<1x10000x1xf32> to vector<10000x1xf32>
    %add3A = arith.addf %get3A_3, %get3A_8 : vector<10000x1xf32>
    %iota3A = tpu.iota {dimensions = array<i32: 0>} : vector<10000x1xi32>
    %eq3A = arith.constant 0 : i32
    %eq3A_9 = vector.broadcast %eq3A : i32 to vector<10000x1xi32>
    %eq3A_10 = arith.cmpi eq, %iota3A, %eq3A_9 : vector<10000x1xi32>
    %convert_element_type3A = arith.extui %eq3A_10 : vector<10000x1xi1> to vector<10000x1xi32>
    %convert_element_type3A_11 = arith.sitofp %convert_element_type3A : vector<10000x1xi32> to vector<10000x1xf32>
    %mul3A = arith.constant 7.680000e+03 : f32
    %mul3A_12 = vector.broadcast %mul3A : f32 to vector<10000x1xf32>
    %mul3A_13 = arith.mulf %mul3A_12, %convert_element_type3A_11 : vector<10000x1xf32>
    %sub3A = arith.subf %add3A, %mul3A_13 : vector<10000x1xf32>
    %add3A_14 = arith.constant 1.000000e+00 : f32
    %add3A_15 = vector.broadcast %add3A_14 : f32 to vector<10000x1xf32>
    %add3A_16 = arith.addf %sub3A, %add3A_15 : vector<10000x1xf32>
    %rsqrt3A = math.rsqrt %add3A_16 : vector<10000x1xf32>
    %swap3A = arith.constant 0 : index
    %swap3A_17 = arith.constant 0 : index
    %swap3A_18 = vector.load %arg4[%swap3A, %swap3A_17] : memref<10000x1xf32, #tpu.memory_space<vmem>>, vector<10000x1xf32>
    tpu.vector_store %arg4[%swap3A, %swap3A_17], %rsqrt3A {strides = array<i32>} : memref<10000x1xf32, #tpu.memory_space<vmem>>, vector<10000x1xf32>,
    %get3A_19 = arith.constant 0 : index
    %get3A_20 = arith.constant 0 : index
    %get3A_21 = vector.load %arg0[%get3A_19, %get3A_20] : memref<10000x128xf32, #tpu.memory_space<vmem>>, vector<10000x128xf32>
    %get3A_22 = arith.constant 0 : index
    %get3A_23 = arith.constant 0 : index
    %get3A_24 = vector.load %arg1[%get3A_22, %get3A_23] : memref<128x128xf32, #tpu.memory_space<vmem>>, vector<128x128xf32>
    %dot_general3A = arith.constant dense<0.000000e+00> : vector<10000x128xf32>
    %dot_general3A_25 = tpu.matmul %get3A_21, %get3A_24, %dot_general3A {dimension_numbers = #tpu.dot_dimension_numbers<[1], [0], [0], [1], [0, 0, 1, 1], [], []>, transpose_lhs_hint = false} : vector<10000x128xf32>, vector<128x128xf32>, vector<10000x128xf32> -> vector<10000x128xf32>
    %mul3A_26 = vector.broadcast %rsqrt3A : vector<10000x1xf32> to vector<10000x128xf32>
    %mul3A_27 = arith.mulf %dot_general3A_25, %mul3A_26 : vector<10000x128xf32>
    %swap3A_28 = arith.constant 0 : index
    %swap3A_29 = arith.constant 0 : index
    %swap3A_30 = vector.load %arg3[%swap3A_28, %swap3A_29] : memref<10000x128xf32, #tpu.memory_space<vmem>>, vector<10000x128xf32>
    tpu.vector_store %arg3[%swap3A_28, %swap3A_29], %mul3A_27 {strides = array<i32>} : memref<10000x128xf32, #tpu.memory_space<vmem>>, vector<10000x128xf32>,
    return
  }
}

module attributes {stable_mosaic.version = 14 : i64} {
  func.func @_tc_mid(%arg0: memref<2x10000x128xf32, #tpu.memory_space<vmem>>, %arg1: memref<10000x128xf32, #tpu.memory_space<vmem>>, %arg2: memref<10000x1xf32, #tpu.memory_space<vmem>>, %arg3: memref<1x128xf32, #tpu.memory_space<vmem>>, %arg4: memref<128x128xf32, #tpu.memory_space<vmem>>, %arg5: memref<10000x128xf32, #tpu.memory_space<vmem>>, %arg6: memref<10000x128xf32, #tpu.memory_space<vmem>>) attributes {dimension_semantics = [], scalar_prefetch = 0 : i64, scratch_operands = 0 : i64, tpu.core_type = #tpu.core_type<tc>} {
    %get3A = arith.constant 0 : index
    %get3A_0 = arith.constant 0 : index
    %get3A_1 = vector.load %arg2[%get3A, %get3A_0] : memref<10000x1xf32, #tpu.memory_space<vmem>>, vector<10000x1xf32>
    %get3A_2 = arith.constant 0 : index
    %get3A_3 = arith.constant 0 : index
    %get3A_4 = vector.load %arg1[%get3A_2, %get3A_3] : memref<10000x128xf32, #tpu.memory_space<vmem>>, vector<10000x128xf32>
    %get3A_5 = arith.constant 0 : index
    %get3A_6 = arith.constant 0 : index
    %get3A_7 = arith.constant 0 : index
    %get3A_8 = vector.load %arg0[%get3A_5, %get3A_6, %get3A_7] : memref<2x10000x128xf32, #tpu.memory_space<vmem>>, vector<1x10000x128xf32>
    %get3A_9 = vector.shape_cast %get3A_8 : vector<1x10000x128xf32> to vector<10000x128xf32>
    %get3A_10 = arith.constant 1 : index
    %get3A_11 = arith.constant 0 : index
    %get3A_12 = arith.constant 0 : index
    %get3A_13 = vector.load %arg0[%get3A_10, %get3A_11, %get3A_12] : memref<2x10000x128xf32, #tpu.memory_space<vmem>>, vector<1x10000x128xf32>
    %get3A_14 = vector.shape_cast %get3A_13 : vector<1x10000x128xf32> to vector<10000x128xf32>
    %add3A = arith.addf %get3A_9, %get3A_14 : vector<10000x128xf32>
    %add3A_15 = arith.addf %add3A, %get3A_4 : vector<10000x128xf32>
    %iota3A = tpu.iota {dimensions = array<i32: 0>} : vector<10000x1xi32>
    %eq3A = arith.constant 0 : i32
    %eq3A_16 = vector.broadcast %eq3A : i32 to vector<10000x1xi32>
    %eq3A_17 = arith.cmpi eq, %iota3A, %eq3A_16 : vector<10000x1xi32>
    %convert_element_type3A = arith.extui %eq3A_17 : vector<10000x1xi1> to vector<10000x1xi32>
    %convert_element_type3A_18 = arith.sitofp %convert_element_type3A : vector<10000x1xi32> to vector<10000x1xf32>
    %mul3A = arith.constant 7.680000e+03 : f32
    %mul3A_19 = vector.broadcast %mul3A : f32 to vector<10000x1xf32>
    %mul3A_20 = arith.mulf %mul3A_19, %convert_element_type3A_18 : vector<10000x1xf32>
    %slice3A = vector.extract_strided_slice %get3A_4 {offsets = [0, 0], sizes = [1, 128], strides = [1, 1]} : vector<10000x128xf32> to vector<1x128xf32>
    %mul3A_21 = vector.broadcast %mul3A_20 : vector<10000x1xf32> to vector<10000x128xf32>
    %mul3A_22 = vector.broadcast %slice3A : vector<1x128xf32> to vector<10000x128xf32>
    %mul3A_23 = arith.mulf %mul3A_21, %mul3A_22 : vector<10000x128xf32>
    %sub3A = arith.subf %add3A_15, %mul3A_23 : vector<10000x128xf32>
    %swap3A = arith.constant 0 : index
    %swap3A_24 = arith.constant 0 : index
    %swap3A_25 = vector.load %arg6[%swap3A, %swap3A_24] : memref<10000x128xf32, #tpu.memory_space<vmem>>, vector<10000x128xf32>
    tpu.vector_store %arg6[%swap3A, %swap3A_24], %sub3A {strides = array<i32>} : memref<10000x128xf32, #tpu.memory_space<vmem>>, vector<10000x128xf32>,
    %mul3A_26 = vector.broadcast %get3A_1 : vector<10000x1xf32> to vector<10000x128xf32>
    %mul3A_27 = arith.mulf %sub3A, %mul3A_26 : vector<10000x128xf32>
    %get3A_28 = arith.constant 0 : index
    %get3A_29 = arith.constant 0 : index
    %get3A_30 = vector.load %arg3[%get3A_28, %get3A_29] : memref<1x128xf32, #tpu.memory_space<vmem>>, vector<1x128xf32>
    %add3A_31 = vector.broadcast %get3A_30 : vector<1x128xf32> to vector<10000x128xf32>
    %add3A_32 = arith.addf %mul3A_27, %add3A_31 : vector<10000x128xf32>
    %max3A = arith.constant 0.000000e+00 : f32
    %max3A_33 = vector.broadcast %max3A : f32 to vector<10000x128xf32>
    %max3A_34 = arith.maximumf %add3A_32, %max3A_33 : vector<10000x128xf32>
    %get3A_35 = arith.constant 0 : index
    %get3A_36 = arith.constant 0 : index
    %get3A_37 = vector.load %arg4[%get3A_35, %get3A_36] : memref<128x128xf32, #tpu.memory_space<vmem>>, vector<128x128xf32>
    %dot_general3A = arith.constant dense<0.000000e+00> : vector<10000x128xf32>
    %dot_general3A_38 = tpu.matmul %max3A_34, %get3A_37, %dot_general3A {dimension_numbers = #tpu.dot_dimension_numbers<[1], [0], [0], [1], [0, 0, 1, 1], [], []>, transpose_lhs_hint = false} : vector<10000x128xf32>, vector<128x128xf32>, vector<10000x128xf32> -> vector<10000x128xf32>
    %mul3A_39 = vector.broadcast %get3A_1 : vector<10000x1xf32> to vector<10000x128xf32>
    %mul3A_40 = arith.mulf %dot_general3A_38, %mul3A_39 : vector<10000x128xf32>
    %swap3A_41 = arith.constant 0 : index
    %swap3A_42 = arith.constant 0 : index
    %swap3A_43 = vector.load %arg5[%swap3A_41, %swap3A_42] : memref<10000x128xf32, #tpu.memory_space<vmem>>, vector<10000x128xf32>
    tpu.vector_store %arg5[%swap3A_41, %swap3A_42], %mul3A_40 {strides = array<i32>} : memref<10000x128xf32, #tpu.memory_space<vmem>>, vector<10000x128xf32>,
    return
  }
}

module attributes {stable_mosaic.version = 14 : i64} {
  func.func @_tc_head(%arg0: memref<10000x128xf32, #tpu.memory_space<vmem>>, %arg1: memref<10000x1xf32, #tpu.memory_space<vmem>>, %arg2: memref<1x128xf32, #tpu.memory_space<vmem>>, %arg3: memref<1x10000xi32, #tpu.memory_space<vmem>>, %arg4: memref<8x128xf32, #tpu.memory_space<vmem>>, %arg5: memref<128x64xf32, #tpu.memory_space<vmem>>, %arg6: memref<1x64xf32, #tpu.memory_space<vmem>>, %arg7: memref<64x128xf32, #tpu.memory_space<vmem>>, %arg8: memref<1x128xf32, #tpu.memory_space<vmem>>, %arg9: memref<128x64xf32, #tpu.memory_space<vmem>>, %arg10: memref<1x64xf32, #tpu.memory_space<vmem>>, %arg11: memref<128x128xf32, #tpu.memory_space<vmem>>, %arg12: memref<1x128xf32, #tpu.memory_space<vmem>>, %arg13: memref<128x64xf32, #tpu.memory_space<vmem>>, %arg14: memref<1x64xf32, #tpu.memory_space<vmem>>, %arg15: memref<128x64xf32, #tpu.memory_space<vmem>>, %arg16: memref<1x64xf32, #tpu.memory_space<vmem>>, %arg17: memref<64x1xf32, #tpu.memory_space<vmem>>, %arg18: memref<1x1xf32, #tpu.memory_space<vmem>>, %arg19: memref<256x1xf32, #tpu.memory_space<vmem>>, %arg20: memref<256x64xf32, #tpu.memory_space<vmem>>, %arg21: memref<1x64xf32, #tpu.memory_space<vmem>>) attributes {dimension_semantics = [], scalar_prefetch = 0 : i64, scratch_operands = 0 : i64, tpu.core_type = #tpu.core_type<tc>} {
    %get3A = arith.constant 0 : index
    %get3A_0 = arith.constant 0 : index
    %get3A_1 = vector.load %arg1[%get3A, %get3A_0] : memref<10000x1xf32, #tpu.memory_space<vmem>>, vector<10000x1xf32>
    %get3A_2 = arith.constant 0 : index
    %get3A_3 = arith.constant 0 : index
    %get3A_4 = vector.load %arg0[%get3A_2, %get3A_3] : memref<10000x128xf32, #tpu.memory_space<vmem>>, vector<10000x128xf32>
    %mul3A = vector.broadcast %get3A_1 : vector<10000x1xf32> to vector<10000x128xf32>
    %mul3A_5 = arith.mulf %get3A_4, %mul3A : vector<10000x128xf32>
    %get3A_6 = arith.constant 0 : index
    %get3A_7 = arith.constant 0 : index
    %get3A_8 = vector.load %arg2[%get3A_6, %get3A_7] : memref<1x128xf32, #tpu.memory_space<vmem>>, vector<1x128xf32>
    %add3A = vector.broadcast %get3A_8 : vector<1x128xf32> to vector<10000x128xf32>
    %add3A_9 = arith.addf %mul3A_5, %add3A : vector<10000x128xf32>
    %max3A = arith.constant 0.000000e+00 : f32
    %max3A_10 = vector.broadcast %max3A : f32 to vector<10000x128xf32>
    %max3A_11 = arith.maximumf %add3A_9, %max3A_10 : vector<10000x128xf32>
    %get3A_12 = arith.constant 0 : index
    %get3A_13 = arith.constant 0 : index
    %get3A_14 = vector.load %arg3[%get3A_12, %get3A_13] : memref<1x10000xi32, #tpu.memory_space<vmem>>, vector<1x10000xi32>
    %broadcast_in_dim3A = vector.shape_cast %get3A_14 : vector<1x10000xi32> to vector<1x10000xi32>
    %broadcast_in_dim3A_15 = vector.broadcast %broadcast_in_dim3A : vector<1x10000xi32> to vector<256x10000xi32>
    %iota3A = tpu.iota {dimensions = array<i32: 0>} : vector<256x10000xi32>
    %eq3A = arith.cmpi eq, %iota3A, %broadcast_in_dim3A_15 : vector<256x10000xi32>
    %convert_element_type3A = arith.extui %eq3A : vector<256x10000xi1> to vector<256x10000xi32>
    %convert_element_type3A_16 = arith.sitofp %convert_element_type3A : vector<256x10000xi32> to vector<256x10000xf32>
    %dot_general3A = arith.constant dense<0.000000e+00> : vector<256x128xf32>
    %dot_general3A_17 = tpu.matmul %convert_element_type3A_16, %max3A_11, %dot_general3A {dimension_numbers = #tpu.dot_dimension_numbers<[1], [0], [0], [1], [0, 0, 1, 1], [], []>, transpose_lhs_hint = false} : vector<256x10000xf32>, vector<10000x128xf32>, vector<256x128xf32> -> vector<256x128xf32>
    %broadcast_in_dim3A_18 = arith.constant 1.000000e+00 : f32
    %broadcast_in_dim3A_19 = vector.broadcast %broadcast_in_dim3A_18 : f32 to vector<10000x1xf32>
    %dot_general3A_20 = arith.constant dense<0.000000e+00> : vector<256x1xf32>
    %dot_general3A_21 = tpu.matmul %convert_element_type3A_16, %broadcast_in_dim3A_19, %dot_general3A_20 {dimension_numbers = #tpu.dot_dimension_numbers<[1], [0], [0], [1], [0, 0, 1, 1], [], []>, transpose_lhs_hint = false} : vector<256x10000xf32>, vector<10000x1xf32>, vector<256x1xf32> -> vector<256x1xf32>
    %max3A_22 = arith.constant 1.000000e+00 : f32
    %max3A_23 = vector.broadcast %max3A_22 : f32 to vector<256x1xf32>
    %max3A_24 = arith.maximumf %dot_general3A_21, %max3A_23 : vector<256x1xf32>
    %div3A = vector.broadcast %max3A_24 : vector<256x1xf32> to vector<256x128xf32>
    %div3A_25 = arith.divf %dot_general3A_17, %div3A : vector<256x128xf32>
    %get3A_26 = arith.constant 0 : index
    %get3A_27 = arith.constant 0 : index
    %get3A_28 = vector.load %arg11[%get3A_26, %get3A_27] : memref<128x128xf32, #tpu.memory_space<vmem>>, vector<128x128xf32>
    %dot_general3A_29 = arith.constant dense<0.000000e+00> : vector<256x128xf32>
    %dot_general3A_30 = tpu.matmul %div3A_25, %get3A_28, %dot_general3A_29 {dimension_numbers = #tpu.dot_dimension_numbers<[1], [0], [0], [1], [0, 0, 1, 1], [], []>, transpose_lhs_hint = false} : vector<256x128xf32>, vector<128x128xf32>, vector<256x128xf32> -> vector<256x128xf32>
    %get3A_31 = arith.constant 0 : index
    %get3A_32 = arith.constant 0 : index
    %get3A_33 = vector.load %arg12[%get3A_31, %get3A_32] : memref<1x128xf32, #tpu.memory_space<vmem>>, vector<1x128xf32>
    %add3A_34 = vector.broadcast %get3A_33 : vector<1x128xf32> to vector<256x128xf32>
    %add3A_35 = arith.addf %dot_general3A_30, %add3A_34 : vector<256x128xf32>
    %max3A_36 = arith.constant 0.000000e+00 : f32
    %max3A_37 = vector.broadcast %max3A_36 : f32 to vector<256x128xf32>
    %max3A_38 = arith.maximumf %add3A_35, %max3A_37 : vector<256x128xf32>
    %get3A_39 = arith.constant 0 : index
    %get3A_40 = arith.constant 0 : index
    %get3A_41 = vector.load %arg13[%get3A_39, %get3A_40] : memref<128x64xf32, #tpu.memory_space<vmem>>, vector<128x64xf32>
    %dot_general3A_42 = arith.constant dense<0.000000e+00> : vector<256x64xf32>
    %dot_general3A_43 = tpu.matmul %max3A_38, %get3A_41, %dot_general3A_42 {dimension_numbers = #tpu.dot_dimension_numbers<[1], [0], [0], [1], [0, 0, 1, 1], [], []>, transpose_lhs_hint = false} : vector<256x128xf32>, vector<128x64xf32>, vector<256x64xf32> -> vector<256x64xf32>
    %get3A_44 = arith.constant 0 : index
    %get3A_45 = arith.constant 0 : index
    %get3A_46 = vector.load %arg14[%get3A_44, %get3A_45] : memref<1x64xf32, #tpu.memory_space<vmem>>, vector<1x64xf32>
    %add3A_47 = vector.broadcast %get3A_46 : vector<1x64xf32> to vector<256x64xf32>
    %add3A_48 = arith.addf %dot_general3A_43, %add3A_47 : vector<256x64xf32>
    %swap3A = arith.constant 0 : index
    %swap3A_49 = arith.constant 0 : index
    %swap3A_50 = vector.load %arg20[%swap3A, %swap3A_49] : memref<256x64xf32, #tpu.memory_space<vmem>>, vector<256x64xf32>
    tpu.vector_store %arg20[%swap3A, %swap3A_49], %add3A_48 {strides = array<i32>} : memref<256x64xf32, #tpu.memory_space<vmem>>, vector<256x64xf32>,
    %get3A_51 = arith.constant 0 : index
    %get3A_52 = arith.constant 0 : index
    %get3A_53 = vector.load %arg4[%get3A_51, %get3A_52] : memref<8x128xf32, #tpu.memory_space<vmem>>, vector<8x128xf32>
    %get3A_54 = arith.constant 0 : index
    %get3A_55 = arith.constant 0 : index
    %get3A_56 = vector.load %arg5[%get3A_54, %get3A_55] : memref<128x64xf32, #tpu.memory_space<vmem>>, vector<128x64xf32>
    %dot_general3A_57 = arith.constant dense<0.000000e+00> : vector<8x64xf32>
    %dot_general3A_58 = tpu.matmul %get3A_53, %get3A_56, %dot_general3A_57 {dimension_numbers = #tpu.dot_dimension_numbers<[1], [0], [0], [1], [0, 0, 1, 1], [], []>, transpose_lhs_hint = false} : vector<8x128xf32>, vector<128x64xf32>, vector<8x64xf32> -> vector<8x64xf32>
    %get3A_59 = arith.constant 0 : index
    %get3A_60 = arith.constant 0 : index
    %get3A_61 = vector.load %arg6[%get3A_59, %get3A_60] : memref<1x64xf32, #tpu.memory_space<vmem>>, vector<1x64xf32>
    %add3A_62 = vector.broadcast %get3A_61 : vector<1x64xf32> to vector<8x64xf32>
    %add3A_63 = arith.addf %dot_general3A_58, %add3A_62 : vector<8x64xf32>
    %max3A_64 = arith.constant 0.000000e+00 : f32
    %max3A_65 = vector.broadcast %max3A_64 : f32 to vector<8x64xf32>
    %max3A_66 = arith.maximumf %add3A_63, %max3A_65 : vector<8x64xf32>
    %get3A_67 = arith.constant 0 : index
    %get3A_68 = arith.constant 0 : index
    %get3A_69 = vector.load %arg7[%get3A_67, %get3A_68] : memref<64x128xf32, #tpu.memory_space<vmem>>, vector<64x128xf32>
    %dot_general3A_70 = arith.constant dense<0.000000e+00> : vector<8x128xf32>
    %dot_general3A_71 = tpu.matmul %max3A_66, %get3A_69, %dot_general3A_70 {dimension_numbers = #tpu.dot_dimension_numbers<[1], [0], [0], [1], [0, 0, 1, 1], [], []>, transpose_lhs_hint = false} : vector<8x64xf32>, vector<64x128xf32>, vector<8x128xf32> -> vector<8x128xf32>
    %get3A_72 = arith.constant 0 : index
    %get3A_73 = arith.constant 0 : index
    %get3A_74 = vector.load %arg8[%get3A_72, %get3A_73] : memref<1x128xf32, #tpu.memory_space<vmem>>, vector<1x128xf32>
    %add3A_75 = vector.broadcast %get3A_74 : vector<1x128xf32> to vector<8x128xf32>
    %add3A_76 = arith.addf %dot_general3A_71, %add3A_75 : vector<8x128xf32>
    %max3A_77 = arith.constant 0.000000e+00 : f32
    %max3A_78 = vector.broadcast %max3A_77 : f32 to vector<8x128xf32>
    %max3A_79 = arith.maximumf %add3A_76, %max3A_78 : vector<8x128xf32>
    %get3A_80 = arith.constant 0 : index
    %get3A_81 = arith.constant 0 : index
    %get3A_82 = vector.load %arg9[%get3A_80, %get3A_81] : memref<128x64xf32, #tpu.memory_space<vmem>>, vector<128x64xf32>
    %dot_general3A_83 = arith.constant dense<0.000000e+00> : vector<8x64xf32>
    %dot_general3A_84 = tpu.matmul %max3A_79, %get3A_82, %dot_general3A_83 {dimension_numbers = #tpu.dot_dimension_numbers<[1], [0], [0], [1], [0, 0, 1, 1], [], []>, transpose_lhs_hint = false} : vector<8x128xf32>, vector<128x64xf32>, vector<8x64xf32> -> vector<8x64xf32>
    %get3A_85 = arith.constant 0 : index
    %get3A_86 = arith.constant 0 : index
    %get3A_87 = vector.load %arg10[%get3A_85, %get3A_86] : memref<1x64xf32, #tpu.memory_space<vmem>>, vector<1x64xf32>
    %add3A_88 = vector.broadcast %get3A_87 : vector<1x64xf32> to vector<8x64xf32>
    %add3A_89 = arith.addf %dot_general3A_84, %add3A_88 : vector<8x64xf32>
    %slice3A = vector.extract_strided_slice %add3A_89 {offsets = [0, 0], sizes = [1, 64], strides = [1, 1]} : vector<8x64xf32> to vector<1x64xf32>
    %swap3A_90 = arith.constant 0 : index
    %swap3A_91 = arith.constant 0 : index
    %swap3A_92 = vector.load %arg21[%swap3A_90, %swap3A_91] : memref<1x64xf32, #tpu.memory_space<vmem>>, vector<1x64xf32>
    tpu.vector_store %arg21[%swap3A_90, %swap3A_91], %slice3A {strides = array<i32>} : memref<1x64xf32, #tpu.memory_space<vmem>>, vector<1x64xf32>,
    %broadcast_in_dim3A_93 = vector.shape_cast %slice3A : vector<1x64xf32> to vector<1x64xf32>
    %broadcast_in_dim3A_94 = vector.broadcast %broadcast_in_dim3A_93 : vector<1x64xf32> to vector<256x64xf32>
    %concatenate3A = tpu.concatenate %add3A_48, %broadcast_in_dim3A_94 in 1 : vector<256x64xf32>, vector<256x64xf32> -> vector<256x128xf32>
    %get3A_95 = arith.constant 0 : index
    %get3A_96 = arith.constant 0 : index
    %get3A_97 = vector.load %arg15[%get3A_95, %get3A_96] : memref<128x64xf32, #tpu.memory_space<vmem>>, vector<128x64xf32>
    %dot_general3A_98 = arith.constant dense<0.000000e+00> : vector<256x64xf32>
    %dot_general3A_99 = tpu.matmul %concatenate3A, %get3A_97, %dot_general3A_98 {dimension_numbers = #tpu.dot_dimension_numbers<[1], [0], [0], [1], [0, 0, 1, 1], [], []>, transpose_lhs_hint = false} : vector<256x128xf32>, vector<128x64xf32>, vector<256x64xf32> -> vector<256x64xf32>
    %get3A_100 = arith.constant 0 : index
    %get3A_101 = arith.constant 0 : index
    %get3A_102 = vector.load %arg16[%get3A_100, %get3A_101] : memref<1x64xf32, #tpu.memory_space<vmem>>, vector<1x64xf32>
    %add3A_103 = vector.broadcast %get3A_102 : vector<1x64xf32> to vector<256x64xf32>
    %add3A_104 = arith.addf %dot_general3A_99, %add3A_103 : vector<256x64xf32>
    %max3A_105 = arith.constant 0.000000e+00 : f32
    %max3A_106 = vector.broadcast %max3A_105 : f32 to vector<256x64xf32>
    %max3A_107 = arith.maximumf %add3A_104, %max3A_106 : vector<256x64xf32>
    %get3A_108 = arith.constant 0 : index
    %get3A_109 = arith.constant 0 : index
    %get3A_110 = vector.load %arg17[%get3A_108, %get3A_109] : memref<64x1xf32, #tpu.memory_space<vmem>>, vector<64x1xf32>
    %dot_general3A_111 = arith.constant dense<0.000000e+00> : vector<256x1xf32>
    %dot_general3A_112 = tpu.matmul %max3A_107, %get3A_110, %dot_general3A_111 {dimension_numbers = #tpu.dot_dimension_numbers<[1], [0], [0], [1], [0, 0, 1, 1], [], []>, transpose_lhs_hint = false} : vector<256x64xf32>, vector<64x1xf32>, vector<256x1xf32> -> vector<256x1xf32>
    %get3A_113 = arith.constant 0 : index
    %get3A_114 = arith.constant 0 : index
    %get3A_115 = vector.load %arg18[%get3A_113, %get3A_114] : memref<1x1xf32, #tpu.memory_space<vmem>>, vector<1x1xf32>
    %add3A_116 = vector.broadcast %get3A_115 : vector<1x1xf32> to vector<256x1xf32>
    %add3A_117 = arith.addf %dot_general3A_112, %add3A_116 : vector<256x1xf32>
    %neg3A = arith.constant 0.000000e+00 : f32
    %neg3A_118 = vector.broadcast %neg3A : f32 to vector<256x1xf32>
    %neg3A_119 = arith.subf %neg3A_118, %add3A_117 : vector<256x1xf32>
    %exp3A = math.exp %neg3A_119 : vector<256x1xf32>
    %add3A_120 = arith.constant 1.000000e+00 : f32
    %add3A_121 = vector.broadcast %add3A_120 : f32 to vector<256x1xf32>
    %add3A_122 = arith.addf %add3A_121, %exp3A : vector<256x1xf32>
    %div3A_123 = arith.constant 1.000000e+00 : f32
    %div3A_124 = vector.broadcast %div3A_123 : f32 to vector<256x1xf32>
    %div3A_125 = arith.divf %div3A_124, %add3A_122 : vector<256x1xf32>
    %swap3A_126 = arith.constant 0 : index
    %swap3A_127 = arith.constant 0 : index
    %swap3A_128 = vector.load %arg19[%swap3A_126, %swap3A_127] : memref<256x1xf32, #tpu.memory_space<vmem>>, vector<256x1xf32>
    tpu.vector_store %arg19[%swap3A_126, %swap3A_127], %div3A_125 {strides = array<i32>} : memref<256x1xf32, #tpu.memory_space<vmem>>, vector<256x1xf32>,
    return
  }
}

</mosaic_0001>

<sc_bundles>
// kernel: closed_call.12.cloned.1.call-start
scs
__scs_entry_jumppad:
0x0: {  	(pc) =	sbr.rel $0x88, $3  }
0x1: {  	(tag) =	ssettag $0x0;
	lr =	simm.s32 $0x1  }
0x2: {  	[smem:$0x3F83] =	sst lr;
	_ =	strace $0xD0000000  }
0x3: {  	_ = 	snop  }
0x4: {  	_ = 	snop  }
0x5: {  	_ = 	snop  }
0x6: {  	_ = 	snop  }
0x7: {  	_ = 	snop  }
__scs_overlays_trampoline_lowered:
0x8: {  	[smem:$0x3F92] =	sst s0  }
0x9: {  	[smem:$0x3F93] =	sst s1  }
0xa: {  	[smem:$0x3F94] =	sst s2  }
0xb: {  	[smem:$0x3F95] =	sst s3  }
0xc: {  	[smem:$0x3F96] =	sst s4  }
0xd: {  	[smem:$0x3F97] =	sst s5  }
0xe: {  	[smem:$0x3F98] =	sst s6  }
0xf: {  	[smem:$0x3F99] =	sst s7  }
0x10: {  	[smem:$0x3F9A] =	sst s8  }
0x11: {  	[smem:$0x3F9B] =	sst s9;
	s0 =	simm.s32 @!p0 $0x0  }
0x12: {  	s1 =	sld [smem:$0x3F81];
	s0 =	simm.s32 @p0 $0x1  }
0x13: {  	[smem:$0x3F9C] =	sst s0;
	s0 =	simm.s32 @!p1 $0x0  }
0x14: {  	s2 =	sld [smem:$0x3F80];
	s0 =	simm.s32 @p1 $0x1  }
0x15: {  	[smem:$0x3F9D] =	sst s0;
	s0 =	simm.s32 @!p2 $0x0  }
0x16: {  	s3 =	sld [smem:$0x3FDB];
	s0 =	simm.s32 @p2 $0x1  }
0x17: {  	s4 =	simm.s32 $0x1BF5;
	[smem:$0x3F9F] =	sst s0  }
0x18: {  	s0 =	sld [smem:$0x3F82];
	_ =	swait.ge [sflag:s4], $0x0  }
0x19: {  	s7 =	sld [smem:$0x3F83]  }
0x1a: {  	s8 =	sadd.s32 $0xFFFFE003, lr  }
0x1b: {  	s9 =	sadd.s32 $0xFFFFFEF7, lr;
	s5 =	simm.s32 $0xFFFFFFFF;
	p2 =	slt.u32 s8, $0xFFFFF086  }
0x1c: {  	p1 =	slt.u32 s9, $0xF7A;
	s5 =	simm.s32 @!p2 $0x0  }
0x1d: {  	s5 =	simm.s32 @p1 $0x1;
	p0 =	seq.s32 s7, s2  }
0x1e: {  	s7 =	smul.u32 @!p0 $0xF7A, s2;
	p2 =	seq.s32 @!p0 s5, $0x0  }
0x1f: {  	s9 =	smul.u32 $0xF7A, s1;
	s8 =	simm.s32 @!p0 $0x1BF5;
	p2 =	por !p2, p0  }
0x20: {  	[sflag:s8] =	ssyncset.s32 @!p0 $0xFFFFF086;
	s6 =	sadd.s32 @!p0 s3, s7;
	s7 =	simm.s32 @!p0 $0x108  }
0x21: {  	s3 =	sadd.s32 s3, s9;
	s6 =	sadd.s32 @!p0 $0x88, s6;
	s7 =	simm.s32 @p2 $0x1082  }
0x22: {  	[simem:s7], [sflag:s8] =	dma.local @!p0 [hbm:s6], $0xF7A  }
0x23: {  	s9 =	sor.u32 $0xD0000000, s2;
	s6 =	simm.s32 $0x108;
	_ =	swait.ge @!p0 [sflag:s8], $0x0  }
0x24: {  	s3 =	sadd.s32 $0x88, s3;
	s6 =	simm.s32 @!p1 $0x1082;
	[sflag:s4] =	ssyncset.s32 $0xFFFFF086  }
0x25: {  	[simem:s6], [sflag:s4] =	dma.local [hbm:s3], $0xF7A  }
0x26: {  	[smem:$0x3F83] =	sst s1;
	(tag) =	ssettag s2;
	_ =	strace s9  }
0x27: {  	s1 =	sld [smem:$0x3F93]  }
0x28: {  	s2 =	sld [smem:$0x3F94]  }
0x29: {  	s4 =	sld [smem:$0x3F96]  }
0x2a: {  	p0 =	seq.s32 s5, $0x0;
	s5 =	sld [smem:$0x3F97]  }
0x2b: {  	s6 =	sld [smem:$0x3F98]  }
0x2c: {  	s7 =	sld [smem:$0x3F99]  }
0x2d: {  	s3 =	simm.s32 $0x108;
	s8 =	sld [smem:$0x3F9A]  }
0x2e: {  	s3 =	simm.s32 @!p0 $0x1082;
	s9 =	sld [smem:$0x3F9B]  }
0x2f: {  	lr =	sadd.s32 s0, s3;
	s0 =	sld [smem:$0x3F92]  }
0x30: {  	s3 =	sld [smem:$0x3F95]  }
0x31: {  	[smem:$0x3F9E] =	sst s10  }
0x32: {  	s10 =	sld [smem:$0x3F9C];
	_ =	sdelay $0x3  }
0x33: {  	p0 =	seq.s32 s10, $0x1;
	s10 =	sld [smem:$0x3F9E];
	_ =	sdelay $0x3  }
0x34: {  	[smem:$0x3F9E] =	sst s10  }
0x35: {  	s10 =	sld [smem:$0x3F9D];
	_ =	sdelay $0x3  }
0x36: {  	p1 =	seq.s32 s10, $0x1;
	s10 =	sld [smem:$0x3F9E];
	_ =	sdelay $0x3  }
0x37: {  	[smem:$0x3F9E] =	sst s10  }
0x38: {  	s10 =	sld [smem:$0x3F9F]  }
0x39: {  	_ = 	snop;
	(pc) =	sbr.ind lr, $3  }
0x3a: {  	_ = 	snop  }
0x3b: {  	_ = 	snop  }
0x3c: {  	p2 =	seq.s32 s10, $0x1;
	s10 =	sld [smem:$0x3F9E]  }
0x3d: {  	_ =	shalt  }
0x3e: {  	_ =	shalt  }
0x3f: {  	_ =	shalt  }
0x40: {  	_ =	shalt  }
0x41: {  	_ =	shalt  }
0x42: {  	_ =	shalt  }
0x43: {  	_ =	shalt  }
0x44: {  	_ =	shalt  }
0x45: {  	_ =	shalt  }
0x46: {  	_ =	shalt  }
0x47: {  	_ =	shalt  }
0x48: {  	_ =	shalt  }
0x49: {  	_ =	shalt  }
0x4a: {  	_ =	shalt  }
0x4b: {  	_ =	shalt  }
0x4c: {  	_ =	shalt  }
0x4d: {  	_ =	shalt  }
0x4e: {  	_ =	shalt  }
0x4f: {  	_ =	shalt  }
0x50: {  	_ =	shalt  }
0x51: {  	_ =	shalt  }
0x52: {  	_ =	shalt  }
0x53: {  	_ =	shalt  }
0x54: {  	_ =	shalt  }
0x55: {  	_ =	shalt  }
0x56: {  	_ =	shalt  }
0x57: {  	_ =	shalt  }
0x58: {  	_ =	shalt  }
0x59: {  	_ =	shalt  }
0x5a: {  	_ =	shalt  }
0x5b: {  	_ =	shalt  }
0x5c: {  	_ =	shalt  }
0x5d: {  	_ =	shalt  }
0x5e: {  	_ =	shalt  }
0x5f: {  	_ =	shalt  }
0x60: {  	_ =	shalt  }
0x61: {  	_ =	shalt  }
0x62: {  	_ =	shalt  }
0x63: {  	_ =	shalt  }
0x64: {  	_ =	shalt  }
0x65: {  	_ =	shalt  }
0x66: {  	_ =	shalt  }
0x67: {  	_ =	shalt  }
0x68: {  	_ =	shalt  }
0x69: {  	_ =	shalt  }
0x6a: {  	_ =	shalt  }
0x6b: {  	_ =	shalt  }
0x6c: {  	_ =	shalt  }
0x6d: {  	_ =	shalt  }
0x6e: {  	_ =	shalt  }
0x6f: {  	_ =	shalt  }
0x70: {  	_ =	shalt  }
0x71: {  	_ =	shalt  }
0x72: {  	_ =	shalt  }
0x73: {  	_ =	shalt  }
0x74: {  	_ =	shalt  }
0x75: {  	_ =	shalt  }
0x76: {  	_ =	shalt  }
0x77: {  	_ =	shalt  }
0x78: {  	_ =	shalt  }
0x79: {  	_ =	shalt  }
0x7a: {  	_ =	shalt  }
0x7b: {  	_ =	shalt  }
0x7c: {  	_ =	shalt  }
0x7d: {  	_ =	shalt  }
0x7e: {  	_ =	shalt  }
0x7f: {  	_ =	shalt  }
0x80: {  	_ =	shalt  }
0x81: {  	_ =	shalt  }
0x82: {  	_ =	shalt  }
0x83: {  	_ =	shalt  }
0x84: {  	_ =	shalt  }
0x85: {  	_ =	shalt  }
0x86: {  	_ =	shalt  }
0x87: {  	_ =	shalt  }
.Lfunc_end0:
.L_simem_size_0:
called_computation_lowered:
.L_overlay_start_0:
0x88: {  	s2 =	sld [smem:$0x3FD9]  }
0x89: {  	s3 =	sld [smem:$0x3FFE];
	_ =	sdelay $0x1  }
0x8a: {  	s1 =	srdreg.scid  }
0x8b: {  	s0 =	sand.u32 $0x1, s1  }
0x8c: {  	s16 =	sshll.u32 s0, $0xA;
	s2 =	sadd.s32 s3, s2  }
0x8d: {  	s2 =	sadd.s32 s2, s16  }
0x8e: {  	[smem:$0x3FAA] =	sst s2  }
0x8f: {  	_ = 	snop  }
0x90: {  	(tm) =	ssettm $0x1  }
0x91: {  	s17 =	sld [smem:$0x3FFB];
	_ =	sdelay $0x3  }
0x92: {  	_ =	strace s17  }
0x93: {  	s2 =	sld [smem:$0x3FFC];
	_ =	sdelay $0x3  }
0x94: {  	_ =	strace s2  }
0x95: {  	s2 =	sld [smem:$0x3FFD];
	_ =	sdelay $0x3  }
0x96: {  	_ =	strace s2  }
0x97: {  	_ =	strace $0x8FFFFFFF  }
0x98: {  	s18 =	sld [smem:$0x3FDB];
	_ =	sdelay $0x1  }
0x99: {  	s19 =	simm.s32 $_scs_section_size  }
0x9a: {  	s4 =	simm.s32 $_size__tile_overlayer_lowered;
	s5 =	simm.s32 $_tile_overlayer_lowered  }
0x9b: {  	s22 =	simm.s32 $0x1BFF;
	s21 =	sshll.u32 s5, $0x1;
	s2 =	sadd.s32 s19, s18  }
0x9c: {  	s6 =	simm.s32 $0x0;
	s20 =	sshll.u32 s4, $0x1;
	s4 =	sadd.s32 s21, s2  }
0x9d: {  	[timem:s6], [sflag:s22] =	dma.local [hbm:s4], s20  }
0x9e: {  	_ =	swait.ge [sflag:s22], s20  }
0x9f: {  	s3 =	ssub.s32 $0x0, s20;
	[sflag:s22] =	ssyncset.done $0x0  }
0xa0: {  	[sflag:s22] =	ssyncadd.s32 s3;
	_ =	sdelay $0x1  }
0xa1: {  	s23 =	simm.s32 $0x1B8B  }
0xa2: {  	_ =	swait.ge [sflag:s23], $0x1  }
0xa3: {  	[sflag:s23] =	ssyncset.done $0x0  }
0xa4: {  	s25 =	simm.s32 $0x1B8E;
	s24 =	sld [smem:$0x3FFE];
	[sflag:s23] =	ssyncadd.s32 $0xFFFFFFFF  }
0xa5: {  	s26 =	simm.s32 $execute0_lowered;
	[smem:$0x3FD2] =	sst s25  }
0xa6: {  	s4 =	sshll.u32 s26, $0x1;
	_ =	strace $0x80000049;
	[dreg:$0x1] =	wrdreg $0xFFFFFFFF  }
0xa7: {  	s28 =	simm.s32 $_size_execute0_lowered;
	s2 =	sadd.s32 s2, s4;
	[dreg:$0x0] =	wrdreg $0x0  }
0xa8: {  	s4 =	sshll.u32 s28, $0x1;
	[dreg:$0x2] =	wrdreg s2  }
0xa9: {  	[dreg:$0x3] =	wrdreg s4  }
0xaa: {  	[dreg:$0x4] =	wrdreg $0xC0  }
0xab: {  	_ =	task [dreg:s6], $0x5FFFF  }
0xac: {  	[dreg:$0x1] =	wrdreg $0xFFFFFFFF  }
0xad: {  	[dreg:$0x0] =	wrdreg $0x60  }
0xae: {  	[dreg:$0x2] =	wrdreg s24  }
0xaf: {  	[dreg:$0x3] =	wrdreg $0x90000  }
0xb0: {  	[dreg:$0x4] =	wrdreg $0x9  }
0xb1: {  	_ =	task.clear_ibuf [dreg:s6], $0x5FFFF;
	_ =	strace $0x90000049  }
0xb2: {  	s29 =	simm.s32 $0x9;
	_ =	strace $0x8000004B  }
0xb3: {  	_ =	swait.ge [sflag:s29], $0x1  }
0xb4: {  	[sflag:s29] =	ssyncadd.s32 $0xFFFFFFFF  }
0xb5: {  	_ =	strace $0x9000004B  }
0xb6: {  	_ =	sfence  }
0xb7: {  	s30 =	sld [smem:$0x0];
	_ =	sdelay $0x2  }
0xb8: {  	s31 =	sshll.u32 s1, $0xD;
	s1 =	sshrl.u32 s1, $0x2  }
0xb9: {  	s3 =	sand.u32 $0x4000, s31;
	s1 =	sadd.s32 s1, s30  }
0xba: {  	s0 =	sor.u32 s3, s0;
	s1 =	sshll.u32 s1, $0x11  }
0xbb: {  	s0 =	sor.u32 s1, s0  }
0xbc: {  	s0 =	sadd.s32 $0x8F2B, s0  }
0xbd: {  	[sflag:s0] =	ssyncadd.remote.s32 $0x1  }
0xbe: {  	_ =	sfence.sel $0xFFFF  }
0xbf: {  	[dreg:$0x0] =	wrdreg $0xFFFFFFFF;
	(pc) =	sbr.abs _section_cstart, $3  }
0xc0: {  	[dreg:$0x1] =	wrdreg $0xFFFFFFFF  }
0xc1: {  	_ =	task.clear_ibuf [dreg:s6], $0x2FFFF;
	_ =	strace $0x9FFFFFFF  }
0xc2: {  	(tm) =	ssettm $0x7FFFFFFF  }
0xc3: {  	_ =	shalt  }
tec
execute0_lowered:
.L_overlay_start_1:
0x0: {  	(tag) =	ssettag $0x1  }
0x1: {  	s0 =	rddreg [dreg:$0x0]  }
0x2: {  	s1 =	srdreg.scid;
	s2 =	rddreg [dreg:$0x1]  }
0x3: {  	s12 =	stileid.u32;
	s3 =	simm.s32 $0x0;
	s20 =	simm.s32 $0x100  }
0x4: {  	s22 =	simm.s32 $0x880;
	s23 =	simm.s32 $0x180;
	s24 =	simm.s32 $0x900  }
0x5: {  	s25 =	simm.s32 $0x200;
	s26 =	simm.s32 $0x980;
	s13 =	simm.s32 $0x3  }
0x6: {  	s14 =	simm.s32 $0x800;
	s28 =	simm.s32 $0xD00;
	s29 =	simm.s32 $0x600  }
0x7: {  	s30 =	simm.s32 $0xD80;
	s5 =	smul.u32 $0x2800, s12;
	[smem:$0x7FF] =	sst s3  }
0x8: {  	s6 =	smul.u32 $0x2700, s12;
	_ =	strace $0x8000004A;
	[dreg:$0x5] =	wrdreg s20  }
0x9: {  	s31 =	simm.s32 $0x680;
	s7 =	smul.u32 $0x4E000, s12;
	[dreg:$0x6] =	wrdreg s22  }
0xa: {  	s1 =	sand.u32 $0x1, s1;
	s10 =	smul.u32 $0x13800, s12;
	[dreg:$0x7] =	wrdreg s23  }
0xb: {  	s11 =	sadd.s32 $0xFE400, s0;
	p0 =	seq.s32 s12, $0xF;
	[dreg:$0x8] =	wrdreg s24  }
0xc: {  	s4 =	smul.u32 $0x28000, s1;
	s8 =	ssub.s32 $0x2, s1;
	[dreg:$0x9] =	wrdreg s25  }
0xd: {  	s1 =	smul.u32 $0x138800, s1;
	[dreg:$0xa] =	wrdreg s26;
	s20 =	simm.s32 $0x400  }
0xe: {  	s22 =	simm.s32 $0x480;
	s23 =	simm.s32 $0xC00;
	s24 =	simm.s32 $0x500  }
0xf: {  	s25 =	simm.s32 $0xC80;
	s26 =	simm.s32 $0x580;
	s6 =	sadd.s32 s6, s0  }
0x10: {  	s9 =	sshrl.u32 s8, $0x1;
	s7 =	sshrl.u32 s7, $0x2;
	s5 =	sadd.s32 s5, s4  }
0x11: {  	s4 =	sadd.s32 $0x1AE00, s0;
	s8 =	ssub.s32 s8, s9;
	s7 =	sadd.s32 s7, s2  }
0x12: {  	s6 =	sadd.s32 $0x42000, s6;
	s15 =	sadd.s32 s10, s1;
	s9 =	sadd.s32 $0x124800, s2  }
0x13: {  	s17 =	sshrl.u32 s1, $0x3;
	s10 =	simm.s32 $0x0;
	[dreg:$0x11] =	wrdreg s6  }
0x14: {  	s5 =	sshrl.u32 s5, $0x3;
	s21 =	smax.u32 s8, $0x1;
	[dreg:$0x19] =	wrdreg s10  }
0x15: {  	s16 =	sshrl.u32 s15, $0x3;
	s1 =	sshrl.u32 @p0 s9, $0x3;
	[dreg:$0x15] =	wrdreg s21  }
0x16: {  	s6 =	simm.s32 $0x300;
	s15 =	simm.s32 $0x80;
	[dreg:$0x16] =	wrdreg s1  }
0x17: {  	s8 =	simm.s32 $0x380;
	s9 =	simm.s32 $0xB00;
	[dreg:$0xd] =	wrdreg s6  }
0x18: {  	s5 =	sadd.s32 s5, s0;
	s0 =	sadd.s32 $0x66900, s0;
	[dreg:$0xf] =	wrdreg s8  }
0x19: {  	s1 =	sshll.u32 @!p0 s12, $0x6;
	[dreg:$0x10] =	wrdreg s9;
	s21 =	simm.s32 $0xB80  }
0x1a: {  	s6 =	simm.s32 $0x780;
	[dreg:$0x12] =	wrdreg s0;
	s0 =	sadd.s32 s11, s16  }
0x1b: {  	s8 =	simm.s32 $0xF80;
	s18 =	sadd.s32 $0x6E00, s5;
	[dreg:$0x13] =	wrdreg s0  }
0x1c: {  	s19 =	sadd.s32 $0x10E00, s5;
	s12 =	sor.u32 @!p0 $0x1C03, s1;
	[dreg:$0x3] =	wrdreg s18  }
0x1d: {  	s1 =	simm.s32 $0x280;
	s5 =	simm.s32 $0xA00;
	[dreg:$0x4] =	wrdreg s19  }
0x1e: {  	s16 =	simm.s32 $0x1000;
	s0 =	sadd.s32 s11, s17;
	[dreg:$0xb] =	wrdreg s1  }
0x1f: {  	s11 =	sshrl.u32 @!p0 s7, $0x3;
	[dreg:$0xc] =	wrdreg s5;
	s7 =	simm.s32 $0xA80  }
0x20: {  	s17 =	simm.s32 $0x5000;
	s18 =	simm.s32 $0x1;
	[dreg:$0x17] =	wrdreg s12  }
0x21: {  	s19 =	simm.s32 $0x2;
	s1 =	simm.s32 $0x700;
	[dreg:$0xe] =	wrdreg s7  }
0x22: {  	s5 =	simm.s32 $0xE80;
	s0 =	sadd.s32 $0x24900, s0;
	[dreg:$0x18] =	wrdreg s11  }
0x23: {  	s7 =	simm.s32 $0xF00;
	[dreg:$0x14] =	wrdreg s0;
	s0 =	simm.s32 $0xE00  }
.LBB2_1:
0x24: {  	s9 =	rddreg [dreg:$0x12]  }
0x25: {  	s10 =	simm.s32 @p0 $0x1FC3;
	s12 =	rddreg [dreg:$0x16]  }
0x26: {  	[spmem:s12], [sflag:s10] =	dma.local @p0 [hbm:s9], $0x2800  }
0x27: {  	s10 =	simm.s32 @p0 $0x3  }
0x28: {  	_ =	swait.ge @p0 [sflag:s10], $0x2800  }
0x29: {  	[sflag:s10] =	ssyncset.done @p0 $0x0;
	s9 =	rddreg [dreg:$0x11]  }
0x2a: {  	[sflag:s10] =	ssyncadd.s32 @p0 $0xFFFFD800;
	s10 =	rddreg [dreg:$0x17]  }
0x2b: {  	[spmem:s11], [sflag:s10] =	dma.local @!p0 [hbm:s9], $0x2700  }
0x2c: {  	s10 =	simm.s32 @!p0 $0x3  }
0x2d: {  	_ =	swait.ge @!p0 [sflag:s10], $0x2700  }
0x2e: {  	[sflag:s10] =	ssyncset.done @!p0 $0x0  }
0x2f: {  	[sflag:s10] =	ssyncadd.s32 @!p0 $0xFFFFD900  }
0x30: {  	[bflag:$0x0] =	sbarrier.arrive $0xFFFF  }
0x31: {  	s11 =	rddreg [dreg:$0x4]  }
0x32: {  	s10 =	sadd.s32 $0x0, s11  }
0x33: {  	[tilespmem:s3], [sflag:$0x3] =	stream.linear.gather [hbm4b:s10+s3], $0x800, $0x38;
	[tilespmem:$0x1C880] =	vst v63  }
0x34: {  	_ =	swait.ge [sflag:s13], $0x800  }
0x35: {  	s12 =	rddreg [dreg:$0x3];
	[sflag:s13] =	ssyncset.done $0x0  }
0x36: {  	[sflag:s13] =	ssyncadd.s32 $0xFFFFF800;
	s10 =	sadd.s32 $0x0, s12  }
0x37: {  	[tilespmem:s14], [sflag:$0x3] =	stream.linear.gather [hbm4b:s10+s3], $0x800, $0x38;
	[tilespmem:$0x1C880] =	vst v63  }
0x38: {  	_ =	swait.ge [sflag:s13], $0x800  }
0x39: {  	[sflag:s13] =	ssyncset.done $0x0  }
0x3a: {  	[sflag:s13] =	ssyncadd.s32 $0xFFFFF800  }
0x3b: {  	[tilespmem:s16], [sflag:$0x1] =	stream.indirect.gather [hbm4b:s4+s15], $0x80, s3, s15, $0xb8;
	[tilespmem:$0x1C880] =	vst v63  }
0x3c: {  	_ = 	snop  }
0x3d: {  	[tilespmem:s17], [sflag:$0x2] =	stream.indirect.gather [hbm4b:s4+s15], $0x80, s15, s15, $0xb8;
	[tilespmem:$0x1C880] =	vst v63  }
0x3e: {  	_ =	swait.ge [sflag:s18], $0x4000  }
0x3f: {  	[sflag:s18] =	ssyncset.done $0x0  }
0x40: {  	[sflag:s18] =	ssyncadd.s32 $0xFFFFC000  }
0x41: {  	[spmem:s2] =	stream.indirect.scatter.add.f32 [tilespmem:s16], [sflag:$0x3], $0x80, s14, s15, $0xb8;
	[tilespmem:$0x1C880] =	vst v63  }
0x42: {  	_ =	swait.ge [sflag:s13], $0x4000  }
0x43: {  	[sflag:s13] =	ssyncset.done $0x0  }
0x44: {  	s9 =	rddreg [dreg:$0x5];
	[sflag:s13] =	ssyncadd.s32 $0xFFFFC000  }
0x45: {  	[tilespmem:s16], [sflag:$0x1] =	stream.indirect.gather [hbm4b:s4+s15], $0x80, s9, s15, $0xb8;
	[tilespmem:$0x1C880] =	vst v63  }
0x46: {  	_ =	swait.ge [sflag:s19], $0x4000  }
0x47: {  	[sflag:s19] =	ssyncset.done $0x0  }
0x48: {  	s11 =	rddreg [dreg:$0x6];
	[sflag:s19] =	ssyncadd.s32 $0xFFFFC000  }
0x49: {  	[spmem:s2] =	stream.indirect.scatter.add.f32 [tilespmem:s17], [sflag:$0x3], $0x80, s11, s15, $0xb8;
	[tilespmem:$0x1C880] =	vst v63  }
0x4a: {  	_ =	swait.ge [sflag:s13], $0x4000  }
0x4b: {  	[sflag:s13] =	ssyncset.done $0x0  }
0x4c: {  	s12 =	rddreg [dreg:$0x7];
	[sflag:s13] =	ssyncadd.s32 $0xFFFFC000  }
0x4d: {  	[tilespmem:s17], [sflag:$0x2] =	stream.indirect.gather [hbm4b:s4+s15], $0x80, s12, s15, $0xb8;
	[tilespmem:$0x1C880] =	vst v63  }
0x4e: {  	_ =	swait.ge [sflag:s18], $0x4000  }
0x4f: {  	[sflag:s18] =	ssyncset.done $0x0  }
0x50: {  	s9 =	rddreg [dreg:$0x8];
	[sflag:s18] =	ssyncadd.s32 $0xFFFFC000  }
0x51: {  	[spmem:s2] =	stream.indirect.scatter.add.f32 [tilespmem:s16], [sflag:$0x3], $0x80, s9, s15, $0xb8;
	[tilespmem:$0x1C880] =	vst v63  }
0x52: {  	_ =	swait.ge [sflag:s13], $0x4000  }
0x53: {  	[sflag:s13] =	ssyncset.done $0x0  }
0x54: {  	s11 =	rddreg [dreg:$0x9];
	[sflag:s13] =	ssyncadd.s32 $0xFFFFC000  }
0x55: {  	[tilespmem:s16], [sflag:$0x1] =	stream.indirect.gather [hbm4b:s4+s15], $0x80, s11, s15, $0xb8;
	[tilespmem:$0x1C880] =	vst v63  }
0x56: {  	_ =	swait.ge [sflag:s19], $0x4000  }
0x57: {  	[sflag:s19] =	ssyncset.done $0x0  }
0x58: {  	s12 =	rddreg [dreg:$0xa];
	[sflag:s19] =	ssyncadd.s32 $0xFFFFC000  }
0x59: {  	[spmem:s2] =	stream.indirect.scatter.add.f32 [tilespmem:s17], [sflag:$0x3], $0x80, s12, s15, $0xb8;
	[tilespmem:$0x1C880] =	vst v63  }
0x5a: {  	_ =	swait.ge [sflag:s13], $0x4000  }
0x5b: {  	[sflag:s13] =	ssyncset.done $0x0  }
0x5c: {  	s9 =	rddreg [dreg:$0xb];
	[sflag:s13] =	ssyncadd.s32 $0xFFFFC000  }
0x5d: {  	[tilespmem:s17], [sflag:$0x2] =	stream.indirect.gather [hbm4b:s4+s15], $0x80, s9, s15, $0xb8;
	[tilespmem:$0x1C880] =	vst v63  }
0x5e: {  	_ =	swait.ge [sflag:s18], $0x4000  }
0x5f: {  	[sflag:s18] =	ssyncset.done $0x0  }
0x60: {  	s11 =	rddreg [dreg:$0xc];
	[sflag:s18] =	ssyncadd.s32 $0xFFFFC000  }
0x61: {  	[spmem:s2] =	stream.indirect.scatter.add.f32 [tilespmem:s16], [sflag:$0x3], $0x80, s11, s15, $0xb8;
	[tilespmem:$0x1C880] =	vst v63  }
0x62: {  	_ =	swait.ge [sflag:s13], $0x4000  }
0x63: {  	[sflag:s13] =	ssyncset.done $0x0  }
0x64: {  	s12 =	rddreg [dreg:$0xd];
	[sflag:s13] =	ssyncadd.s32 $0xFFFFC000  }
0x65: {  	[tilespmem:s16], [sflag:$0x1] =	stream.indirect.gather [hbm4b:s4+s15], $0x80, s12, s15, $0xb8;
	[tilespmem:$0x1C880] =	vst v63  }
0x66: {  	_ =	swait.ge [sflag:s19], $0x4000  }
0x67: {  	[sflag:s19] =	ssyncset.done $0x0  }
0x68: {  	s9 =	rddreg [dreg:$0xe];
	[sflag:s19] =	ssyncadd.s32 $0xFFFFC000  }
0x69: {  	[spmem:s2] =	stream.indirect.scatter.add.f32 [tilespmem:s17], [sflag:$0x3], $0x80, s9, s15, $0xb8;
	[tilespmem:$0x1C880] =	vst v63  }
0x6a: {  	_ =	swait.ge [sflag:s13], $0x4000  }
0x6b: {  	[sflag:s13] =	ssyncset.done $0x0  }
0x6c: {  	s11 =	rddreg [dreg:$0xf];
	[sflag:s13] =	ssyncadd.s32 $0xFFFFC000  }
0x6d: {  	[tilespmem:s17], [sflag:$0x2] =	stream.indirect.gather [hbm4b:s4+s15], $0x80, s11, s15, $0xb8;
	[tilespmem:$0x1C880] =	vst v63  }
0x6e: {  	_ =	swait.ge [sflag:s18], $0x4000  }
0x6f: {  	[sflag:s18] =	ssyncset.done $0x0  }
0x70: {  	s12 =	rddreg [dreg:$0x10];
	[sflag:s18] =	ssyncadd.s32 $0xFFFFC000  }
0x71: {  	[spmem:s2] =	stream.indirect.scatter.add.f32 [tilespmem:s16], [sflag:$0x3], $0x80, s12, s15, $0xb8;
	[tilespmem:$0x1C880] =	vst v63  }
0x72: {  	_ =	swait.ge [sflag:s13], $0x4000  }
0x73: {  	[sflag:s13] =	ssyncset.done $0x0  }
0x74: {  	[sflag:s13] =	ssyncadd.s32 $0xFFFFC000  }
0x75: {  	[tilespmem:s16], [sflag:$0x1] =	stream.indirect.gather [hbm4b:s4+s15], $0x80, s20, s15, $0xb8;
	[tilespmem:$0x1C880] =	vst v63  }
0x76: {  	_ =	swait.ge [sflag:s19], $0x4000  }
0x77: {  	[sflag:s19] =	ssyncset.done $0x0  }
0x78: {  	[sflag:s19] =	ssyncadd.s32 $0xFFFFC000  }
0x79: {  	[spmem:s2] =	stream.indirect.scatter.add.f32 [tilespmem:s17], [sflag:$0x3], $0x80, s21, s15, $0xb8;
	[tilespmem:$0x1C880] =	vst v63  }
0x7a: {  	_ =	swait.ge [sflag:s13], $0x4000  }
0x7b: {  	[sflag:s13] =	ssyncset.done $0x0  }
0x7c: {  	[sflag:s13] =	ssyncadd.s32 $0xFFFFC000  }
0x7d: {  	[tilespmem:s17], [sflag:$0x2] =	stream.indirect.gather [hbm4b:s4+s15], $0x80, s22, s15, $0xb8;
	[tilespmem:$0x1C880] =	vst v63  }
0x7e: {  	_ =	swait.ge [sflag:s18], $0x4000  }
0x7f: {  	[sflag:s18] =	ssyncset.done $0x0  }
0x80: {  	[sflag:s18] =	ssyncadd.s32 $0xFFFFC000  }
0x81: {  	[spmem:s2] =	stream.indirect.scatter.add.f32 [tilespmem:s16], [sflag:$0x3], $0x80, s23, s15, $0xb8;
	[tilespmem:$0x1C880] =	vst v63  }
0x82: {  	_ =	swait.ge [sflag:s13], $0x4000  }
0x83: {  	[sflag:s13] =	ssyncset.done $0x0  }
0x84: {  	[sflag:s13] =	ssyncadd.s32 $0xFFFFC000  }
0x85: {  	[tilespmem:s16], [sflag:$0x1] =	stream.indirect.gather [hbm4b:s4+s15], $0x80, s24, s15, $0xb8;
	[tilespmem:$0x1C880] =	vst v63  }
0x86: {  	_ =	swait.ge [sflag:s19], $0x4000  }
0x87: {  	[sflag:s19] =	ssyncset.done $0x0  }
0x88: {  	[sflag:s19] =	ssyncadd.s32 $0xFFFFC000  }
0x89: {  	[spmem:s2] =	stream.indirect.scatter.add.f32 [tilespmem:s17], [sflag:$0x3], $0x80, s25, s15, $0xb8;
	[tilespmem:$0x1C880] =	vst v63  }
0x8a: {  	_ =	swait.ge [sflag:s13], $0x4000  }
0x8b: {  	[sflag:s13] =	ssyncset.done $0x0  }
0x8c: {  	[sflag:s13] =	ssyncadd.s32 $0xFFFFC000  }
0x8d: {  	[tilespmem:s17], [sflag:$0x2] =	stream.indirect.gather [hbm4b:s4+s15], $0x80, s26, s15, $0xb8;
	[tilespmem:$0x1C880] =	vst v63  }
0x8e: {  	_ =	swait.ge [sflag:s18], $0x4000  }
0x8f: {  	[sflag:s18] =	ssyncset.done $0x0  }
0x90: {  	[sflag:s18] =	ssyncadd.s32 $0xFFFFC000  }
0x91: {  	[spmem:s2] =	stream.indirect.scatter.add.f32 [tilespmem:s16], [sflag:$0x3], $0x80, s28, s15, $0xb8;
	[tilespmem:$0x1C880] =	vst v63  }
0x92: {  	_ =	swait.ge [sflag:s13], $0x4000  }
0x93: {  	[sflag:s13] =	ssyncset.done $0x0  }
0x94: {  	[sflag:s13] =	ssyncadd.s32 $0xFFFFC000  }
0x95: {  	[tilespmem:s16], [sflag:$0x1] =	stream.indirect.gather [hbm4b:s4+s15], $0x80, s29, s15, $0xb8;
	[tilespmem:$0x1C880] =	vst v63  }
0x96: {  	_ =	swait.ge [sflag:s19], $0x4000  }
0x97: {  	[sflag:s19] =	ssyncset.done $0x0  }
0x98: {  	[sflag:s19] =	ssyncadd.s32 $0xFFFFC000  }
0x99: {  	[spmem:s2] =	stream.indirect.scatter.add.f32 [tilespmem:s17], [sflag:$0x3], $0x80, s30, s15, $0xb8;
	[tilespmem:$0x1C880] =	vst v63  }
0x9a: {  	_ =	swait.ge [sflag:s13], $0x4000  }
0x9b: {  	[sflag:s13] =	ssyncset.done $0x0  }
0x9c: {  	[sflag:s13] =	ssyncadd.s32 $0xFFFFC000  }
0x9d: {  	[tilespmem:s17], [sflag:$0x2] =	stream.indirect.gather [hbm4b:s4+s15], $0x80, s31, s15, $0xb8;
	[tilespmem:$0x1C880] =	vst v63  }
0x9e: {  	_ =	swait.ge [sflag:s18], $0x4000  }
0x9f: {  	[sflag:s18] =	ssyncset.done $0x0  }
0xa0: {  	[sflag:s18] =	ssyncadd.s32 $0xFFFFC000  }
0xa1: {  	[spmem:s2] =	stream.indirect.scatter.add.f32 [tilespmem:s16], [sflag:$0x3], $0x80, s0, s15, $0xb8;
	[tilespmem:$0x1C880] =	vst v63  }
0xa2: {  	_ =	swait.ge [sflag:s13], $0x4000  }
0xa3: {  	[sflag:s13] =	ssyncset.done $0x0  }
0xa4: {  	[sflag:s13] =	ssyncadd.s32 $0xFFFFC000  }
0xa5: {  	[tilespmem:s16], [sflag:$0x1] =	stream.indirect.gather [hbm4b:s4+s15], $0x80, s1, s15, $0xb8;
	[tilespmem:$0x1C880] =	vst v63  }
0xa6: {  	_ =	swait.ge [sflag:s19], $0x4000  }
0xa7: {  	[sflag:s19] =	ssyncset.done $0x0  }
0xa8: {  	[sflag:s19] =	ssyncadd.s32 $0xFFFFC000  }
0xa9: {  	[spmem:s2] =	stream.indirect.scatter.add.f32 [tilespmem:s17], [sflag:$0x3], $0x80, s5, s15, $0xb8;
	[tilespmem:$0x1C880] =	vst v63  }
0xaa: {  	_ =	swait.ge [sflag:s13], $0x4000  }
0xab: {  	[sflag:s13] =	ssyncset.done $0x0  }
0xac: {  	[sflag:s13] =	ssyncadd.s32 $0xFFFFC000  }
0xad: {  	[tilespmem:s17], [sflag:$0x2] =	stream.indirect.gather [hbm4b:s4+s15], $0x80, s6, s15, $0xb8;
	[tilespmem:$0x1C880] =	vst v63  }
0xae: {  	_ =	swait.ge [sflag:s18], $0x4000  }
0xaf: {  	[sflag:s18] =	ssyncset.done $0x0  }
0xb0: {  	[sflag:s18] =	ssyncadd.s32 $0xFFFFC000  }
0xb1: {  	[spmem:s2] =	stream.indirect.scatter.add.f32 [tilespmem:s16], [sflag:$0x3], $0x80, s7, s15, $0xb8;
	[tilespmem:$0x1C880] =	vst v63  }
0xb2: {  	_ =	swait.ge [sflag:s13], $0x4000  }
0xb3: {  	[sflag:s13] =	ssyncset.done $0x0  }
0xb4: {  	[sflag:s13] =	ssyncadd.s32 $0xFFFFC000  }
0xb5: {  	_ =	swait.ge [sflag:s19], $0x4000  }
0xb6: {  	[sflag:s19] =	ssyncset.done $0x0  }
0xb7: {  	[sflag:s19] =	ssyncadd.s32 $0xFFFFC000  }
0xb8: {  	[spmem:s2] =	stream.indirect.scatter.add.f32 [tilespmem:s17], [sflag:$0x3], $0x80, s8, s15, $0xb8;
	[tilespmem:$0x1C880] =	vst v63  }
0xb9: {  	s10 =	simm.s32 $0x100;
	_ =	swait.ge [sflag:s13], $0x4000  }
0xba: {  	s11 =	simm.s32 $0x200;
	s12 =	rddreg [dreg:$0x4];
	[sflag:s13] =	ssyncset.done $0x0  }
.LBB2_2:
0xbb: {  	[sflag:s13] =	ssyncadd.s32 $0xFFFFC000;
	s12 =	sadd.s32 s10, s12  }
0xbc: {  	[tilespmem:s3], [sflag:$0x3] =	stream.linear.gather [hbm4b:s12+s3], $0x800, $0x38;
	[tilespmem:$0x1C880] =	vst v63  }
0xbd: {  	_ =	swait.ge [sflag:s13], $0x800  }
0xbe: {  	s12 =	rddreg [dreg:$0x3];
	[sflag:s13] =	ssyncset.done $0x0  }
0xbf: {  	[sflag:s13] =	ssyncadd.s32 $0xFFFFF800;
	s12 =	sadd.s32 s10, s12  }
0xc0: {  	[tilespmem:s14], [sflag:$0x3] =	stream.linear.gather [hbm4b:s12+s3], $0x800, $0x38;
	[tilespmem:$0x1C880] =	vst v63  }
0xc1: {  	_ =	swait.ge [sflag:s13], $0x800  }
0xc2: {  	[sflag:s13] =	ssyncset.done $0x0  }
0xc3: {  	[sflag:s13] =	ssyncadd.s32 $0xFFFFF800  }
0xc4: {  	[tilespmem:s16], [sflag:$0x1] =	stream.indirect.gather [hbm4b:s4+s15], $0x80, s3, s15, $0xb8;
	[tilespmem:$0x1C880] =	vst v63  }
0xc5: {  	_ = 	snop  }
0xc6: {  	[tilespmem:s17], [sflag:$0x2] =	stream.indirect.gather [hbm4b:s4+s15], $0x80, s15, s15, $0xb8;
	[tilespmem:$0x1C880] =	vst v63  }
0xc7: {  	_ =	swait.ge [sflag:s18], $0x4000  }
0xc8: {  	[sflag:s18] =	ssyncset.done $0x0  }
0xc9: {  	[sflag:s18] =	ssyncadd.s32 $0xFFFFC000  }
0xca: {  	[spmem:s2] =	stream.indirect.scatter.add.f32 [tilespmem:s16], [sflag:$0x3], $0x80, s14, s15, $0xb8;
	[tilespmem:$0x1C880] =	vst v63  }
0xcb: {  	_ =	swait.ge [sflag:s13], $0x4000  }
0xcc: {  	[sflag:s13] =	ssyncset.done $0x0  }
0xcd: {  	s12 =	rddreg [dreg:$0x5];
	[sflag:s13] =	ssyncadd.s32 $0xFFFFC000  }
0xce: {  	[tilespmem:s16], [sflag:$0x1] =	stream.indirect.gather [hbm4b:s4+s15], $0x80, s12, s15, $0xb8;
	[tilespmem:$0x1C880] =	vst v63  }
0xcf: {  	_ =	swait.ge [sflag:s19], $0x4000  }
0xd0: {  	[sflag:s19] =	ssyncset.done $0x0  }
0xd1: {  	s12 =	rddreg [dreg:$0x6];
	[sflag:s19] =	ssyncadd.s32 $0xFFFFC000  }
0xd2: {  	[spmem:s2] =	stream.indirect.scatter.add.f32 [tilespmem:s17], [sflag:$0x3], $0x80, s12, s15, $0xb8;
	[tilespmem:$0x1C880] =	vst v63  }
0xd3: {  	_ =	swait.ge [sflag:s13], $0x4000  }
0xd4: {  	[sflag:s13] =	ssyncset.done $0x0  }
0xd5: {  	s12 =	rddreg [dreg:$0x7];
	[sflag:s13] =	ssyncadd.s32 $0xFFFFC000  }
0xd6: {  	[tilespmem:s17], [sflag:$0x2] =	stream.indirect.gather [hbm4b:s4+s15], $0x80, s12, s15, $0xb8;
	[tilespmem:$0x1C880] =	vst v63  }
0xd7: {  	_ =	swait.ge [sflag:s18], $0x4000  }
0xd8: {  	[sflag:s18] =	ssyncset.done $0x0  }
0xd9: {  	s12 =	rddreg [dreg:$0x8];
	[sflag:s18] =	ssyncadd.s32 $0xFFFFC000  }
0xda: {  	[spmem:s2] =	stream.indirect.scatter.add.f32 [tilespmem:s16], [sflag:$0x3], $0x80, s12, s15, $0xb8;
	[tilespmem:$0x1C880] =	vst v63  }
0xdb: {  	_ =	swait.ge [sflag:s13], $0x4000  }
0xdc: {  	[sflag:s13] =	ssyncset.done $0x0  }
0xdd: {  	s12 =	rddreg [dreg:$0x9];
	[sflag:s13] =	ssyncadd.s32 $0xFFFFC000  }
0xde: {  	[tilespmem:s16], [sflag:$0x1] =	stream.indirect.gather [hbm4b:s4+s15], $0x80, s12, s15, $0xb8;
	[tilespmem:$0x1C880] =	vst v63  }
0xdf: {  	_ =	swait.ge [sflag:s19], $0x4000  }
0xe0: {  	[sflag:s19] =	ssyncset.done $0x0  }
0xe1: {  	s12 =	rddreg [dreg:$0xa];
	[sflag:s19] =	ssyncadd.s32 $0xFFFFC000  }
0xe2: {  	[spmem:s2] =	stream.indirect.scatter.add.f32 [tilespmem:s17], [sflag:$0x3], $0x80, s12, s15, $0xb8;
	[tilespmem:$0x1C880] =	vst v63  }
0xe3: {  	_ =	swait.ge [sflag:s13], $0x4000  }
0xe4: {  	[sflag:s13] =	ssyncset.done $0x0  }
0xe5: {  	s12 =	rddreg [dreg:$0xb];
	[sflag:s13] =	ssyncadd.s32 $0xFFFFC000  }
0xe6: {  	[tilespmem:s17], [sflag:$0x2] =	stream.indirect.gather [hbm4b:s4+s15], $0x80, s12, s15, $0xb8;
	[tilespmem:$0x1C880] =	vst v63  }
0xe7: {  	_ =	swait.ge [sflag:s18], $0x4000  }
0xe8: {  	[sflag:s18] =	ssyncset.done $0x0  }
0xe9: {  	s12 =	rddreg [dreg:$0xc];
	[sflag:s18] =	ssyncadd.s32 $0xFFFFC000  }
0xea: {  	[spmem:s2] =	stream.indirect.scatter.add.f32 [tilespmem:s16], [sflag:$0x3], $0x80, s12, s15, $0xb8;
	[tilespmem:$0x1C880] =	vst v63  }
0xeb: {  	_ =	swait.ge [sflag:s13], $0x4000  }
0xec: {  	[sflag:s13] =	ssyncset.done $0x0  }
0xed: {  	s12 =	rddreg [dreg:$0xd];
	[sflag:s13] =	ssyncadd.s32 $0xFFFFC000  }
0xee: {  	[tilespmem:s16], [sflag:$0x1] =	stream.indirect.gather [hbm4b:s4+s15], $0x80, s12, s15, $0xb8;
	[tilespmem:$0x1C880] =	vst v63  }
0xef: {  	_ =	swait.ge [sflag:s19], $0x4000  }
0xf0: {  	[sflag:s19] =	ssyncset.done $0x0  }
0xf1: {  	s12 =	rddreg [dreg:$0xe];
	[sflag:s19] =	ssyncadd.s32 $0xFFFFC000  }
0xf2: {  	[spmem:s2] =	stream.indirect.scatter.add.f32 [tilespmem:s17], [sflag:$0x3], $0x80, s12, s15, $0xb8;
	[tilespmem:$0x1C880] =	vst v63  }
0xf3: {  	_ =	swait.ge [sflag:s13], $0x4000  }
0xf4: {  	[sflag:s13] =	ssyncset.done $0x0  }
0xf5: {  	s12 =	rddreg [dreg:$0xf];
	[sflag:s13] =	ssyncadd.s32 $0xFFFFC000  }
0xf6: {  	[tilespmem:s17], [sflag:$0x2] =	stream.indirect.gather [hbm4b:s4+s15], $0x80, s12, s15, $0xb8;
	[tilespmem:$0x1C880] =	vst v63  }
0xf7: {  	_ =	swait.ge [sflag:s18], $0x4000  }
0xf8: {  	[sflag:s18] =	ssyncset.done $0x0  }
0xf9: {  	s12 =	rddreg [dreg:$0x10];
	[sflag:s18] =	ssyncadd.s32 $0xFFFFC000  }
0xfa: {  	[spmem:s2] =	stream.indirect.scatter.add.f32 [tilespmem:s16], [sflag:$0x3], $0x80, s12, s15, $0xb8;
	[tilespmem:$0x1C880] =	vst v63  }
0xfb: {  	_ =	swait.ge [sflag:s13], $0x4000  }
0xfc: {  	[sflag:s13] =	ssyncset.done $0x0  }
0xfd: {  	[sflag:s13] =	ssyncadd.s32 $0xFFFFC000  }
0xfe: {  	[tilespmem:s16], [sflag:$0x1] =	stream.indirect.gather [hbm4b:s4+s15], $0x80, s20, s15, $0xb8;
	[tilespmem:$0x1C880] =	vst v63  }
0xff: {  	_ =	swait.ge [sflag:s19], $0x4000  }
0x100: {  	[sflag:s19] =	ssyncset.done $0x0  }
0x101: {  	[sflag:s19] =	ssyncadd.s32 $0xFFFFC000  }
0x102: {  	[spmem:s2] =	stream.indirect.scatter.add.f32 [tilespmem:s17], [sflag:$0x3], $0x80, s21, s15, $0xb8;
	[tilespmem:$0x1C880] =	vst v63  }
0x103: {  	_ =	swait.ge [sflag:s13], $0x4000  }
0x104: {  	[sflag:s13] =	ssyncset.done $0x0  }
0x105: {  	[sflag:s13] =	ssyncadd.s32 $0xFFFFC000  }
0x106: {  	[tilespmem:s17], [sflag:$0x2] =	stream.indirect.gather [hbm4b:s4+s15], $0x80, s22, s15, $0xb8;
	[tilespmem:$0x1C880] =	vst v63  }
0x107: {  	_ =	swait.ge [sflag:s18], $0x4000  }
0x108: {  	[sflag:s18] =	ssyncset.done $0x0  }
0x109: {  	[sflag:s18] =	ssyncadd.s32 $0xFFFFC000  }
0x10a: {  	[spmem:s2] =	stream.indirect.scatter.add.f32 [tilespmem:s16], [sflag:$0x3], $0x80, s23, s15, $0xb8;
	[tilespmem:$0x1C880] =	vst v63  }
0x10b: {  	_ =	swait.ge [sflag:s13], $0x4000  }
0x10c: {  	[sflag:s13] =	ssyncset.done $0x0  }
0x10d: {  	[sflag:s13] =	ssyncadd.s32 $0xFFFFC000  }
0x10e: {  	[tilespmem:s16], [sflag:$0x1] =	stream.indirect.gather [hbm4b:s4+s15], $0x80, s24, s15, $0xb8;
	[tilespmem:$0x1C880] =	vst v63  }
0x10f: {  	_ =	swait.ge [sflag:s19], $0x4000  }
0x110: {  	[sflag:s19] =	ssyncset.done $0x0  }
0x111: {  	[sflag:s19] =	ssyncadd.s32 $0xFFFFC000  }
0x112: {  	[spmem:s2] =	stream.indirect.scatter.add.f32 [tilespmem:s17], [sflag:$0x3], $0x80, s25, s15, $0xb8;
	[tilespmem:$0x1C880] =	vst v63  }
0x113: {  	_ =	swait.ge [sflag:s13], $0x4000  }
0x114: {  	[sflag:s13] =	ssyncset.done $0x0  }
0x115: {  	[sflag:s13] =	ssyncadd.s32 $0xFFFFC000  }
0x116: {  	[tilespmem:s17], [sflag:$0x2] =	stream.indirect.gather [hbm4b:s4+s15], $0x80, s26, s15, $0xb8;
	[tilespmem:$0x1C880] =	vst v63  }
0x117: {  	_ =	swait.ge [sflag:s18], $0x4000  }
0x118: {  	[sflag:s18] =	ssyncset.done $0x0  }
0x119: {  	[sflag:s18] =	ssyncadd.s32 $0xFFFFC000  }
0x11a: {  	[spmem:s2] =	stream.indirect.scatter.add.f32 [tilespmem:s16], [sflag:$0x3], $0x80, s28, s15, $0xb8;
	[tilespmem:$0x1C880] =	vst v63  }
0x11b: {  	_ =	swait.ge [sflag:s13], $0x4000  }
0x11c: {  	[sflag:s13] =	ssyncset.done $0x0  }
0x11d: {  	[sflag:s13] =	ssyncadd.s32 $0xFFFFC000  }
0x11e: {  	[tilespmem:s16], [sflag:$0x1] =	stream.indirect.gather [hbm4b:s4+s15], $0x80, s29, s15, $0xb8;
	[tilespmem:$0x1C880] =	vst v63  }
0x11f: {  	_ =	swait.ge [sflag:s19], $0x4000  }
0x120: {  	[sflag:s19] =	ssyncset.done $0x0  }
0x121: {  	[sflag:s19] =	ssyncadd.s32 $0xFFFFC000  }
0x122: {  	[spmem:s2] =	stream.indirect.scatter.add.f32 [tilespmem:s17], [sflag:$0x3], $0x80, s30, s15, $0xb8;
	[tilespmem:$0x1C880] =	vst v63  }
0x123: {  	_ =	swait.ge [sflag:s13], $0x4000  }
0x124: {  	[sflag:s13] =	ssyncset.done $0x0  }
0x125: {  	[sflag:s13] =	ssyncadd.s32 $0xFFFFC000  }
0x126: {  	[tilespmem:s17], [sflag:$0x2] =	stream.indirect.gather [hbm4b:s4+s15], $0x80, s31, s15, $0xb8;
	[tilespmem:$0x1C880] =	vst v63  }
0x127: {  	_ =	swait.ge [sflag:s18], $0x4000  }
0x128: {  	[sflag:s18] =	ssyncset.done $0x0  }
0x129: {  	[sflag:s18] =	ssyncadd.s32 $0xFFFFC000  }
0x12a: {  	[spmem:s2] =	stream.indirect.scatter.add.f32 [tilespmem:s16], [sflag:$0x3], $0x80, s0, s15, $0xb8;
	[tilespmem:$0x1C880] =	vst v63  }
0x12b: {  	_ =	swait.ge [sflag:s13], $0x4000  }
0x12c: {  	[sflag:s13] =	ssyncset.done $0x0  }
0x12d: {  	[sflag:s13] =	ssyncadd.s32 $0xFFFFC000  }
0x12e: {  	[tilespmem:s16], [sflag:$0x1] =	stream.indirect.gather [hbm4b:s4+s15], $0x80, s1, s15, $0xb8;
	[tilespmem:$0x1C880] =	vst v63  }
0x12f: {  	_ =	swait.ge [sflag:s19], $0x4000  }
0x130: {  	[sflag:s19] =	ssyncset.done $0x0  }
0x131: {  	[sflag:s19] =	ssyncadd.s32 $0xFFFFC000  }
0x132: {  	[spmem:s2] =	stream.indirect.scatter.add.f32 [tilespmem:s17], [sflag:$0x3], $0x80, s5, s15, $0xb8;
	[tilespmem:$0x1C880] =	vst v63  }
0x133: {  	_ =	swait.ge [sflag:s13], $0x4000  }
0x134: {  	[sflag:s13] =	ssyncset.done $0x0  }
0x135: {  	[sflag:s13] =	ssyncadd.s32 $0xFFFFC000  }
0x136: {  	[tilespmem:s17], [sflag:$0x2] =	stream.indirect.gather [hbm4b:s4+s15], $0x80, s6, s15, $0xb8;
	[tilespmem:$0x1C880] =	vst v63  }
0x137: {  	_ =	swait.ge [sflag:s18], $0x4000  }
0x138: {  	[sflag:s18] =	ssyncset.done $0x0  }
0x139: {  	[sflag:s18] =	ssyncadd.s32 $0xFFFFC000  }
0x13a: {  	[spmem:s2] =	stream.indirect.scatter.add.f32 [tilespmem:s16], [sflag:$0x3], $0x80, s7, s15, $0xb8;
	[tilespmem:$0x1C880] =	vst v63  }
0x13b: {  	_ =	swait.ge [sflag:s13], $0x4000  }
0x13c: {  	[sflag:s13] =	ssyncset.done $0x0  }
0x13d: {  	[sflag:s13] =	ssyncadd.s32 $0xFFFFC000  }
0x13e: {  	p1 =	sne.s32 s11, $0x400;
	_ =	swait.ge [sflag:s19], $0x4000  }
.Ltmp0:
0x13f: {  	[sflag:s19] =	ssyncset.done $0x0;
	(pc) =	sbr.rel @p1 .LBB2_2-.Ltmp0, $4  }
0x140: {  	[sflag:s19] =	ssyncadd.s32 $0xFFFFC000  }
0x141: {  	[spmem:s2] =	stream.indirect.scatter.add.f32 [tilespmem:s17], [sflag:$0x3], $0x80, s8, s15, $0xb8;
	[tilespmem:$0x1C880] =	vst v63  }
0x142: {  	s9 =	smov.u32 s11;
	s11 =	sadd.s32 $0x100, s11;
	_ =	swait.ge [sflag:s13], $0x4000  }
0x143: {  	s10 =	smov.u32 s9;
	s12 =	rddreg [dreg:$0x4];
	[sflag:s13] =	ssyncset.done $0x0  }
0x144: {  	[sflag:s13] =	ssyncadd.s32 $0xFFFFC000;
	s9 =	sadd.s32 s10, s12  }
0x145: {  	[tilespmem:s3], [sflag:$0x3] =	stream.linear.gather [hbm4b:s9+s3], $0x800, $0x38;
	[tilespmem:$0x1C880] =	vst v63  }
0x146: {  	_ =	swait.ge [sflag:s13], $0x800  }
0x147: {  	s11 =	rddreg [dreg:$0x3];
	[sflag:s13] =	ssyncset.done $0x0  }
0x148: {  	s9 =	sadd.s32 s10, s11;
	[sflag:s13] =	ssyncadd.s32 $0xFFFFF800  }
0x149: {  	[tilespmem:s14], [sflag:$0x3] =	stream.linear.gather [hbm4b:s9+s3], $0x800, $0x38;
	[tilespmem:$0x1C880] =	vst v63  }
0x14a: {  	_ =	swait.ge [sflag:s13], $0x800  }
0x14b: {  	[sflag:s13] =	ssyncset.done $0x0  }
0x14c: {  	[sflag:s13] =	ssyncadd.s32 $0xFFFFF800  }
0x14d: {  	[tilespmem:s16], [sflag:$0x1] =	stream.indirect.gather [hbm4b:s4+s15], $0x80, s3, s15, $0xb8;
	[tilespmem:$0x1C880] =	vst v63  }
0x14e: {  	_ = 	snop  }
0x14f: {  	[tilespmem:s17], [sflag:$0x2] =	stream.indirect.gather [hbm4b:s4+s15], $0x80, s15, s15, $0xb8;
	[tilespmem:$0x1C880] =	vst v63  }
0x150: {  	_ =	swait.ge [sflag:s18], $0x4000  }
0x151: {  	[sflag:s18] =	ssyncset.done $0x0  }
0x152: {  	[sflag:s18] =	ssyncadd.s32 $0xFFFFC000  }
0x153: {  	[spmem:s2] =	stream.indirect.scatter.add.f32 [tilespmem:s16], [sflag:$0x3], $0x80, s14, s15, $0xb8;
	[tilespmem:$0x1C880] =	vst v63  }
0x154: {  	_ =	swait.ge [sflag:s13], $0x4000  }
0x155: {  	[sflag:s13] =	ssyncset.done $0x0  }
0x156: {  	s12 =	rddreg [dreg:$0x5];
	[sflag:s13] =	ssyncadd.s32 $0xFFFFC000  }
0x157: {  	[tilespmem:s16], [sflag:$0x1] =	stream.indirect.gather [hbm4b:s4+s15], $0x80, s12, s15, $0xb8;
	[tilespmem:$0x1C880] =	vst v63  }
0x158: {  	_ =	swait.ge [sflag:s19], $0x4000  }
0x159: {  	[sflag:s19] =	ssyncset.done $0x0  }
0x15a: {  	s10 =	rddreg [dreg:$0x6];
	[sflag:s19] =	ssyncadd.s32 $0xFFFFC000  }
0x15b: {  	[spmem:s2] =	stream.indirect.scatter.add.f32 [tilespmem:s17], [sflag:$0x3], $0x80, s10, s15, $0xb8;
	[tilespmem:$0x1C880] =	vst v63  }
0x15c: {  	_ =	swait.ge [sflag:s13], $0x4000  }
0x15d: {  	[sflag:s13] =	ssyncset.done $0x0  }
0x15e: {  	s11 =	rddreg [dreg:$0x7];
	[sflag:s13] =	ssyncadd.s32 $0xFFFFC000  }
0x15f: {  	[tilespmem:s17], [sflag:$0x2] =	stream.indirect.gather [hbm4b:s4+s15], $0x80, s11, s15, $0xb8;
	[tilespmem:$0x1C880] =	vst v63  }
0x160: {  	_ =	swait.ge [sflag:s18], $0x4000  }
0x161: {  	[sflag:s18] =	ssyncset.done $0x0  }
0x162: {  	s12 =	rddreg [dreg:$0x8];
	[sflag:s18] =	ssyncadd.s32 $0xFFFFC000  }
0x163: {  	[spmem:s2] =	stream.indirect.scatter.add.f32 [tilespmem:s16], [sflag:$0x3], $0x80, s12, s15, $0xb8;
	[tilespmem:$0x1C880] =	vst v63  }
0x164: {  	_ =	swait.ge [sflag:s13], $0x4000  }
0x165: {  	[sflag:s13] =	ssyncset.done $0x0  }
0x166: {  	s10 =	rddreg [dreg:$0x9];
	[sflag:s13] =	ssyncadd.s32 $0xFFFFC000  }
0x167: {  	[tilespmem:s16], [sflag:$0x1] =	stream.indirect.gather [hbm4b:s4+s15], $0x80, s10, s15, $0xb8;
	[tilespmem:$0x1C880] =	vst v63  }
0x168: {  	_ =	swait.ge [sflag:s19], $0x4000  }
0x169: {  	[sflag:s19] =	ssyncset.done $0x0  }
0x16a: {  	s11 =	rddreg [dreg:$0xa];
	[sflag:s19] =	ssyncadd.s32 $0xFFFFC000  }
0x16b: {  	[spmem:s2] =	stream.indirect.scatter.add.f32 [tilespmem:s17], [sflag:$0x3], $0x80, s11, s15, $0xb8;
	[tilespmem:$0x1C880] =	vst v63  }
0x16c: {  	_ =	swait.ge [sflag:s13], $0x4000  }
0x16d: {  	[sflag:s13] =	ssyncset.done $0x0  }
0x16e: {  	s12 =	rddreg [dreg:$0xb];
	[sflag:s13] =	ssyncadd.s32 $0xFFFFC000  }
0x16f: {  	[tilespmem:s17], [sflag:$0x2] =	stream.indirect.gather [hbm4b:s4+s15], $0x80, s12, s15, $0xb8;
	[tilespmem:$0x1C880] =	vst v63  }
0x170: {  	_ =	swait.ge [sflag:s18], $0x4000  }
0x171: {  	[sflag:s18] =	ssyncset.done $0x0  }
0x172: {  	s10 =	rddreg [dreg:$0xc];
	[sflag:s18] =	ssyncadd.s32 $0xFFFFC000  }
0x173: {  	[spmem:s2] =	stream.indirect.scatter.add.f32 [tilespmem:s16], [sflag:$0x3], $0x80, s10, s15, $0xb8;
	[tilespmem:$0x1C880] =	vst v63  }
0x174: {  	_ =	swait.ge [sflag:s13], $0x4000  }
0x175: {  	[sflag:s13] =	ssyncset.done $0x0  }
0x176: {  	s11 =	rddreg [dreg:$0xd];
	[sflag:s13] =	ssyncadd.s32 $0xFFFFC000  }
0x177: {  	[tilespmem:s16], [sflag:$0x1] =	stream.indirect.gather [hbm4b:s4+s15], $0x80, s11, s15, $0xb8;
	[tilespmem:$0x1C880] =	vst v63  }
0x178: {  	_ =	swait.ge [sflag:s19], $0x4000  }
0x179: {  	[sflag:s19] =	ssyncset.done $0x0  }
0x17a: {  	s12 =	rddreg [dreg:$0xe];
	[sflag:s19] =	ssyncadd.s32 $0xFFFFC000  }
0x17b: {  	[spmem:s2] =	stream.indirect.scatter.add.f32 [tilespmem:s17], [sflag:$0x3], $0x80, s12, s15, $0xb8;
	[tilespmem:$0x1C880] =	vst v63  }
0x17c: {  	_ =	swait.ge [sflag:s13], $0x4000  }
0x17d: {  	[sflag:s13] =	ssyncset.done $0x0  }
0x17e: {  	s10 =	rddreg [dreg:$0xf];
	[sflag:s13] =	ssyncadd.s32 $0xFFFFC000  }
0x17f: {  	[tilespmem:s17], [sflag:$0x2] =	stream.indirect.gather [hbm4b:s4+s15], $0x80, s10, s15, $0xb8;
	[tilespmem:$0x1C880] =	vst v63  }
0x180: {  	_ =	swait.ge [sflag:s18], $0x4000  }
0x181: {  	[sflag:s18] =	ssyncset.done $0x0  }
0x182: {  	s11 =	rddreg [dreg:$0x10];
	[sflag:s18] =	ssyncadd.s32 $0xFFFFC000  }
0x183: {  	[spmem:s2] =	stream.indirect.scatter.add.f32 [tilespmem:s16], [sflag:$0x3], $0x80, s11, s15, $0xb8;
	[tilespmem:$0x1C880] =	vst v63  }
0x184: {  	_ =	swait.ge [sflag:s13], $0x4000  }
0x185: {  	[sflag:s13] =	ssyncset.done $0x0  }
0x186: {  	[sflag:s13] =	ssyncadd.s32 $0xFFFFC000  }
0x187: {  	[tilespmem:s16], [sflag:$0x1] =	stream.indirect.gather [hbm4b:s4+s15], $0x80, s20, s15, $0xb8;
	[tilespmem:$0x1C880] =	vst v63  }
0x188: {  	_ =	swait.ge [sflag:s19], $0x4000  }
0x189: {  	[sflag:s19] =	ssyncset.done $0x0  }
0x18a: {  	[sflag:s19] =	ssyncadd.s32 $0xFFFFC000  }
0x18b: {  	[spmem:s2] =	stream.indirect.scatter.add.f32 [tilespmem:s17], [sflag:$0x3], $0x80, s21, s15, $0xb8;
	[tilespmem:$0x1C880] =	vst v63  }
0x18c: {  	_ =	swait.ge [sflag:s13], $0x4000  }
0x18d: {  	[sflag:s13] =	ssyncset.done $0x0  }
0x18e: {  	[sflag:s13] =	ssyncadd.s32 $0xFFFFC000  }
0x18f: {  	[tilespmem:s17], [sflag:$0x2] =	stream.indirect.gather [hbm4b:s4+s15], $0x80, s22, s15, $0xb8;
	[tilespmem:$0x1C880] =	vst v63  }
0x190: {  	_ =	swait.ge [sflag:s18], $0x4000  }
0x191: {  	[sflag:s18] =	ssyncset.done $0x0  }
0x192: {  	[sflag:s18] =	ssyncadd.s32 $0xFFFFC000  }
0x193: {  	[spmem:s2] =	stream.indirect.scatter.add.f32 [tilespmem:s16], [sflag:$0x3], $0x80, s23, s15, $0xb8;
	[tilespmem:$0x1C880] =	vst v63  }
0x194: {  	_ =	swait.ge [sflag:s13], $0x4000  }
0x195: {  	[sflag:s13] =	ssyncset.done $0x0  }
0x196: {  	[sflag:s13] =	ssyncadd.s32 $0xFFFFC000  }
0x197: {  	[tilespmem:s16], [sflag:$0x1] =	stream.indirect.gather [hbm4b:s4+s15], $0x80, s24, s15, $0xb8;
	[tilespmem:$0x1C880] =	vst v63  }
0x198: {  	_ =	swait.ge [sflag:s19], $0x4000  }
0x199: {  	[sflag:s19] =	ssyncset.done $0x0  }
0x19a: {  	[sflag:s19] =	ssyncadd.s32 $0xFFFFC000  }
0x19b: {  	[spmem:s2] =	stream.indirect.scatter.add.f32 [tilespmem:s17], [sflag:$0x3], $0x80, s25, s15, $0xb8;
	[tilespmem:$0x1C880] =	vst v63  }
0x19c: {  	_ =	swait.ge [sflag:s13], $0x4000  }
0x19d: {  	[sflag:s13] =	ssyncset.done $0x0  }
0x19e: {  	[sflag:s13] =	ssyncadd.s32 $0xFFFFC000  }
0x19f: {  	[tilespmem:s17], [sflag:$0x2] =	stream.indirect.gather [hbm4b:s4+s15], $0x80, s26, s15, $0xb8;
	[tilespmem:$0x1C880] =	vst v63  }
0x1a0: {  	_ =	swait.ge [sflag:s18], $0x4000  }
0x1a1: {  	[sflag:s18] =	ssyncset.done $0x0  }
0x1a2: {  	[sflag:s18] =	ssyncadd.s32 $0xFFFFC000  }
0x1a3: {  	[spmem:s2] =	stream.indirect.scatter.add.f32 [tilespmem:s16], [sflag:$0x3], $0x80, s28, s15, $0xb8;
	[tilespmem:$0x1C880] =	vst v63  }
0x1a4: {  	_ =	swait.ge [sflag:s13], $0x4000  }
0x1a5: {  	[sflag:s13] =	ssyncset.done $0x0  }
0x1a6: {  	[sflag:s13] =	ssyncadd.s32 $0xFFFFC000  }
0x1a7: {  	[tilespmem:s16], [sflag:$0x1] =	stream.indirect.gather [hbm4b:s4+s15], $0x80, s29, s15, $0xb8;
	[tilespmem:$0x1C880] =	vst v63  }
0x1a8: {  	_ =	swait.ge [sflag:s19], $0x4000  }
0x1a9: {  	[sflag:s19] =	ssyncset.done $0x0  }
0x1aa: {  	[sflag:s19] =	ssyncadd.s32 $0xFFFFC000  }
0x1ab: {  	[spmem:s2] =	stream.indirect.scatter.add.f32 [tilespmem:s17], [sflag:$0x3], $0x80, s30, s15, $0xb8;
	[tilespmem:$0x1C880] =	vst v63  }
0x1ac: {  	_ =	swait.ge [sflag:s13], $0x4000  }
0x1ad: {  	[sflag:s13] =	ssyncset.done $0x0  }
0x1ae: {  	[sflag:s13] =	ssyncadd.s32 $0xFFFFC000  }
0x1af: {  	[tilespmem:s17], [sflag:$0x2] =	stream.indirect.gather [hbm4b:s4+s15], $0x80, s31, s15, $0xb8;
	[tilespmem:$0x1C880] =	vst v63  }
0x1b0: {  	_ =	swait.ge [sflag:s18], $0x4000  }
0x1b1: {  	[sflag:s18] =	ssyncset.done $0x0  }
0x1b2: {  	[sflag:s18] =	ssyncadd.s32 $0xFFFFC000  }
0x1b3: {  	[spmem:s2] =	stream.indirect.scatter.add.f32 [tilespmem:s16], [sflag:$0x3], $0x80, s0, s15, $0xb8;
	[tilespmem:$0x1C880] =	vst v63  }
0x1b4: {  	_ =	swait.ge [sflag:s13], $0x4000  }
0x1b5: {  	[sflag:s13] =	ssyncset.done $0x0  }
0x1b6: {  	[sflag:s13] =	ssyncadd.s32 $0xFFFFC000  }
0x1b7: {  	[tilespmem:s16], [sflag:$0x1] =	stream.indirect.gather [hbm4b:s4+s15], $0x80, s1, s15, $0xb8;
	[tilespmem:$0x1C880] =	vst v63  }
0x1b8: {  	_ =	swait.ge [sflag:s19], $0x4000  }
0x1b9: {  	[sflag:s19] =	ssyncset.done $0x0  }
0x1ba: {  	[sflag:s19] =	ssyncadd.s32 $0xFFFFC000  }
0x1bb: {  	[spmem:s2] =	stream.indirect.scatter.add.f32 [tilespmem:s17], [sflag:$0x3], $0x80, s5, s15, $0xb8;
	[tilespmem:$0x1C880] =	vst v63  }
0x1bc: {  	_ =	swait.ge [sflag:s13], $0x4000  }
0x1bd: {  	[sflag:s13] =	ssyncset.done $0x0  }
0x1be: {  	[sflag:s13] =	ssyncadd.s32 $0xFFFFC000  }
0x1bf: {  	[tilespmem:s17], [sflag:$0x2] =	stream.indirect.gather [hbm4b:s4+s15], $0x80, s6, s15, $0xb8;
	[tilespmem:$0x1C880] =	vst v63  }
0x1c0: {  	_ =	swait.ge [sflag:s18], $0x4000  }
0x1c1: {  	[sflag:s18] =	ssyncset.done $0x0  }
0x1c2: {  	[sflag:s18] =	ssyncadd.s32 $0xFFFFC000  }
0x1c3: {  	[spmem:s2] =	stream.indirect.scatter.add.f32 [tilespmem:s16], [sflag:$0x3], $0x80, s7, s15, $0xb8;
	[tilespmem:$0x1C880] =	vst v63  }
0x1c4: {  	_ =	swait.ge [sflag:s13], $0x4000  }
0x1c5: {  	[sflag:s13] =	ssyncset.done $0x0  }
0x1c6: {  	[sflag:s13] =	ssyncadd.s32 $0xFFFFC000  }
0x1c7: {  	_ =	swait.ge [sflag:s19], $0x4000  }
0x1c8: {  	[sflag:s19] =	ssyncset.done $0x0  }
0x1c9: {  	[sflag:s19] =	ssyncadd.s32 $0xFFFFC000  }
0x1ca: {  	[spmem:s2] =	stream.indirect.scatter.add.f32 [tilespmem:s17], [sflag:$0x3], $0x80, s8, s15, $0xb8;
	[tilespmem:$0x1C880] =	vst v63  }
0x1cb: {  	_ =	swait.ge [sflag:s13], $0x4000  }
0x1cc: {  	[sflag:s13] =	ssyncset.done $0x0  }
0x1cd: {  	[sflag:s13] =	ssyncadd.s32 $0xFFFFC000  }
0x1ce: {  	[bflag:$0x0] =	sbarrier.arrive $0xFFFF  }
0x1cf: {  	s10 =	rddreg [dreg:$0x14]  }
0x1d0: {  	s9 =	simm.s32 @p0 $0x1FC3;
	s11 =	rddreg [dreg:$0x16]  }
0x1d1: {  	[hbm:s10], [sflag:s9] =	dma.local @p0 [spmem:s11], $0x2800  }
0x1d2: {  	s9 =	simm.s32 @p0 $0x3  }
0x1d3: {  	_ =	swait.ge @p0 [sflag:s9], $0x2800  }
0x1d4: {  	s12 =	rddreg [dreg:$0x17]  }
0x1d5: {  	[sflag:s9] =	ssyncset.done @p0 $0x0;
	s11 =	rddreg [dreg:$0x18]  }
0x1d6: {  	s10 =	simm.s32 @!p0 $0x3;
	[sflag:s9] =	ssyncadd.s32 @p0 $0xFFFFD800;
	s9 =	rddreg [dreg:$0x13]  }
0x1d7: {  	[hbm:s9], [sflag:s12] =	dma.local @!p0 [spmem:s11], $0x2700  }
0x1d8: {  	_ =	swait.ge @!p0 [sflag:s10], $0x2700  }
0x1d9: {  	s12 =	rddreg [dreg:$0x19]  }
0x1da: {  	s9 =	sadd.s32 $0x1, s12;
	s12 =	rddreg [dreg:$0x15]  }
0x1db: {  	p1 =	sne.s32 s9, s12  }
.Ltmp1:
0x1dc: {  	_ = 	snop;
	(pc) =	sbr.rel @p1 .LBB2_1-.Ltmp1, $3  }
0x1dd: {  	_ =	sdelay $0x1  }
0x1de: {  	[sflag:s10] =	ssyncset.done @!p0 $0x0;
	[dreg:$0x19] =	wrdreg s9;
	s9 =	simm.s32 @!p0 $0x3  }
0x1df: {  	[sflag:s9] =	ssyncadd.s32 @!p0 $0xFFFFD900  }
0x1e0: {  	_ =	sfence.sel $0x180000  }
0x1e1: {  	[bflag:$0x0] =	sbarrier.arrive $0xFFFF  }
0x1e2: {  	_ =	strace $0x9000004A  }
0x1e3: {  	s0 =	stileid.u32;
	[bflag:$0x2] =	sbarrier.arrive $0xFFFF  }
0x1e4: {  	p0 =	sne.s32 s0, $0x0;
	s0 =	rddreg [dreg:$0x2]  }
0x1e5: {  	s0 =	sadd.s32 @!p0 $0x100000, s0  }
0x1e6: {  	[sflag:s0] =	ssyncadd.tile.s32 @!p0 $0x1;
	_ =	shalt  }
.Lfunc_end2:
_tile_overlayer_lowered:
.L_overlay_start_2:
0x1e7: {  	(tag) =	ssettag $0x2  }
0x1e8: {  	s0 =	rddreg [dreg:$0x0];
	s2 =	stileid.u32  }
0x1e9: {  	s1 =	rddreg [dreg:$0x1];
	p0 =	sne.s32 s2, $0x0  }
0x1ea: {  	s3 =	rddreg [dreg:$0x2];
	[bflag:$0x3] =	sbarrier.arrive $0xFFFF;
	s2 =	simm.s32 @!p0 $0x1C03  }
0x1eb: {  	[timem:s3], [sflag:s2] =	dma.local @!p0 [hbm:s0], s1  }
0x1ec: {  	s0 =	simm.s32 @!p0 $0x3  }
0x1ed: {  	_ =	swait.ge @!p0 [sflag:s0], s1  }
0x1ee: {  	s1 =	ssub.s32 @!p0 $0x0, s1;
	[sflag:s0] =	ssyncset.done @!p0 $0x0  }
0x1ef: {  	[sflag:s0] =	ssyncadd.s32 @!p0 s1  }
0x1f0: {  	[bflag:$0x3] =	sbarrier.arrive $0xFFFF  }
0x1f1: {  	_ =	shalt  }

// kernel: kernel.5.cloned.1.call-start
scs
__scs_entry_jumppad:
0x0: {  	(pc) =	sbr.rel $0x88, $3  }
0x1: {  	(tag) =	ssettag $0x0;
	lr =	simm.s32 $0x1  }
0x2: {  	[smem:$0x3F83] =	sst lr;
	_ =	strace $0xD0000000  }
0x3: {  	_ = 	snop  }
0x4: {  	_ = 	snop  }
0x5: {  	_ = 	snop  }
0x6: {  	_ = 	snop  }
0x7: {  	_ = 	snop  }
__scs_overlays_trampoline_lowered:
0x8: {  	[smem:$0x3F92] =	sst s0  }
0x9: {  	[smem:$0x3F93] =	sst s1  }
0xa: {  	[smem:$0x3F94] =	sst s2  }
0xb: {  	[smem:$0x3F95] =	sst s3  }
0xc: {  	[smem:$0x3F96] =	sst s4  }
0xd: {  	[smem:$0x3F97] =	sst s5  }
0xe: {  	[smem:$0x3F98] =	sst s6  }
0xf: {  	[smem:$0x3F99] =	sst s7  }
0x10: {  	[smem:$0x3F9A] =	sst s8  }
0x11: {  	[smem:$0x3F9B] =	sst s9;
	s0 =	simm.s32 @!p0 $0x0  }
0x12: {  	s1 =	sld [smem:$0x3F81];
	s0 =	simm.s32 @p0 $0x1  }
0x13: {  	[smem:$0x3F9C] =	sst s0;
	s0 =	simm.s32 @!p1 $0x0  }
0x14: {  	s2 =	sld [smem:$0x3F80];
	s0 =	simm.s32 @p1 $0x1  }
0x15: {  	[smem:$0x3F9D] =	sst s0;
	s0 =	simm.s32 @!p2 $0x0  }
0x16: {  	s3 =	sld [smem:$0x3FDB];
	s0 =	simm.s32 @p2 $0x1  }
0x17: {  	s4 =	simm.s32 $0x1BF5;
	[smem:$0x3F9F] =	sst s0  }
0x18: {  	s0 =	sld [smem:$0x3F82];
	_ =	swait.ge [sflag:s4], $0x0  }
0x19: {  	s7 =	sld [smem:$0x3F83]  }
0x1a: {  	s8 =	sadd.s32 $0xFFFFE003, lr  }
0x1b: {  	s9 =	sadd.s32 $0xFFFFFEF7, lr;
	s5 =	simm.s32 $0xFFFFFFFF;
	p2 =	slt.u32 s8, $0xFFFFF086  }
0x1c: {  	p1 =	slt.u32 s9, $0xF7A;
	s5 =	simm.s32 @!p2 $0x0  }
0x1d: {  	s5 =	simm.s32 @p1 $0x1;
	p0 =	seq.s32 s7, s2  }
0x1e: {  	s7 =	smul.u32 @!p0 $0xF7A, s2;
	p2 =	seq.s32 @!p0 s5, $0x0  }
0x1f: {  	s9 =	smul.u32 $0xF7A, s1;
	s8 =	simm.s32 @!p0 $0x1BF5;
	p2 =	por !p2, p0  }
0x20: {  	[sflag:s8] =	ssyncset.s32 @!p0 $0xFFFFF086;
	s6 =	sadd.s32 @!p0 s3, s7;
	s7 =	simm.s32 @!p0 $0x108  }
0x21: {  	s3 =	sadd.s32 s3, s9;
	s6 =	sadd.s32 @!p0 $0x88, s6;
	s7 =	simm.s32 @p2 $0x1082  }
0x22: {  	[simem:s7], [sflag:s8] =	dma.local @!p0 [hbm:s6], $0xF7A  }
0x23: {  	s9 =	sor.u32 $0xD0000000, s2;
	s6 =	simm.s32 $0x108;
	_ =	swait.ge @!p0 [sflag:s8], $0x0  }
0x24: {  	s3 =	sadd.s32 $0x88, s3;
	s6 =	simm.s32 @!p1 $0x1082;
	[sflag:s4] =	ssyncset.s32 $0xFFFFF086  }
0x25: {  	[simem:s6], [sflag:s4] =	dma.local [hbm:s3], $0xF7A  }
0x26: {  	[smem:$0x3F83] =	sst s1;
	(tag) =	ssettag s2;
	_ =	strace s9  }
0x27: {  	s1 =	sld [smem:$0x3F93]  }
0x28: {  	s2 =	sld [smem:$0x3F94]  }
0x29: {  	s4 =	sld [smem:$0x3F96]  }
0x2a: {  	p0 =	seq.s32 s5, $0x0;
	s5 =	sld [smem:$0x3F97]  }
0x2b: {  	s6 =	sld [smem:$0x3F98]  }
0x2c: {  	s7 =	sld [smem:$0x3F99]  }
0x2d: {  	s3 =	simm.s32 $0x108;
	s8 =	sld [smem:$0x3F9A]  }
0x2e: {  	s3 =	simm.s32 @!p0 $0x1082;
	s9 =	sld [smem:$0x3F9B]  }
0x2f: {  	lr =	sadd.s32 s0, s3;
	s0 =	sld [smem:$0x3F92]  }
0x30: {  	s3 =	sld [smem:$0x3F95]  }
0x31: {  	[smem:$0x3F9E] =	sst s10  }
0x32: {  	s10 =	sld [smem:$0x3F9C];
	_ =	sdelay $0x3  }
0x33: {  	p0 =	seq.s32 s10, $0x1;
	s10 =	sld [smem:$0x3F9E];
	_ =	sdelay $0x3  }
0x34: {  	[smem:$0x3F9E] =	sst s10  }
0x35: {  	s10 =	sld [smem:$0x3F9D];
	_ =	sdelay $0x3  }
0x36: {  	p1 =	seq.s32 s10, $0x1;
	s10 =	sld [smem:$0x3F9E];
	_ =	sdelay $0x3  }
0x37: {  	[smem:$0x3F9E] =	sst s10  }
0x38: {  	s10 =	sld [smem:$0x3F9F]  }
0x39: {  	_ = 	snop;
	(pc) =	sbr.ind lr, $3  }
0x3a: {  	_ = 	snop  }
0x3b: {  	_ = 	snop  }
0x3c: {  	p2 =	seq.s32 s10, $0x1;
	s10 =	sld [smem:$0x3F9E]  }
0x3d: {  	_ =	shalt  }
0x3e: {  	_ =	shalt  }
0x3f: {  	_ =	shalt  }
0x40: {  	_ =	shalt  }
0x41: {  	_ =	shalt  }
0x42: {  	_ =	shalt  }
0x43: {  	_ =	shalt  }
0x44: {  	_ =	shalt  }
0x45: {  	_ =	shalt  }
0x46: {  	_ =	shalt  }
0x47: {  	_ =	shalt  }
0x48: {  	_ =	shalt  }
0x49: {  	_ =	shalt  }
0x4a: {  	_ =	shalt  }
0x4b: {  	_ =	shalt  }
0x4c: {  	_ =	shalt  }
0x4d: {  	_ =	shalt  }
0x4e: {  	_ =	shalt  }
0x4f: {  	_ =	shalt  }
0x50: {  	_ =	shalt  }
0x51: {  	_ =	shalt  }
0x52: {  	_ =	shalt  }
0x53: {  	_ =	shalt  }
0x54: {  	_ =	shalt  }
0x55: {  	_ =	shalt  }
0x56: {  	_ =	shalt  }
0x57: {  	_ =	shalt  }
0x58: {  	_ =	shalt  }
0x59: {  	_ =	shalt  }
0x5a: {  	_ =	shalt  }
0x5b: {  	_ =	shalt  }
0x5c: {  	_ =	shalt  }
0x5d: {  	_ =	shalt  }
0x5e: {  	_ =	shalt  }
0x5f: {  	_ =	shalt  }
0x60: {  	_ =	shalt  }
0x61: {  	_ =	shalt  }
0x62: {  	_ =	shalt  }
0x63: {  	_ =	shalt  }
0x64: {  	_ =	shalt  }
0x65: {  	_ =	shalt  }
0x66: {  	_ =	shalt  }
0x67: {  	_ =	shalt  }
0x68: {  	_ =	shalt  }
0x69: {  	_ =	shalt  }
0x6a: {  	_ =	shalt  }
0x6b: {  	_ =	shalt  }
0x6c: {  	_ =	shalt  }
0x6d: {  	_ =	shalt  }
0x6e: {  	_ =	shalt  }
0x6f: {  	_ =	shalt  }
0x70: {  	_ =	shalt  }
0x71: {  	_ =	shalt  }
0x72: {  	_ =	shalt  }
0x73: {  	_ =	shalt  }
0x74: {  	_ =	shalt  }
0x75: {  	_ =	shalt  }
0x76: {  	_ =	shalt  }
0x77: {  	_ =	shalt  }
0x78: {  	_ =	shalt  }
0x79: {  	_ =	shalt  }
0x7a: {  	_ =	shalt  }
0x7b: {  	_ =	shalt  }
0x7c: {  	_ =	shalt  }
0x7d: {  	_ =	shalt  }
0x7e: {  	_ =	shalt  }
0x7f: {  	_ =	shalt  }
0x80: {  	_ =	shalt  }
0x81: {  	_ =	shalt  }
0x82: {  	_ =	shalt  }
0x83: {  	_ =	shalt  }
0x84: {  	_ =	shalt  }
0x85: {  	_ =	shalt  }
0x86: {  	_ =	shalt  }
0x87: {  	_ =	shalt  }
.Lfunc_end0:
.L_simem_size_0:
called_computation.1_lowered:
.L_overlay_start_0:
0x88: {  	s2 =	sld [smem:$0x3FD9]  }
0x89: {  	s3 =	sld [smem:$0x3FFE];
	_ =	sdelay $0x1  }
0x8a: {  	s1 =	srdreg.scid  }
0x8b: {  	s0 =	sand.u32 $0x1, s1  }
0x8c: {  	s14 =	sshll.u32 s0, $0xA;
	s2 =	sadd.s32 s3, s2  }
0x8d: {  	s2 =	sadd.s32 s2, s14  }
0x8e: {  	[smem:$0x3FAA] =	sst s2  }
0x8f: {  	_ = 	snop  }
0x90: {  	s2 =	sld [smem:$0x3FD0];
	_ =	sdelay $0x2  }
0x91: {  	s15 =	simm.s32 $0xA;
	s4 =	simm.s32 $0x10  }
0x92: {  	[smem:s4], [sflag:s15] =	dma.local [hbm:s2], $0x1  }
0x93: {  	_ =	swait.eq [sflag:s15], $0x1  }
0x94: {  	[sflag:s15] =	ssyncset.done $0x0  }
0x95: {  	[sflag:s15] =	ssyncadd.s32 $0xFFFFFFFF  }
0x96: {  	s16 =	sld [smem:$0x11];
	(tm) =	ssettm $0x1  }
0x97: {  	s17 =	sld [smem:$0x3FFB];
	_ =	sdelay $0x3  }
0x98: {  	_ =	strace s17  }
0x99: {  	s3 =	sld [smem:$0x3FFC];
	_ =	sdelay $0x3  }
0x9a: {  	_ =	strace s3  }
0x9b: {  	s3 =	sld [smem:$0x3FFD];
	_ =	sdelay $0x3  }
0x9c: {  	_ =	strace s3  }
0x9d: {  	_ =	strace $0x8FFFFFFF  }
0x9e: {  	s18 =	sld [smem:$0x3FDB];
	_ =	sdelay $0x1  }
0x9f: {  	s19 =	simm.s32 $_scs_section_size  }
0xa0: {  	s5 =	simm.s32 $_size__tile_overlayer_lowered;
	s6 =	simm.s32 $_tile_overlayer_lowered  }
0xa1: {  	s22 =	simm.s32 $0x1BFF;
	s21 =	sshll.u32 s6, $0x1;
	s3 =	sadd.s32 s19, s18  }
0xa2: {  	s7 =	simm.s32 $0x0;
	s20 =	sshll.u32 s5, $0x1;
	s5 =	sadd.s32 s21, s3  }
0xa3: {  	[timem:s7], [sflag:s22] =	dma.local [hbm:s5], s20  }
0xa4: {  	_ =	swait.ge [sflag:s22], s20  }
0xa5: {  	s4 =	ssub.s32 $0x0, s20;
	[sflag:s22] =	ssyncset.done $0x0  }
0xa6: {  	[sflag:s22] =	ssyncadd.s32 s4;
	_ =	sdelay $0x1  }
0xa7: {  	s23 =	simm.s32 $0x1B8B  }
0xa8: {  	_ =	swait.ge [sflag:s23], $0x1  }
0xa9: {  	[sflag:s23] =	ssyncset.done $0x0  }
0xaa: {  	s25 =	simm.s32 $0x1B8E;
	s24 =	sld [smem:$0x3FFE];
	[sflag:s23] =	ssyncadd.s32 $0xFFFFFFFF  }
0xab: {  	s26 =	simm.s32 $execute0_lowered;
	[smem:$0x3FD2] =	sst s25  }
0xac: {  	s5 =	sshll.u32 s26, $0x1;
	_ =	strace $0x80000046;
	[dreg:$0x1] =	wrdreg $0xFFFFFFFF  }
0xad: {  	s28 =	simm.s32 $_size_execute0_lowered;
	s3 =	sadd.s32 s3, s5;
	[dreg:$0x0] =	wrdreg $0x0  }
0xae: {  	s5 =	sshll.u32 s28, $0x1;
	[dreg:$0x2] =	wrdreg s3  }
0xaf: {  	[dreg:$0x3] =	wrdreg s5  }
0xb0: {  	[dreg:$0x4] =	wrdreg $0xC0  }
0xb1: {  	_ =	task [dreg:s7], $0x5FFFF  }
0xb2: {  	[dreg:$0x1] =	wrdreg $0xFFFFFFFF  }
0xb3: {  	[dreg:$0x0] =	wrdreg $0x60  }
0xb4: {  	[dreg:$0x2] =	wrdreg s24  }
0xb5: {  	[dreg:$0x3] =	wrdreg s16  }
0xb6: {  	[dreg:$0x4] =	wrdreg $0x48000  }
0xb7: {  	[dreg:$0x5] =	wrdreg $0x9  }
0xb8: {  	_ =	task.clear_ibuf [dreg:s7], $0x6FFFF;
	_ =	strace $0x90000046  }
0xb9: {  	s29 =	simm.s32 $0x9;
	_ =	strace $0x80000048  }
0xba: {  	_ =	swait.ge [sflag:s29], $0x1  }
0xbb: {  	[sflag:s29] =	ssyncadd.s32 $0xFFFFFFFF  }
0xbc: {  	_ =	strace $0x90000048  }
0xbd: {  	_ =	sfence  }
0xbe: {  	s30 =	sld [smem:$0x0];
	_ =	sdelay $0x2  }
0xbf: {  	s31 =	sshll.u32 s1, $0xD;
	s1 =	sshrl.u32 s1, $0x2  }
0xc0: {  	s3 =	sand.u32 $0x4000, s31;
	s1 =	sadd.s32 s1, s30  }
0xc1: {  	s0 =	sor.u32 s3, s0;
	s1 =	sshll.u32 s1, $0x11  }
0xc2: {  	s0 =	sor.u32 s1, s0  }
0xc3: {  	s0 =	sadd.s32 $0x8F2B, s0  }
0xc4: {  	[sflag:s0] =	ssyncadd.remote.s32 $0x1  }
0xc5: {  	_ =	sfence.sel $0xFFFF  }
0xc6: {  	[dreg:$0x0] =	wrdreg $0xFFFFFFFF;
	(pc) =	sbr.abs _section_cstart, $3  }
0xc7: {  	[dreg:$0x1] =	wrdreg $0xFFFFFFFF  }
0xc8: {  	_ =	task.clear_ibuf [dreg:s7], $0x2FFFF;
	_ =	strace $0x9FFFFFFF  }
0xc9: {  	(tm) =	ssettm $0x7FFFFFFF  }
tec
execute0_lowered:
.L_overlay_start_1:
0x0: {  	(tag) =	ssettag $0x1  }
0x1: {  	s0 =	rddreg [dreg:$0x0];
	s1 =	srdreg.scid  }
0x2: {  	s13 =	stileid.u32;
	s3 =	rddreg [dreg:$0x2];
	s4 =	simm.s32 $0x0  }
0x3: {  	s14 =	simm.s32 $0x800;
	s15 =	simm.s32 $0x2;
	s16 =	simm.s32 $0x80  }
0x4: {  	s17 =	simm.s32 $0x100;
	s18 =	simm.s32 $0x180;
	s19 =	simm.s32 $0x200  }
0x5: {  	s20 =	simm.s32 $0x280;
	s21 =	simm.s32 $0x300;
	s22 =	simm.s32 $0x380  }
0x6: {  	s28 =	simm.s32 $0x600;
	s29 =	simm.s32 $0x680;
	s5 =	smul.u32 $0x2800, s13  }
0x7: {  	s30 =	simm.s32 $0x700;
	s31 =	simm.s32 $0x780;
	s23 =	smul.u32 $0x2700, s13  }
0x8: {  	s1 =	sand.u32 $0x1, s1;
	[smem:$0x7FF] =	sst s4;
	s6 =	smul.u32 $0x4E000, s13  }
0x9: {  	s9 =	smul.u32 $0x13800, s13;
	s10 =	sadd.s32 $0x38000, s0;
	s12 =	sadd.s32 $0x124800, s3  }
0xa: {  	p0 =	seq.s32 s13, $0xF;
	s2 =	smul.u32 $0x28000, s1;
	s7 =	ssub.s32 $0x2, s1  }
0xb: {  	_ =	strace $0x80000047;
	s1 =	smul.u32 $0x138800, s1;
	s8 =	sshrl.u32 s7, $0x1  }
0xc: {  	s6 =	sshrl.u32 s6, $0x2;
	s2 =	sadd.s32 s5, s2;
	s5 =	sadd.s32 s23, s0  }
0xd: {  	s11 =	ssub.s32 s7, s8;
	s6 =	sadd.s32 s6, s3;
	s24 =	sadd.s32 s9, s1  }
0xe: {  	s1 =	sshrl.u32 s1, $0x3;
	s23 =	simm.s32 $0x400;
	s2 =	sshrl.u32 s2, $0x3  }
0xf: {  	s5 =	sadd.s32 $0x10E00, s5;
	s26 =	sadd.s32 s10, s1;
	s9 =	smax.u32 s11, $0x1  }
0x10: {  	s11 =	sshrl.u32 @p0 s12, $0x3;
	s1 =	simm.s32 $0x1;
	s2 =	sadd.s32 s2, s0  }
0x11: {  	[dreg:$0x4] =	wrdreg s5;
	s5 =	sshrl.u32 s24, $0x3;
	s0 =	sadd.s32 $0x35700, s0  }
0x12: {  	s8 =	sadd.s32 $0x24900, s26;
	s24 =	simm.s32 $0x480;
	s26 =	simm.s32 $0x580  }
0x13: {  	[dreg:$0x5] =	wrdreg s0;
	s25 =	sadd.s32 s10, s5;
	s10 =	sadd.s32 $0x6E00, s2  }
0x14: {  	s0 =	sshll.u32 @!p0 s13, $0x6;
	s13 =	sshrl.u32 @!p0 s6, $0x3;
	[dreg:$0x6] =	wrdreg s25  }
0x15: {  	s12 =	sor.u32 @!p0 $0x1C02, s0;
	s25 =	simm.s32 $0x500;
	s0 =	simm.s32 $0x0  }
.LBB2_1:
0x16: {  	s2 =	simm.s32 @p0 $0x1FC2;
	s5 =	rddreg [dreg:$0x5]  }
0x17: {  	[spmem:s11], [sflag:s2] =	dma.local @p0 [hbm:s5], $0x2800  }
0x18: {  	s2 =	simm.s32 @p0 $0x2  }
0x19: {  	_ =	swait.ge @p0 [sflag:s2], $0x2800  }
0x1a: {  	[sflag:s2] =	ssyncset.done @p0 $0x0  }
0x1b: {  	[sflag:s2] =	ssyncadd.s32 @p0 $0xFFFFD800;
	s2 =	rddreg [dreg:$0x4]  }
0x1c: {  	[spmem:s13], [sflag:s12] =	dma.local @!p0 [hbm:s2], $0x2700  }
0x1d: {  	s2 =	simm.s32 @!p0 $0x2  }
0x1e: {  	_ =	swait.ge @!p0 [sflag:s2], $0x2700  }
0x1f: {  	[sflag:s2] =	ssyncset.done @!p0 $0x0  }
0x20: {  	[sflag:s2] =	ssyncadd.s32 @!p0 $0xFFFFD900  }
0x21: {  	s2 =	rddreg [dreg:$0x1]  }
0x22: {  	[tilespmem:s14], [sflag:$0x2] =	stream.linear.gather [hbm4b:s2+s4], $0x4000, $0x38;
	[tilespmem:$0x18080] =	vst v63  }
0x23: {  	_ =	swait.ge [sflag:s15], $0x4000  }
0x24: {  	[sflag:s15] =	ssyncset.done $0x0  }
0x25: {  	[sflag:s15] =	ssyncadd.s32 $0xFFFFC000  }
0x26: {  	s7 =	sadd.s32 $0x0, s10;
	[bflag:$0x0] =	sbarrier.arrive $0xFFFF  }
0x27: {  	[tilespmem:s4], [sflag:$0x2] =	stream.linear.gather [hbm4b:s7+s4], $0x800, $0x38;
	[tilespmem:$0x18080] =	vst v63  }
0x28: {  	_ =	swait.ge [sflag:s15], $0x800  }
0x29: {  	[sflag:s15] =	ssyncset.done $0x0  }
0x2a: {  	[sflag:s15] =	ssyncadd.s32 $0xFFFFF800  }
0x2b: {  	[spmem:s3] =	stream.indirect.scatter.add.f32 [tilespmem:s14], [sflag:$0x1], $0x80, s4, s16, $0xb8;
	[tilespmem:$0x18080] =	vst v63  }
0x2c: {  	_ = 	snop  }
0x2d: {  	[spmem:s3] =	stream.indirect.scatter.add.f32 [tilespmem:s14], [sflag:$0x1], $0x80, s16, s16, $0xb8;
	[tilespmem:$0x18080] =	vst v63  }
0x2e: {  	_ = 	snop  }
0x2f: {  	[spmem:s3] =	stream.indirect.scatter.add.f32 [tilespmem:s14], [sflag:$0x1], $0x80, s17, s16, $0xb8;
	[tilespmem:$0x18080] =	vst v63  }
0x30: {  	_ = 	snop  }
0x31: {  	[spmem:s3] =	stream.indirect.scatter.add.f32 [tilespmem:s14], [sflag:$0x1], $0x80, s18, s16, $0xb8;
	[tilespmem:$0x18080] =	vst v63  }
0x32: {  	_ = 	snop  }
0x33: {  	[spmem:s3] =	stream.indirect.scatter.add.f32 [tilespmem:s14], [sflag:$0x1], $0x80, s19, s16, $0xb8;
	[tilespmem:$0x18080] =	vst v63  }
0x34: {  	_ = 	snop  }
0x35: {  	[spmem:s3] =	stream.indirect.scatter.add.f32 [tilespmem:s14], [sflag:$0x1], $0x80, s20, s16, $0xb8;
	[tilespmem:$0x18080] =	vst v63  }
0x36: {  	_ = 	snop  }
0x37: {  	[spmem:s3] =	stream.indirect.scatter.add.f32 [tilespmem:s14], [sflag:$0x1], $0x80, s21, s16, $0xb8;
	[tilespmem:$0x18080] =	vst v63  }
0x38: {  	_ = 	snop  }
0x39: {  	[spmem:s3] =	stream.indirect.scatter.add.f32 [tilespmem:s14], [sflag:$0x1], $0x80, s22, s16, $0xb8;
	[tilespmem:$0x18080] =	vst v63  }
0x3a: {  	_ = 	snop  }
0x3b: {  	[spmem:s3] =	stream.indirect.scatter.add.f32 [tilespmem:s14], [sflag:$0x1], $0x80, s23, s16, $0xb8;
	[tilespmem:$0x18080] =	vst v63  }
0x3c: {  	_ = 	snop  }
0x3d: {  	[spmem:s3] =	stream.indirect.scatter.add.f32 [tilespmem:s14], [sflag:$0x1], $0x80, s24, s16, $0xb8;
	[tilespmem:$0x18080] =	vst v63  }
0x3e: {  	_ = 	snop  }
0x3f: {  	[spmem:s3] =	stream.indirect.scatter.add.f32 [tilespmem:s14], [sflag:$0x1], $0x80, s25, s16, $0xb8;
	[tilespmem:$0x18080] =	vst v63  }
0x40: {  	_ = 	snop  }
0x41: {  	[spmem:s3] =	stream.indirect.scatter.add.f32 [tilespmem:s14], [sflag:$0x1], $0x80, s26, s16, $0xb8;
	[tilespmem:$0x18080] =	vst v63  }
0x42: {  	_ = 	snop  }
0x43: {  	[spmem:s3] =	stream.indirect.scatter.add.f32 [tilespmem:s14], [sflag:$0x1], $0x80, s28, s16, $0xb8;
	[tilespmem:$0x18080] =	vst v63  }
0x44: {  	_ = 	snop  }
0x45: {  	[spmem:s3] =	stream.indirect.scatter.add.f32 [tilespmem:s14], [sflag:$0x1], $0x80, s29, s16, $0xb8;
	[tilespmem:$0x18080] =	vst v63  }
0x46: {  	_ = 	snop  }
0x47: {  	[spmem:s3] =	stream.indirect.scatter.add.f32 [tilespmem:s14], [sflag:$0x1], $0x80, s30, s16, $0xb8;
	[tilespmem:$0x18080] =	vst v63  }
0x48: {  	_ = 	snop  }
0x49: {  	[spmem:s3] =	stream.indirect.scatter.add.f32 [tilespmem:s14], [sflag:$0x1], $0x80, s31, s16, $0xb8;
	[tilespmem:$0x18080] =	vst v63  }
0x4a: {  	_ =	swait.ge [sflag:s1], $0x4000  }
0x4b: {  	[sflag:s1] =	ssyncset.done $0x0  }
0x4c: {  	[sflag:s1] =	ssyncadd.s32 $0xFFFFC000  }
0x4d: {  	_ =	swait.ge [sflag:s1], $0x4000  }
0x4e: {  	[sflag:s1] =	ssyncset.done $0x0  }
0x4f: {  	[sflag:s1] =	ssyncadd.s32 $0xFFFFC000  }
0x50: {  	_ =	swait.ge [sflag:s1], $0x4000  }
0x51: {  	[sflag:s1] =	ssyncset.done $0x0  }
0x52: {  	[sflag:s1] =	ssyncadd.s32 $0xFFFFC000  }
0x53: {  	_ =	swait.ge [sflag:s1], $0x4000  }
0x54: {  	[sflag:s1] =	ssyncset.done $0x0  }
0x55: {  	[sflag:s1] =	ssyncadd.s32 $0xFFFFC000  }
0x56: {  	_ =	swait.ge [sflag:s1], $0x4000  }
0x57: {  	[sflag:s1] =	ssyncset.done $0x0  }
0x58: {  	[sflag:s1] =	ssyncadd.s32 $0xFFFFC000  }
0x59: {  	_ =	swait.ge [sflag:s1], $0x4000  }
0x5a: {  	[sflag:s1] =	ssyncset.done $0x0  }
0x5b: {  	[sflag:s1] =	ssyncadd.s32 $0xFFFFC000  }
0x5c: {  	_ =	swait.ge [sflag:s1], $0x4000  }
0x5d: {  	[sflag:s1] =	ssyncset.done $0x0  }
0x5e: {  	[sflag:s1] =	ssyncadd.s32 $0xFFFFC000  }
0x5f: {  	_ =	swait.ge [sflag:s1], $0x4000  }
0x60: {  	[sflag:s1] =	ssyncset.done $0x0  }
0x61: {  	[sflag:s1] =	ssyncadd.s32 $0xFFFFC000  }
0x62: {  	_ =	swait.ge [sflag:s1], $0x4000  }
0x63: {  	[sflag:s1] =	ssyncset.done $0x0  }
0x64: {  	[sflag:s1] =	ssyncadd.s32 $0xFFFFC000  }
0x65: {  	_ =	swait.ge [sflag:s1], $0x4000  }
0x66: {  	[sflag:s1] =	ssyncset.done $0x0  }
0x67: {  	[sflag:s1] =	ssyncadd.s32 $0xFFFFC000  }
0x68: {  	_ =	swait.ge [sflag:s1], $0x4000  }
0x69: {  	[sflag:s1] =	ssyncset.done $0x0  }
0x6a: {  	[sflag:s1] =	ssyncadd.s32 $0xFFFFC000  }
0x6b: {  	_ =	swait.ge [sflag:s1], $0x4000  }
0x6c: {  	[sflag:s1] =	ssyncset.done $0x0  }
0x6d: {  	[sflag:s1] =	ssyncadd.s32 $0xFFFFC000  }
0x6e: {  	_ =	swait.ge [sflag:s1], $0x4000  }
0x6f: {  	[sflag:s1] =	ssyncset.done $0x0  }
0x70: {  	[sflag:s1] =	ssyncadd.s32 $0xFFFFC000  }
0x71: {  	_ =	swait.ge [sflag:s1], $0x4000  }
0x72: {  	[sflag:s1] =	ssyncset.done $0x0  }
0x73: {  	[sflag:s1] =	ssyncadd.s32 $0xFFFFC000  }
0x74: {  	_ =	swait.ge [sflag:s1], $0x4000  }
0x75: {  	[sflag:s1] =	ssyncset.done $0x0  }
0x76: {  	[sflag:s1] =	ssyncadd.s32 $0xFFFFC000  }
0x77: {  	_ =	swait.ge [sflag:s1], $0x4000  }
0x78: {  	s5 =	simm.s32 $0x200;
	s2 =	simm.s32 $0x100;
	[sflag:s1] =	ssyncset.done $0x0  }
.LBB2_2:
0x79: {  	s7 =	sadd.s32 s2, s10  }
0x7a: {  	[sflag:s1] =	ssyncadd.s32 $0xFFFFC000;
	s2 =	smov.u32 s5;
	s6 =	sadd.s32 $0x100, s5  }
0x7b: {  	[tilespmem:s4], [sflag:$0x2] =	stream.linear.gather [hbm4b:s7+s4], $0x800, $0x38;
	[tilespmem:$0x18080] =	vst v63  }
0x7c: {  	p1 =	sne.s32 s5, $0x400;
	_ =	swait.ge [sflag:s15], $0x800  }
0x7d: {  	[sflag:s15] =	ssyncset.done $0x0  }
0x7e: {  	[sflag:s15] =	ssyncadd.s32 $0xFFFFF800  }
0x7f: {  	[spmem:s3] =	stream.indirect.scatter.add.f32 [tilespmem:s14], [sflag:$0x1], $0x80, s4, s16, $0xb8;
	[tilespmem:$0x18080] =	vst v63  }
0x80: {  	_ = 	snop  }
0x81: {  	[spmem:s3] =	stream.indirect.scatter.add.f32 [tilespmem:s14], [sflag:$0x1], $0x80, s16, s16, $0xb8;
	[tilespmem:$0x18080] =	vst v63  }
0x82: {  	_ = 	snop  }
0x83: {  	[spmem:s3] =	stream.indirect.scatter.add.f32 [tilespmem:s14], [sflag:$0x1], $0x80, s17, s16, $0xb8;
	[tilespmem:$0x18080] =	vst v63  }
0x84: {  	_ = 	snop  }
0x85: {  	[spmem:s3] =	stream.indirect.scatter.add.f32 [tilespmem:s14], [sflag:$0x1], $0x80, s18, s16, $0xb8;
	[tilespmem:$0x18080] =	vst v63  }
0x86: {  	_ = 	snop  }
0x87: {  	[spmem:s3] =	stream.indirect.scatter.add.f32 [tilespmem:s14], [sflag:$0x1], $0x80, s19, s16, $0xb8;
	[tilespmem:$0x18080] =	vst v63  }
0x88: {  	_ = 	snop  }
0x89: {  	[spmem:s3] =	stream.indirect.scatter.add.f32 [tilespmem:s14], [sflag:$0x1], $0x80, s20, s16, $0xb8;
	[tilespmem:$0x18080] =	vst v63  }
0x8a: {  	_ = 	snop  }
0x8b: {  	[spmem:s3] =	stream.indirect.scatter.add.f32 [tilespmem:s14], [sflag:$0x1], $0x80, s21, s16, $0xb8;
	[tilespmem:$0x18080] =	vst v63  }
0x8c: {  	_ = 	snop  }
0x8d: {  	[spmem:s3] =	stream.indirect.scatter.add.f32 [tilespmem:s14], [sflag:$0x1], $0x80, s22, s16, $0xb8;
	[tilespmem:$0x18080] =	vst v63  }
0x8e: {  	_ = 	snop  }
0x8f: {  	[spmem:s3] =	stream.indirect.scatter.add.f32 [tilespmem:s14], [sflag:$0x1], $0x80, s23, s16, $0xb8;
	[tilespmem:$0x18080] =	vst v63  }
0x90: {  	_ = 	snop  }
0x91: {  	[spmem:s3] =	stream.indirect.scatter.add.f32 [tilespmem:s14], [sflag:$0x1], $0x80, s24, s16, $0xb8;
	[tilespmem:$0x18080] =	vst v63  }
0x92: {  	_ = 	snop  }
0x93: {  	[spmem:s3] =	stream.indirect.scatter.add.f32 [tilespmem:s14], [sflag:$0x1], $0x80, s25, s16, $0xb8;
	[tilespmem:$0x18080] =	vst v63  }
0x94: {  	_ = 	snop  }
0x95: {  	[spmem:s3] =	stream.indirect.scatter.add.f32 [tilespmem:s14], [sflag:$0x1], $0x80, s26, s16, $0xb8;
	[tilespmem:$0x18080] =	vst v63  }
0x96: {  	_ = 	snop  }
0x97: {  	[spmem:s3] =	stream.indirect.scatter.add.f32 [tilespmem:s14], [sflag:$0x1], $0x80, s28, s16, $0xb8;
	[tilespmem:$0x18080] =	vst v63  }
0x98: {  	_ = 	snop  }
0x99: {  	[spmem:s3] =	stream.indirect.scatter.add.f32 [tilespmem:s14], [sflag:$0x1], $0x80, s29, s16, $0xb8;
	[tilespmem:$0x18080] =	vst v63  }
0x9a: {  	_ = 	snop  }
0x9b: {  	[spmem:s3] =	stream.indirect.scatter.add.f32 [tilespmem:s14], [sflag:$0x1], $0x80, s30, s16, $0xb8;
	[tilespmem:$0x18080] =	vst v63  }
0x9c: {  	_ = 	snop  }
0x9d: {  	[spmem:s3] =	stream.indirect.scatter.add.f32 [tilespmem:s14], [sflag:$0x1], $0x80, s31, s16, $0xb8;
	[tilespmem:$0x18080] =	vst v63  }
0x9e: {  	_ =	swait.ge [sflag:s1], $0x4000  }
0x9f: {  	[sflag:s1] =	ssyncset.done $0x0  }
0xa0: {  	[sflag:s1] =	ssyncadd.s32 $0xFFFFC000  }
0xa1: {  	_ =	swait.ge [sflag:s1], $0x4000  }
0xa2: {  	[sflag:s1] =	ssyncset.done $0x0  }
0xa3: {  	[sflag:s1] =	ssyncadd.s32 $0xFFFFC000  }
0xa4: {  	_ =	swait.ge [sflag:s1], $0x4000  }
0xa5: {  	[sflag:s1] =	ssyncset.done $0x0  }
0xa6: {  	[sflag:s1] =	ssyncadd.s32 $0xFFFFC000  }
0xa7: {  	_ =	swait.ge [sflag:s1], $0x4000  }
0xa8: {  	[sflag:s1] =	ssyncset.done $0x0  }
0xa9: {  	[sflag:s1] =	ssyncadd.s32 $0xFFFFC000  }
0xaa: {  	_ =	swait.ge [sflag:s1], $0x4000  }
0xab: {  	[sflag:s1] =	ssyncset.done $0x0  }
0xac: {  	[sflag:s1] =	ssyncadd.s32 $0xFFFFC000  }
0xad: {  	_ =	swait.ge [sflag:s1], $0x4000  }
0xae: {  	[sflag:s1] =	ssyncset.done $0x0  }
0xaf: {  	[sflag:s1] =	ssyncadd.s32 $0xFFFFC000  }
0xb0: {  	_ =	swait.ge [sflag:s1], $0x4000  }
0xb1: {  	[sflag:s1] =	ssyncset.done $0x0  }
0xb2: {  	[sflag:s1] =	ssyncadd.s32 $0xFFFFC000  }
0xb3: {  	_ =	swait.ge [sflag:s1], $0x4000  }
0xb4: {  	[sflag:s1] =	ssyncset.done $0x0  }
0xb5: {  	[sflag:s1] =	ssyncadd.s32 $0xFFFFC000  }
0xb6: {  	_ =	swait.ge [sflag:s1], $0x4000  }
0xb7: {  	[sflag:s1] =	ssyncset.done $0x0  }
0xb8: {  	[sflag:s1] =	ssyncadd.s32 $0xFFFFC000  }
0xb9: {  	_ =	swait.ge [sflag:s1], $0x4000  }
0xba: {  	[sflag:s1] =	ssyncset.done $0x0  }
0xbb: {  	[sflag:s1] =	ssyncadd.s32 $0xFFFFC000  }
0xbc: {  	_ =	swait.ge [sflag:s1], $0x4000  }
0xbd: {  	[sflag:s1] =	ssyncset.done $0x0  }
0xbe: {  	[sflag:s1] =	ssyncadd.s32 $0xFFFFC000  }
0xbf: {  	_ =	swait.ge [sflag:s1], $0x4000  }
0xc0: {  	[sflag:s1] =	ssyncset.done $0x0  }
0xc1: {  	[sflag:s1] =	ssyncadd.s32 $0xFFFFC000  }
0xc2: {  	_ =	swait.ge [sflag:s1], $0x4000  }
0xc3: {  	[sflag:s1] =	ssyncset.done $0x0  }
0xc4: {  	[sflag:s1] =	ssyncadd.s32 $0xFFFFC000  }
0xc5: {  	_ =	swait.ge [sflag:s1], $0x4000  }
0xc6: {  	[sflag:s1] =	ssyncset.done $0x0  }
0xc7: {  	[sflag:s1] =	ssyncadd.s32 $0xFFFFC000  }
.Ltmp0:
0xc8: {  	_ =	swait.ge [sflag:s1], $0x4000;
	(pc) =	sbr.rel @p1 .LBB2_2-.Ltmp0, $4  }
0xc9: {  	[sflag:s1] =	ssyncset.done $0x0  }
0xca: {  	[sflag:s1] =	ssyncadd.s32 $0xFFFFC000  }
0xcb: {  	_ =	swait.ge [sflag:s1], $0x4000  }
0xcc: {  	s5 =	smov.u32 s6;
	[sflag:s1] =	ssyncset.done $0x0  }
0xcd: {  	s2 =	sadd.s32 s2, s10;
	[sflag:s1] =	ssyncadd.s32 $0xFFFFC000  }
0xce: {  	[tilespmem:s4], [sflag:$0x2] =	stream.linear.gather [hbm4b:s2+s4], $0x800, $0x38;
	[tilespmem:$0x18080] =	vst v63  }
0xcf: {  	_ =	swait.ge [sflag:s15], $0x800  }
0xd0: {  	[sflag:s15] =	ssyncset.done $0x0  }
0xd1: {  	[sflag:s15] =	ssyncadd.s32 $0xFFFFF800  }
0xd2: {  	[spmem:s3] =	stream.indirect.scatter.add.f32 [tilespmem:s14], [sflag:$0x1], $0x80, s4, s16, $0xb8;
	[tilespmem:$0x18080] =	vst v63  }
0xd3: {  	_ = 	snop  }
0xd4: {  	[spmem:s3] =	stream.indirect.scatter.add.f32 [tilespmem:s14], [sflag:$0x1], $0x80, s16, s16, $0xb8;
	[tilespmem:$0x18080] =	vst v63  }
0xd5: {  	_ = 	snop  }
0xd6: {  	[spmem:s3] =	stream.indirect.scatter.add.f32 [tilespmem:s14], [sflag:$0x1], $0x80, s17, s16, $0xb8;
	[tilespmem:$0x18080] =	vst v63  }
0xd7: {  	_ = 	snop  }
0xd8: {  	[spmem:s3] =	stream.indirect.scatter.add.f32 [tilespmem:s14], [sflag:$0x1], $0x80, s18, s16, $0xb8;
	[tilespmem:$0x18080] =	vst v63  }
0xd9: {  	_ = 	snop  }
0xda: {  	[spmem:s3] =	stream.indirect.scatter.add.f32 [tilespmem:s14], [sflag:$0x1], $0x80, s19, s16, $0xb8;
	[tilespmem:$0x18080] =	vst v63  }
0xdb: {  	_ = 	snop  }
0xdc: {  	[spmem:s3] =	stream.indirect.scatter.add.f32 [tilespmem:s14], [sflag:$0x1], $0x80, s20, s16, $0xb8;
	[tilespmem:$0x18080] =	vst v63  }
0xdd: {  	_ = 	snop  }
0xde: {  	[spmem:s3] =	stream.indirect.scatter.add.f32 [tilespmem:s14], [sflag:$0x1], $0x80, s21, s16, $0xb8;
	[tilespmem:$0x18080] =	vst v63  }
0xdf: {  	_ = 	snop  }
0xe0: {  	[spmem:s3] =	stream.indirect.scatter.add.f32 [tilespmem:s14], [sflag:$0x1], $0x80, s22, s16, $0xb8;
	[tilespmem:$0x18080] =	vst v63  }
0xe1: {  	_ = 	snop  }
0xe2: {  	[spmem:s3] =	stream.indirect.scatter.add.f32 [tilespmem:s14], [sflag:$0x1], $0x80, s23, s16, $0xb8;
	[tilespmem:$0x18080] =	vst v63  }
0xe3: {  	_ = 	snop  }
0xe4: {  	[spmem:s3] =	stream.indirect.scatter.add.f32 [tilespmem:s14], [sflag:$0x1], $0x80, s24, s16, $0xb8;
	[tilespmem:$0x18080] =	vst v63  }
0xe5: {  	_ = 	snop  }
0xe6: {  	[spmem:s3] =	stream.indirect.scatter.add.f32 [tilespmem:s14], [sflag:$0x1], $0x80, s25, s16, $0xb8;
	[tilespmem:$0x18080] =	vst v63  }
0xe7: {  	_ = 	snop  }
0xe8: {  	[spmem:s3] =	stream.indirect.scatter.add.f32 [tilespmem:s14], [sflag:$0x1], $0x80, s26, s16, $0xb8;
	[tilespmem:$0x18080] =	vst v63  }
0xe9: {  	_ = 	snop  }
0xea: {  	[spmem:s3] =	stream.indirect.scatter.add.f32 [tilespmem:s14], [sflag:$0x1], $0x80, s28, s16, $0xb8;
	[tilespmem:$0x18080] =	vst v63  }
0xeb: {  	_ = 	snop  }
0xec: {  	[spmem:s3] =	stream.indirect.scatter.add.f32 [tilespmem:s14], [sflag:$0x1], $0x80, s29, s16, $0xb8;
	[tilespmem:$0x18080] =	vst v63  }
0xed: {  	_ = 	snop  }
0xee: {  	[spmem:s3] =	stream.indirect.scatter.add.f32 [tilespmem:s14], [sflag:$0x1], $0x80, s30, s16, $0xb8;
	[tilespmem:$0x18080] =	vst v63  }
0xef: {  	_ = 	snop  }
0xf0: {  	[spmem:s3] =	stream.indirect.scatter.add.f32 [tilespmem:s14], [sflag:$0x1], $0x80, s31, s16, $0xb8;
	[tilespmem:$0x18080] =	vst v63  }
0xf1: {  	_ =	swait.ge [sflag:s1], $0x4000  }
0xf2: {  	[sflag:s1] =	ssyncset.done $0x0  }
0xf3: {  	[sflag:s1] =	ssyncadd.s32 $0xFFFFC000  }
0xf4: {  	_ =	swait.ge [sflag:s1], $0x4000  }
0xf5: {  	[sflag:s1] =	ssyncset.done $0x0  }
0xf6: {  	[sflag:s1] =	ssyncadd.s32 $0xFFFFC000  }
0xf7: {  	_ =	swait.ge [sflag:s1], $0x4000  }
0xf8: {  	[sflag:s1] =	ssyncset.done $0x0  }
0xf9: {  	[sflag:s1] =	ssyncadd.s32 $0xFFFFC000  }
0xfa: {  	_ =	swait.ge [sflag:s1], $0x4000  }
0xfb: {  	[sflag:s1] =	ssyncset.done $0x0  }
0xfc: {  	[sflag:s1] =	ssyncadd.s32 $0xFFFFC000  }
0xfd: {  	_ =	swait.ge [sflag:s1], $0x4000  }
0xfe: {  	[sflag:s1] =	ssyncset.done $0x0  }
0xff: {  	[sflag:s1] =	ssyncadd.s32 $0xFFFFC000  }
0x100: {  	_ =	swait.ge [sflag:s1], $0x4000  }
0x101: {  	[sflag:s1] =	ssyncset.done $0x0  }
0x102: {  	[sflag:s1] =	ssyncadd.s32 $0xFFFFC000  }
0x103: {  	_ =	swait.ge [sflag:s1], $0x4000  }
0x104: {  	[sflag:s1] =	ssyncset.done $0x0  }
0x105: {  	[sflag:s1] =	ssyncadd.s32 $0xFFFFC000  }
0x106: {  	_ =	swait.ge [sflag:s1], $0x4000  }
0x107: {  	[sflag:s1] =	ssyncset.done $0x0  }
0x108: {  	[sflag:s1] =	ssyncadd.s32 $0xFFFFC000  }
0x109: {  	_ =	swait.ge [sflag:s1], $0x4000  }
0x10a: {  	[sflag:s1] =	ssyncset.done $0x0  }
0x10b: {  	[sflag:s1] =	ssyncadd.s32 $0xFFFFC000  }
0x10c: {  	_ =	swait.ge [sflag:s1], $0x4000  }
0x10d: {  	[sflag:s1] =	ssyncset.done $0x0  }
0x10e: {  	[sflag:s1] =	ssyncadd.s32 $0xFFFFC000  }
0x10f: {  	_ =	swait.ge [sflag:s1], $0x4000  }
0x110: {  	[sflag:s1] =	ssyncset.done $0x0  }
0x111: {  	[sflag:s1] =	ssyncadd.s32 $0xFFFFC000  }
0x112: {  	_ =	swait.ge [sflag:s1], $0x4000  }
0x113: {  	[sflag:s1] =	ssyncset.done $0x0  }
0x114: {  	[sflag:s1] =	ssyncadd.s32 $0xFFFFC000  }
0x115: {  	_ =	swait.ge [sflag:s1], $0x4000  }
0x116: {  	[sflag:s1] =	ssyncset.done $0x0  }
0x117: {  	[sflag:s1] =	ssyncadd.s32 $0xFFFFC000  }
0x118: {  	_ =	swait.ge [sflag:s1], $0x4000  }
0x119: {  	[sflag:s1] =	ssyncset.done $0x0  }
0x11a: {  	[sflag:s1] =	ssyncadd.s32 $0xFFFFC000  }
0x11b: {  	_ =	swait.ge [sflag:s1], $0x4000  }
0x11c: {  	[sflag:s1] =	ssyncset.done $0x0  }
0x11d: {  	[sflag:s1] =	ssyncadd.s32 $0xFFFFC000  }
0x11e: {  	_ =	swait.ge [sflag:s1], $0x4000  }
0x11f: {  	[sflag:s1] =	ssyncset.done $0x0  }
0x120: {  	[sflag:s1] =	ssyncadd.s32 $0xFFFFC000  }
0x121: {  	s2 =	simm.s32 @p0 $0x1FC2;
	[bflag:$0x0] =	sbarrier.arrive $0xFFFF  }
0x122: {  	[hbm:s8], [sflag:s2] =	dma.local @p0 [spmem:s11], $0x2800  }
0x123: {  	s2 =	simm.s32 @p0 $0x2  }
0x124: {  	_ =	swait.ge @p0 [sflag:s2], $0x2800  }
0x125: {  	s0 =	sadd.s32 $0x1, s0;
	[sflag:s2] =	ssyncset.done @p0 $0x0  }
0x126: {  	p1 =	sne.s32 s0, s9;
	[sflag:s2] =	ssyncadd.s32 @p0 $0xFFFFD800;
	s2 =	rddreg [dreg:$0x6]  }
0x127: {  	[hbm:s2], [sflag:s12] =	dma.local @!p0 [spmem:s13], $0x2700  }
.Ltmp1:
0x128: {  	_ = 	snop;
	(pc) =	sbr.rel @p1 .LBB2_1-.Ltmp1, $4  }
0x129: {  	s2 =	simm.s32 @!p0 $0x2  }
0x12a: {  	_ =	swait.ge @!p0 [sflag:s2], $0x2700  }
0x12b: {  	[sflag:s2] =	ssyncset.done @!p0 $0x0  }
0x12c: {  	[sflag:s2] =	ssyncadd.s32 @!p0 $0xFFFFD900  }
0x12d: {  	_ =	sfence.sel $0x180000  }
0x12e: {  	[bflag:$0x0] =	sbarrier.arrive $0xFFFF  }
0x12f: {  	_ =	strace $0x90000047  }
0x130: {  	s0 =	stileid.u32;
	[bflag:$0x2] =	sbarrier.arrive $0xFFFF  }
0x131: {  	p0 =	sne.s32 s0, $0x0;
	s0 =	rddreg [dreg:$0x3]  }
0x132: {  	s0 =	sadd.s32 @!p0 $0x100000, s0  }
0x133: {  	[sflag:s0] =	ssyncadd.tile.s32 @!p0 $0x1;
	_ =	shalt  }
.Lfunc_end2:
_tile_overlayer_lowered:
.L_overlay_start_2:
0x134: {  	(tag) =	ssettag $0x2  }
0x135: {  	s0 =	rddreg [dreg:$0x0];
	s2 =	stileid.u32  }
0x136: {  	s1 =	rddreg [dreg:$0x1];
	p0 =	sne.s32 s2, $0x0  }
0x137: {  	s3 =	rddreg [dreg:$0x2];
	[bflag:$0x3] =	sbarrier.arrive $0xFFFF;
	s2 =	simm.s32 @!p0 $0x1C02  }
0x138: {  	[timem:s3], [sflag:s2] =	dma.local @!p0 [hbm:s0], s1  }
0x139: {  	s0 =	simm.s32 @!p0 $0x2  }
0x13a: {  	_ =	swait.ge @!p0 [sflag:s0], s1  }
0x13b: {  	s1 =	ssub.s32 @!p0 $0x0, s1;
	[sflag:s0] =	ssyncset.done @!p0 $0x0  }
0x13c: {  	[sflag:s0] =	ssyncadd.s32 @!p0 s1  }
0x13d: {  	[bflag:$0x3] =	sbarrier.arrive $0xFFFF  }
0x13e: {  	_ =	shalt  }

</sc_bundles>
